<compile_context>
chip_gen: v7x
topology: tpu7x:2x2x1
jax: 0.10.2.dev20260603
libtpu: 0.0.44.dev20260713+nightly
codegen_flags: <defaults>
</compile_context>

<pallas_src>
import functools

import jax
import jax.numpy as jnp
import numpy as np
from jax import lax
from jax.experimental import pallas as pl
from jax.experimental.pallas import tpu as pltpu
from jax.experimental.pallas import tpu_sc as plsc

_SCALE_RANGES = ((1, 96), (48, 192), (96, 384), (192, 768), (384, 2048))
_FPN_SIZE = (40, 36, 24, 16, 12)
_IMG = 512
_SIG = 0.1
_NOBJ = 32
_MPB = 8

_NCELL = sum(s * s for s in _FPN_SIZE)
_NCHUNK_IMG = _NCELL // 16
_NCHUNK = 4 * _NCHUNK_IMG
_NWORK = 32
_CPW = 31
_NOUT = _NWORK * _CPW * 16

_LVL_CHUNK_BASE = tuple(np.cumsum([0] + [s * s // 16 for s in _FPN_SIZE[:-1]]).tolist())
_RTAB = np.concatenate(
    [np.repeat(np.arange(s), s) for s in _FPN_SIZE]).astype(np.float32)
_CTAB = np.concatenate(
    [np.tile(np.arange(s), s) for s in _FPN_SIZE]).astype(np.float32)


def _stats_body(mask_ref, boxes_ref, labels_ref, tab_ref, acc_ref):
    si = lax.broadcasted_iota(jnp.int32, (8, _IMG), 0)
    ki = lax.broadcasted_iota(jnp.int32, (8, _IMG), 1)
    w = jnp.where(si == 0, 1,
                  jnp.where(si == 1, ki & ~1,
                            jnp.where(si == 2, ki & 1, 0))).astype(jnp.float32)
    ci = lax.broadcasted_iota(jnp.int32, (1, _IMG), 1)
    lane = lax.broadcasted_iota(jnp.int32, (8, 128), 1)
    row = lax.broadcasted_iota(jnp.int32, (8, 128), 0)
    o_step = pl.program_id(1)
    o_base = o_step * _MPB
    acc = acc_ref[...]
    for j in range(_MPB):
        m = mask_ref[0, j]
        ind = jnp.where(m != 0.0, jnp.float32(1.0), jnp.float32(0.0))
        r = lax.dot_general(w, ind, (((1,), (0,)), ((), ())),
                            preferred_element_type=jnp.float32)
        per_col = r[0:1, :].astype(jnp.int32)
        count = jnp.sum(per_col)
        colsum = jnp.sum(per_col * ci)
        rowsum = (jnp.sum(r[1:2, :].astype(jnp.int32))
                  + jnp.sum(r[2:3, :].astype(jnp.int32)))
        hit = lane == o_base + j
        acc = jnp.where(hit & (row == 0), count,
                        jnp.where(hit & (row == 1), rowsum,
                                  jnp.where(hit & (row == 2), colsum, acc)))
    acc_ref[...] = acc

    @pl.when(o_step == pl.num_programs(1) - 1)
    def _finalize():
        cnt = acc[0:1, :]
        rsum = acc[1:2, :]
        csum = acc[2:3, :]
        b = boxes_ref[0]
        x1, y1, x2, y2 = b[0:1, :], b[1:2, :], b[2:3, :], b[3:4, :]
        labs = labels_ref[0].astype(jnp.float32)
        one = jnp.float32(1.0)
        hl = y2 - y1 + one
        wl = x2 - x1 + one
        area = jnp.sqrt(hl * wl)
        safe = jnp.maximum(cnt.astype(jnp.float32), one)
        has = cnt > 0
        half = jnp.float32(0.5)
        y_mean = jnp.where(has, rsum.astype(jnp.float32) / safe, half * (y1 + y2))
        x_mean = jnp.where(has, csum.astype(jnp.float32) / safe, half * (x1 + x2))
        sig = jnp.float32(_SIG)
        lim = jnp.float32(_IMG - 1)
        zero = jnp.float32(0.0)
        left = jnp.clip(x_mean - sig * wl, zero, lim)
        right = jnp.clip(x_mean + sig * wl, zero, lim)
        top = jnp.clip(y_mean - sig * hl, zero, lim)
        bot = jnp.clip(y_mean + sig * hl, zero, lim)
        inf = jnp.float32(jnp.inf)
        rowi = lax.broadcasted_iota(jnp.int32, (32, 128), 0)
        tab = jnp.zeros((32, 128), jnp.float32)
        for i, s in enumerate(_FPN_SIZE):
            scale = jnp.float32(_IMG / s)
            lo, hi = _SCALE_RANGES[i]
            in_r = (area >= jnp.float32(lo)) & (area <= jnp.float32(hi))
            smax = jnp.float32(s - 1)
            p_l = jnp.clip(jnp.floor(left / scale), zero, smax)
            p_r = jnp.clip(jnp.floor(right / scale), zero, smax)
            p_t = jnp.clip(jnp.floor(top / scale), zero, smax)
            p_b = jnp.clip(jnp.floor(bot / scale), zero, smax)
            keyv = jnp.where(in_r, area, inf)
            tab = jnp.where(rowi == 4 * i + 0, p_l, tab)
            tab = jnp.where(rowi == 4 * i + 1, p_r, tab)
            tab = jnp.where(rowi == 4 * i + 2, p_t, tab)
            tab = jnp.where(rowi == 4 * i + 3, p_b, tab)
            tab = jnp.where(rowi == 20 + i, keyv, tab)
        tab = jnp.where(rowi == 25, labs, tab)
        tab_ref[0] = tab


def _sc_assign(tab_hbm, rtab_hbm, ctab_hbm, cat_hbm, pt_hbm,
               tab_v, rtab_v, ctab_v, cat_st, pt_st):
    wid = lax.axis_index("s") * 2 + lax.axis_index("c")
    pltpu.sync_copy(tab_hbm, tab_v)
    pltpu.sync_copy(rtab_hbm, rtab_v)
    pltpu.sync_copy(ctab_hbm, ctab_v)
    inf = jnp.float32(jnp.inf)
    base_chunk = wid * _CPW

    def chunk_body(t, carry):
        g = jnp.minimum(base_chunk + t, _NCHUNK - 1)
        img = g // _NCHUNK_IMG
        cib = g % _NCHUNK_IMG
        lvl = ((cib >= _LVL_CHUNK_BASE[1]).astype(jnp.int32)
               + (cib >= _LVL_CHUNK_BASE[2]).astype(jnp.int32)
               + (cib >= _LVL_CHUNK_BASE[3]).astype(jnp.int32)
               + (cib >= _LVL_CHUNK_BASE[4]).astype(jnp.int32))
        rf = rtab_v[pl.ds(cib * 16, 16)]
        cf = ctab_v[pl.ds(cib * 16, 16)]
        tbase = img * 4096 + lvl * 4 * 128
        kbase = img * 4096 + (20 + lvl) * 128
        lbase = img * 4096 + 25 * 128
        quads = []
        for off in (0, 128, 256, 384):
            quads.append((tab_v[pl.ds(tbase + off, 16)],
                          tab_v[pl.ds(tbase + off + 16, 16)]))
        key_lo = tab_v[pl.ds(kbase, 16)]
        key_hi = tab_v[pl.ds(kbase + 16, 16)]
        lab_lo = tab_v[pl.ds(lbase, 16)]
        lab_hi = tab_v[pl.ds(lbase + 16, 16)]
        best = jnp.full((16,), inf, jnp.float32)
        bpt = jnp.full((16,), -1, jnp.int32)
        bcat = jnp.zeros((16,), jnp.int32)
        for o in range(_NOBJ):
            half_idx = o % 16

            def pick(lo, hi):
                v = lo if o < 16 else hi
                s1 = lax.slice(v, (half_idx,), (half_idx + 1,))
                return jnp.broadcast_to(s1, (16,))

            p_l = pick(*quads[0])
            p_r = pick(*quads[1])
            p_t = pick(*quads[2])
            p_b = pick(*quads[3])
            key = pick(key_lo, key_hi)
            lab = pick(lab_lo, lab_hi)
            rect = (rf >= p_t) & (rf <= p_b) & (cf >= p_l) & (cf <= p_r)
            infv = jnp.full((16,), inf, jnp.float32)
            keyrect = jnp.where(rect, key, infv)
            upd = (keyrect <= best) & (keyrect < infv)
            best = jnp.where(upd, keyrect, best)
            bpt = jnp.where(upd, o, bpt)
            bcat = jnp.where(upd, lab.astype(jnp.int32), bcat)
        cat_st[pl.ds(t * 16, 16)] = bcat
        pt_st[pl.ds(t * 16, 16)] = bpt
        return carry

    lax.fori_loop(0, _CPW, chunk_body, 0)
    pltpu.sync_copy(cat_st, cat_hbm.at[pl.ds(base_chunk * 16, _CPW * 16)])
    pltpu.sync_copy(pt_st, pt_hbm.at[pl.ds(base_chunk * 16, _CPW * 16)])


def kernel(boxes, labels, masks):
    n, obj = masks.shape[0], masks.shape[1]
    boxes = jnp.asarray(boxes, dtype=jnp.float32)
    labels = jnp.asarray(labels, dtype=jnp.int32)
    masks = jnp.asarray(masks, dtype=jnp.float32)
    boxes_p = jnp.pad(boxes.transpose(0, 2, 1),
                      ((0, 0), (0, 4), (0, 128 - obj)))
    labels_p = jnp.pad(labels.reshape(n, 1, obj),
                       ((0, 0), (0, 0), (0, 128 - obj)))
    tab = pl.pallas_call(
        _stats_body,
        grid=(n, obj // _MPB),
        in_specs=[
            pl.BlockSpec((1, _MPB, _IMG, _IMG), lambda b, o: (b, o, 0, 0)),
            pl.BlockSpec((1, 8, 128), lambda b, o: (b, 0, 0)),
            pl.BlockSpec((1, 1, 128), lambda b, o: (b, 0, 0)),
        ],
        out_specs=pl.BlockSpec((1, 32, 128), lambda b, o: (b, 0, 0)),
        out_shape=jax.ShapeDtypeStruct((n, 32, 128), jnp.float32),
        scratch_shapes=[pltpu.VMEM((8, 128), jnp.int32)],
    )(masks, boxes_p, labels_p)
    tab_flat = tab.reshape(n * 32 * 128)
    mesh = plsc.VectorSubcoreMesh(core_axis_name="c", subcore_axis_name="s")
    sc = functools.partial(
        pl.kernel,
        mesh=mesh,
        out_type=[
            jax.ShapeDtypeStruct((_NOUT,), jnp.int32),
            jax.ShapeDtypeStruct((_NOUT,), jnp.int32),
        ],
        scratch_types=[
            pltpu.VMEM((n * 32 * 128,), jnp.float32),
            pltpu.VMEM((_NCELL,), jnp.float32),
            pltpu.VMEM((_NCELL,), jnp.float32),
            pltpu.VMEM((_CPW * 16,), jnp.int32),
            pltpu.VMEM((_CPW * 16,), jnp.int32),
        ],
    )(_sc_assign)
    cat_flat, pt_flat = sc(tab_flat, jnp.asarray(_RTAB), jnp.asarray(_CTAB))
    cat = cat_flat[:4 * _NCELL].reshape(n, _NCELL)
    pt = pt_flat[:4 * _NCELL].reshape(n, _NCELL)
    return cat, pt

# --- scband reference (transcript-rebuilt; emitter-appended) ---
"""Pipeline reference for scband-soloassign-50646254354912 (READ-ONLY COPY).

The authoritative reference and input builder live on the scoring server;
editing this copy changes nothing except your own understanding.
"""

import jax, jax.numpy as jnp
import numpy as np

SCALE_RANGES = ((1, 96), (48, 192), (96, 384), (192, 768), (384, 2048))
FPN_SIZE = [40, 36, 24, 16, 12]
SIGMA = 0.1


def _solo_assign(boxes, labels, masks):
    boxes = jnp.asarray(boxes, dtype=jnp.float32)
    labels = jnp.asarray(labels)
    masks = jnp.asarray(masks)
    n = boxes.shape[0]
    obj_num = boxes.shape[1]
    _, img_h, img_w = masks[0].shape
    row_idx = jnp.arange(img_h, dtype=jnp.int32)
    col_idx = jnp.arange(img_w, dtype=jnp.int32)
    cat_batch, point_batch = [], []
    for bn in range(n):
        bc = boxes[bn]
        lc = labels[bn]
        mc = masks[bn]
        x1, y1, x2, y2 = bc[:, 0], bc[:, 1], bc[:, 2], bc[:, 3]
        hl = y2 - y1 + 1.0
        wl = x2 - x1 + 1.0
        gt_areas = jnp.sqrt(hl * wl)
        m = mc != 0
        counts = jnp.sum(m.astype(jnp.int32), axis=(1, 2))
        row_sum = jnp.sum(jnp.where(m, row_idx[None, :, None], 0), axis=(1, 2))
        col_sum = jnp.sum(jnp.where(m, col_idx[None, None, :], 0), axis=(1, 2))
        safe = jnp.maximum(counts.astype(jnp.float32), 1.0)
        y_mean = jnp.where(counts > 0, row_sum.astype(jnp.float32) / safe, 0.5 * (y1 + y2))
        x_mean = jnp.where(counts > 0, col_sum.astype(jnp.float32) / safe, 0.5 * (x1 + x2))
        left_raw = jnp.clip(x_mean - SIGMA * wl, 0, img_w - 1)
        right_raw = jnp.clip(x_mean + SIGMA * wl, 0, img_w - 1)
        top_raw = jnp.clip(y_mean - SIGMA * hl, 0, img_h - 1)
        bottom_raw = jnp.clip(y_mean + SIGMA * hl, 0, img_h - 1)
        ins_list = jnp.arange(obj_num, dtype=jnp.float32)
        order = jnp.argsort(-gt_areas, stable=True)
        cat_parts, pt_parts = [], []
        for i in range(len(SCALE_RANGES)):
            s = FPN_SIZE[i]
            h = img_h / s
            w = img_w / s
            in_range = (gt_areas >= SCALE_RANGES[i][0]) & (gt_areas <= SCALE_RANGES[i][1])
            pos_left = jnp.clip(jnp.floor(left_raw / w), 0, s - 1).astype(jnp.int32)
            pos_right = jnp.clip(jnp.floor(right_raw / w), 0, s - 1).astype(jnp.int32)
            pos_top = jnp.clip(jnp.floor(top_raw / h), 0, s - 1).astype(jnp.int32)
            pos_bottom = jnp.clip(jnp.floor(bottom_raw / h), 0, s - 1).astype(jnp.int32)
            rr = jnp.arange(s, dtype=jnp.int32)[:, None]
            cc = jnp.arange(s, dtype=jnp.int32)[None, :]
            cat = jnp.zeros((s, s), dtype=jnp.int32)
            pt = jnp.full((s, s), -1.0, dtype=jnp.float32)
            for j in range(obj_num):
                idx = order[j]
                cover = (in_range[idx]
                         & (rr >= pos_top[idx]) & (rr <= pos_bottom[idx])
                         & (cc >= pos_left[idx]) & (cc <= pos_right[idx]))
                cat = jnp.where(cover, lc[idx], cat)
                pt = jnp.where(cover, ins_list[idx], pt)
            cat_parts.append(cat.reshape(-1))
            pt_parts.append(pt.reshape(-1))
        cat_cur = jnp.concatenate(cat_parts).astype(jnp.int32)
        pt_cur = jnp.concatenate(pt_parts).astype(jnp.int32)
        cat_batch.append(cat_cur)
        point_batch.append(pt_cur)
    return jnp.stack(cat_batch), jnp.stack(point_batch)


def setup_inputs(seed: int = 0):
    key = jax.random.key(seed)
    k1, k2, k3 = jax.random.split(key, 3)
    boxes = jax.random.uniform(k1, (4, 32, 4), dtype=jnp.float32)
    labels = jax.random.randint(k2, (4, 32), 0, 80, dtype=jnp.int32)
    masks = jax.random.uniform(k3, (4, 32, 512, 512), dtype=jnp.float32)
    return {"boxes": boxes, "labels": labels, "masks": masks}


def reference(boxes, labels, masks):
    return _solo_assign(boxes, labels, masks)

if __name__ == "__main__":
    import jax
    _d = setup_inputs()
    print(jax.jit(kernel)(*tuple(_d.values())))

</pallas_src>

<mosaic_0001>
#map = affine_map<(d0, d1) -> (0)>
module attributes {stable_mosaic.version = 14 : i64} {
  func.func @_sc_assign(%arg0: i32, %arg1: i32, %arg2: memref<16384xf32, #tpu.memory_space<hbm>>, %arg3: memref<3872xf32, #tpu.memory_space<hbm>>, %arg4: memref<3872xf32, #tpu.memory_space<hbm>>, %arg5: memref<15872xi32, #tpu.memory_space<hbm>>, %arg6: memref<15872xi32, #tpu.memory_space<hbm>>, %arg7: memref<16384xf32, #tpu.memory_space<vmem>>, %arg8: memref<3872xf32, #tpu.memory_space<vmem>>, %arg9: memref<3872xf32, #tpu.memory_space<vmem>>, %arg10: memref<496xi32, #tpu.memory_space<vmem>>, %arg11: memref<496xi32, #tpu.memory_space<vmem>>) attributes {dimension_semantics = [#tpu.dimension_semantics<core_parallel>, #tpu.dimension_semantics<subcore_parallel>], iteration_bounds = array<i64: 2, 16>, scalar_prefetch = 0 : i64, scratch_operands = 5 : i64, tpu.core_type = #tpu.core_type<sc_vector_subcore>, window_params = [{transform_indices = #map}, {transform_indices = #map}, {transform_indices = #map}, {transform_indices = #map}, {transform_indices = #map}]} {
    %mul3A = arith.constant 2 : i32
    %mul3A_0 = arith.muli %arg1, %mul3A : i32
    %add3A = arith.addi %mul3A_0, %arg0 : i32
    "tpu.region"() ({
      %run_scoped3A = tpu.sem_alloc : memref<!tpu.dma_semaphore, #tpu.memory_space<semaphore_mem>>
      tpu.enqueue_dma source(%arg2 : memref<16384xf32, #tpu.memory_space<hbm>>) target(%arg7 : memref<16384xf32, #tpu.memory_space<vmem>>) target_semaphore(%run_scoped3A : memref<!tpu.dma_semaphore, #tpu.memory_space<semaphore_mem>>)
      tpu.wait_dma2 semaphore(%run_scoped3A : memref<!tpu.dma_semaphore, #tpu.memory_space<semaphore_mem>>) src(%arg2 : memref<16384xf32, #tpu.memory_space<hbm>>) dst(%arg7 : memref<16384xf32, #tpu.memory_space<vmem>>)
      tpu.yield
    }) : () -> ()
    "tpu.region"() ({
      %run_scoped3A = tpu.sem_alloc : memref<!tpu.dma_semaphore, #tpu.memory_space<semaphore_mem>>
      tpu.enqueue_dma source(%arg3 : memref<3872xf32, #tpu.memory_space<hbm>>) target(%arg8 : memref<3872xf32, #tpu.memory_space<vmem>>) target_semaphore(%run_scoped3A : memref<!tpu.dma_semaphore, #tpu.memory_space<semaphore_mem>>)
      tpu.wait_dma2 semaphore(%run_scoped3A : memref<!tpu.dma_semaphore, #tpu.memory_space<semaphore_mem>>) src(%arg3 : memref<3872xf32, #tpu.memory_space<hbm>>) dst(%arg8 : memref<3872xf32, #tpu.memory_space<vmem>>)
      tpu.yield
    }) : () -> ()
    "tpu.region"() ({
      %run_scoped3A = tpu.sem_alloc : memref<!tpu.dma_semaphore, #tpu.memory_space<semaphore_mem>>
      tpu.enqueue_dma source(%arg4 : memref<3872xf32, #tpu.memory_space<hbm>>) target(%arg9 : memref<3872xf32, #tpu.memory_space<vmem>>) target_semaphore(%run_scoped3A : memref<!tpu.dma_semaphore, #tpu.memory_space<semaphore_mem>>)
      tpu.wait_dma2 semaphore(%run_scoped3A : memref<!tpu.dma_semaphore, #tpu.memory_space<semaphore_mem>>) src(%arg4 : memref<3872xf32, #tpu.memory_space<hbm>>) dst(%arg9 : memref<3872xf32, #tpu.memory_space<vmem>>)
      tpu.yield
    }) : () -> ()
    %mul3A_1 = arith.constant 31 : i32
    %mul3A_2 = arith.muli %add3A, %mul3A_1 : i32
    %scan3A = arith.constant 0 : i32
    %scan3A_3 = arith.constant 0x7F800000 : f32
    %scan3A_4 = arith.constant 0 : i32
    %scan3A_5 = arith.constant 31 : i32
    %scan3A_6 = arith.addi %scan3A_4, %scan3A_5 : i32
    %scan3A_7 = arith.constant 1 : i32
    scf.for %scan3A_13 = %scan3A_4 to %scan3A_6 step %scan3A_7  : i32 {
      %add3A_14 = arith.addi %mul3A_2, %scan3A_13 : i32
      %min3A = arith.constant 967 : i32
      %min3A_15 = arith.minsi %add3A_14, %min3A : i32
      %jit3A = arith.constant 242 : i32
      %div3A = arith.divsi %min3A_15, %jit3A : i32
      %sign3A = arith.constant 0 : i32
      %sign3A_16 = arith.cmpi sgt, %min3A_15, %sign3A : i32
      %sign3A_17 = arith.extui %sign3A_16 : i1 to i32
      %sign3A_18 = arith.constant 0 : i32
      %sign3A_19 = arith.cmpi slt, %min3A_15, %sign3A_18 : i32
      %sign3A_20 = arith.extui %sign3A_19 : i1 to i32
      %sign3A_21 = arith.subi %sign3A_17, %sign3A_20 : i32
      %sign3A_22 = arith.constant 0 : i32
      %sign3A_23 = arith.cmpi sgt, %jit3A, %sign3A_22 : i32
      %sign3A_24 = arith.extui %sign3A_23 : i1 to i32
      %sign3A_25 = arith.constant 0 : i32
      %sign3A_26 = arith.cmpi slt, %jit3A, %sign3A_25 : i32
      %sign3A_27 = arith.extui %sign3A_26 : i1 to i32
      %sign3A_28 = arith.subi %sign3A_24, %sign3A_27 : i32
      %ne3A = arith.cmpi ne, %sign3A_21, %sign3A_28 : i32
      %rem3A = arith.remsi %min3A_15, %jit3A : i32
      %ne3A_29 = arith.constant 0 : i32
      %ne3A_30 = arith.cmpi ne, %rem3A, %ne3A_29 : i32
      %and3A = arith.andi %ne3A, %ne3A_30 : i1
      %sub3A = arith.constant 1 : i32
      %sub3A_31 = arith.subi %div3A, %sub3A : i32
      %select_n3A = arith.select %and3A, %sub3A_31, %div3A : i32
      %jit3A_32 = arith.constant 242 : i32
      %eq3A = arith.constant 0 : i32
      %eq3A_33 = arith.cmpi eq, %jit3A_32, %eq3A : i32
      %jit3A_34 = arith.constant 1 : i32
      %select_n3A_35 = arith.select %eq3A_33, %jit3A_34, %jit3A_32 : i32
      %rem3A_36 = arith.remsi %min3A_15, %select_n3A_35 : i32
      %ne3A_37 = arith.constant 0 : i32
      %ne3A_38 = arith.cmpi ne, %rem3A_36, %ne3A_37 : i32
      %lt3A = arith.constant 0 : i32
      %lt3A_39 = arith.cmpi slt, %rem3A_36, %lt3A : i32
      %lt3A_40 = arith.constant 0 : i32
      %lt3A_41 = arith.cmpi slt, %select_n3A_35, %lt3A_40 : i32
      %ne3A_42 = arith.xori %lt3A_39, %lt3A_41 : i1
      %and3A_43 = arith.andi %ne3A_42, %ne3A_38 : i1
      %add3A_44 = arith.addi %rem3A_36, %select_n3A_35 : i32
      %select_n3A_45 = arith.select %and3A_43, %add3A_44, %rem3A_36 : i32
      %ge3A = arith.constant 100 : i32
      %ge3A_46 = arith.cmpi sge, %select_n3A_45, %ge3A : i32
      %convert_element_type3A = arith.extui %ge3A_46 : i1 to i32
      %ge3A_47 = arith.constant 181 : i32
      %ge3A_48 = arith.cmpi sge, %select_n3A_45, %ge3A_47 : i32
      %convert_element_type3A_49 = arith.extui %ge3A_48 : i1 to i32
      %add3A_50 = arith.addi %convert_element_type3A, %convert_element_type3A_49 : i32
      %ge3A_51 = arith.constant 217 : i32
      %ge3A_52 = arith.cmpi sge, %select_n3A_45, %ge3A_51 : i32
      %convert_element_type3A_53 = arith.extui %ge3A_52 : i1 to i32
      %add3A_54 = arith.addi %add3A_50, %convert_element_type3A_53 : i32
      %ge3A_55 = arith.constant 233 : i32
      %ge3A_56 = arith.cmpi sge, %select_n3A_45, %ge3A_55 : i32
      %convert_element_type3A_57 = arith.extui %ge3A_56 : i1 to i32
      %add3A_58 = arith.addi %add3A_54, %convert_element_type3A_57 : i32
      %mul3A_59 = arith.constant 16 : i32
      %mul3A_60 = arith.muli %select_n3A_45, %mul3A_59 : i32
      %get3A = arith.index_cast %mul3A_60 : i32 to index
      %get3A_61 = tpu.vector_load %arg8[%get3A] {strides = array<i32>} : memref<3872xf32, #tpu.memory_space<vmem>>, vector<16xf32>,
      %get3A_62 = vector.shape_cast %get3A_61 : vector<16xf32> to vector<16xf32>
      %mul3A_63 = arith.constant 16 : i32
      %mul3A_64 = arith.muli %select_n3A_45, %mul3A_63 : i32
      %get3A_65 = arith.index_cast %mul3A_64 : i32 to index
      %get3A_66 = tpu.vector_load %arg9[%get3A_65] {strides = array<i32>} : memref<3872xf32, #tpu.memory_space<vmem>>, vector<16xf32>,
      %get3A_67 = vector.shape_cast %get3A_66 : vector<16xf32> to vector<16xf32>
      %mul3A_68 = arith.constant 4096 : i32
      %mul3A_69 = arith.muli %select_n3A, %mul3A_68 : i32
      %mul3A_70 = arith.constant 4 : i32
      %mul3A_71 = arith.muli %add3A_58, %mul3A_70 : i32
      %mul3A_72 = arith.constant 128 : i32
      %mul3A_73 = arith.muli %mul3A_71, %mul3A_72 : i32
      %add3A_74 = arith.addi %mul3A_69, %mul3A_73 : i32
      %mul3A_75 = arith.constant 4096 : i32
      %mul3A_76 = arith.muli %select_n3A, %mul3A_75 : i32
      %add3A_77 = arith.constant 20 : i32
      %add3A_78 = arith.addi %add3A_77, %add3A_58 : i32
      %mul3A_79 = arith.constant 128 : i32
      %mul3A_80 = arith.muli %add3A_78, %mul3A_79 : i32
      %add3A_81 = arith.addi %mul3A_76, %mul3A_80 : i32
      %mul3A_82 = arith.constant 4096 : i32
      %mul3A_83 = arith.muli %select_n3A, %mul3A_82 : i32
      %add3A_84 = arith.constant 3200 : i32
      %add3A_85 = arith.addi %mul3A_83, %add3A_84 : i32
      %add3A_86 = arith.constant 0 : i32
      %add3A_87 = arith.addi %add3A_74, %add3A_86 : i32
      %get3A_88 = arith.index_cast %add3A_87 : i32 to index
      %get3A_89 = tpu.vector_load %arg7[%get3A_88] {strides = array<i32>} : memref<16384xf32, #tpu.memory_space<vmem>>, vector<16xf32>,
      %get3A_90 = vector.shape_cast %get3A_89 : vector<16xf32> to vector<16xf32>
      %add3A_91 = arith.constant 0 : i32
      %add3A_92 = arith.addi %add3A_74, %add3A_91 : i32
      %add3A_93 = arith.constant 16 : i32
      %add3A_94 = arith.addi %add3A_92, %add3A_93 : i32
      %get3A_95 = arith.index_cast %add3A_94 : i32 to index
      %get3A_96 = tpu.vector_load %arg7[%get3A_95] {strides = array<i32>} : memref<16384xf32, #tpu.memory_space<vmem>>, vector<16xf32>,
      %get3A_97 = vector.shape_cast %get3A_96 : vector<16xf32> to vector<16xf32>
      %add3A_98 = arith.constant 128 : i32
      %add3A_99 = arith.addi %add3A_74, %add3A_98 : i32
      %get3A_100 = arith.index_cast %add3A_99 : i32 to index
      %get3A_101 = tpu.vector_load %arg7[%get3A_100] {strides = array<i32>} : memref<16384xf32, #tpu.memory_space<vmem>>, vector<16xf32>,
      %get3A_102 = vector.shape_cast %get3A_101 : vector<16xf32> to vector<16xf32>
      %add3A_103 = arith.constant 128 : i32
      %add3A_104 = arith.addi %add3A_74, %add3A_103 : i32
      %add3A_105 = arith.constant 16 : i32
      %add3A_106 = arith.addi %add3A_104, %add3A_105 : i32
      %get3A_107 = arith.index_cast %add3A_106 : i32 to index
      %get3A_108 = tpu.vector_load %arg7[%get3A_107] {strides = array<i32>} : memref<16384xf32, #tpu.memory_space<vmem>>, vector<16xf32>,
      %get3A_109 = vector.shape_cast %get3A_108 : vector<16xf32> to vector<16xf32>
      %add3A_110 = arith.constant 256 : i32
      %add3A_111 = arith.addi %add3A_74, %add3A_110 : i32
      %get3A_112 = arith.index_cast %add3A_111 : i32 to index
      %get3A_113 = tpu.vector_load %arg7[%get3A_112] {strides = array<i32>} : memref<16384xf32, #tpu.memory_space<vmem>>, vector<16xf32>,
      %get3A_114 = vector.shape_cast %get3A_113 : vector<16xf32> to vector<16xf32>
      %add3A_115 = arith.constant 256 : i32
      %add3A_116 = arith.addi %add3A_74, %add3A_115 : i32
      %add3A_117 = arith.constant 16 : i32
      %add3A_118 = arith.addi %add3A_116, %add3A_117 : i32
      %get3A_119 = arith.index_cast %add3A_118 : i32 to index
      %get3A_120 = tpu.vector_load %arg7[%get3A_119] {strides = array<i32>} : memref<16384xf32, #tpu.memory_space<vmem>>, vector<16xf32>,
      %get3A_121 = vector.shape_cast %get3A_120 : vector<16xf32> to vector<16xf32>
      %add3A_122 = arith.constant 384 : i32
      %add3A_123 = arith.addi %add3A_74, %add3A_122 : i32
      %get3A_124 = arith.index_cast %add3A_123 : i32 to index
      %get3A_125 = tpu.vector_load %arg7[%get3A_124] {strides = array<i32>} : memref<16384xf32, #tpu.memory_space<vmem>>, vector<16xf32>,
      %get3A_126 = vector.shape_cast %get3A_125 : vector<16xf32> to vector<16xf32>
      %add3A_127 = arith.constant 384 : i32
      %add3A_128 = arith.addi %add3A_74, %add3A_127 : i32
      %add3A_129 = arith.constant 16 : i32
      %add3A_130 = arith.addi %add3A_128, %add3A_129 : i32
      %get3A_131 = arith.index_cast %add3A_130 : i32 to index
      %get3A_132 = tpu.vector_load %arg7[%get3A_131] {strides = array<i32>} : memref<16384xf32, #tpu.memory_space<vmem>>, vector<16xf32>,
      %get3A_133 = vector.shape_cast %get3A_132 : vector<16xf32> to vector<16xf32>
      %get3A_134 = arith.index_cast %add3A_81 : i32 to index
      %get3A_135 = tpu.vector_load %arg7[%get3A_134] {strides = array<i32>} : memref<16384xf32, #tpu.memory_space<vmem>>, vector<16xf32>,
      %get3A_136 = vector.shape_cast %get3A_135 : vector<16xf32> to vector<16xf32>
      %add3A_137 = arith.constant 16 : i32
      %add3A_138 = arith.addi %add3A_81, %add3A_137 : i32
      %get3A_139 = arith.index_cast %add3A_138 : i32 to index
      %get3A_140 = tpu.vector_load %arg7[%get3A_139] {strides = array<i32>} : memref<16384xf32, #tpu.memory_space<vmem>>, vector<16xf32>,
      %get3A_141 = vector.shape_cast %get3A_140 : vector<16xf32> to vector<16xf32>
      %get3A_142 = arith.index_cast %add3A_85 : i32 to index
      %get3A_143 = tpu.vector_load %arg7[%get3A_142] {strides = array<i32>} : memref<16384xf32, #tpu.memory_space<vmem>>, vector<16xf32>,
      %get3A_144 = vector.shape_cast %get3A_143 : vector<16xf32> to vector<16xf32>
      %add3A_145 = arith.constant 16 : i32
      %add3A_146 = arith.addi %add3A_85, %add3A_145 : i32
      %get3A_147 = arith.index_cast %add3A_146 : i32 to index
      %get3A_148 = tpu.vector_load %arg7[%get3A_147] {strides = array<i32>} : memref<16384xf32, #tpu.memory_space<vmem>>, vector<16xf32>,
      %get3A_149 = vector.shape_cast %get3A_148 : vector<16xf32> to vector<16xf32>
      %broadcast_in_dim3A = vector.broadcast %scan3A_3 : f32 to vector<16xf32>
      %broadcast_in_dim3A_150 = arith.constant -1 : i32
      %broadcast_in_dim3A_151 = vector.broadcast %broadcast_in_dim3A_150 : i32 to vector<16xi32>
      %broadcast_in_dim3A_152 = arith.constant 0 : i32
      %broadcast_in_dim3A_153 = vector.broadcast %broadcast_in_dim3A_152 : i32 to vector<16xi32>
      %slice3A = vector.extract_strided_slice %get3A_90 {offsets = [0], sizes = [1], strides = [1]} : vector<16xf32> to vector<1xf32>
      %broadcast_in_dim3A_154 = vector.shape_cast %slice3A : vector<1xf32> to vector<1xf32>
      %broadcast_in_dim3A_155 = vector.broadcast %broadcast_in_dim3A_154 : vector<1xf32> to vector<16xf32>
      %slice3A_156 = vector.extract_strided_slice %get3A_102 {offsets = [0], sizes = [1], strides = [1]} : vector<16xf32> to vector<1xf32>
      %broadcast_in_dim3A_157 = vector.shape_cast %slice3A_156 : vector<1xf32> to vector<1xf32>
      %broadcast_in_dim3A_158 = vector.broadcast %broadcast_in_dim3A_157 : vector<1xf32> to vector<16xf32>
      %slice3A_159 = vector.extract_strided_slice %get3A_114 {offsets = [0], sizes = [1], strides = [1]} : vector<16xf32> to vector<1xf32>
      %broadcast_in_dim3A_160 = vector.shape_cast %slice3A_159 : vector<1xf32> to vector<1xf32>
      %broadcast_in_dim3A_161 = vector.broadcast %broadcast_in_dim3A_160 : vector<1xf32> to vector<16xf32>
      %slice3A_162 = vector.extract_strided_slice %get3A_126 {offsets = [0], sizes = [1], strides = [1]} : vector<16xf32> to vector<1xf32>
      %broadcast_in_dim3A_163 = vector.shape_cast %slice3A_162 : vector<1xf32> to vector<1xf32>
      %broadcast_in_dim3A_164 = vector.broadcast %broadcast_in_dim3A_163 : vector<1xf32> to vector<16xf32>
      %slice3A_165 = vector.extract_strided_slice %get3A_136 {offsets = [0], sizes = [1], strides = [1]} : vector<16xf32> to vector<1xf32>
      %broadcast_in_dim3A_166 = vector.shape_cast %slice3A_165 : vector<1xf32> to vector<1xf32>
      %broadcast_in_dim3A_167 = vector.broadcast %broadcast_in_dim3A_166 : vector<1xf32> to vector<16xf32>
      %slice3A_168 = vector.extract_strided_slice %get3A_144 {offsets = [0], sizes = [1], strides = [1]} : vector<16xf32> to vector<1xf32>
      %broadcast_in_dim3A_169 = vector.shape_cast %slice3A_168 : vector<1xf32> to vector<1xf32>
      %broadcast_in_dim3A_170 = vector.broadcast %broadcast_in_dim3A_169 : vector<1xf32> to vector<16xf32>
      %ge3A_171 = arith.cmpf oge, %get3A_62, %broadcast_in_dim3A_161 : vector<16xf32>
      %le3A = arith.cmpf ole, %get3A_62, %broadcast_in_dim3A_164 : vector<16xf32>
      %and3A_172 = arith.andi %ge3A_171, %le3A : vector<16xi1>
      %ge3A_173 = arith.cmpf oge, %get3A_67, %broadcast_in_dim3A_155 : vector<16xf32>
      %and3A_174 = arith.andi %and3A_172, %ge3A_173 : vector<16xi1>
      %le3A_175 = arith.cmpf ole, %get3A_67, %broadcast_in_dim3A_158 : vector<16xf32>
      %and3A_176 = arith.andi %and3A_174, %le3A_175 : vector<16xi1>
      %broadcast_in_dim3A_177 = vector.broadcast %scan3A_3 : f32 to vector<16xf32>
      %select_n3A_178 = arith.select %and3A_176, %broadcast_in_dim3A_167, %broadcast_in_dim3A_177 : vector<16xi1>, vector<16xf32>
      %le3A_179 = arith.cmpf ole, %select_n3A_178, %broadcast_in_dim3A : vector<16xf32>
      %lt3A_180 = arith.cmpf olt, %select_n3A_178, %broadcast_in_dim3A_177 : vector<16xf32>
      %and3A_181 = arith.andi %le3A_179, %lt3A_180 : vector<16xi1>
      %select_n3A_182 = arith.select %and3A_181, %select_n3A_178, %broadcast_in_dim3A : vector<16xi1>, vector<16xf32>
      %jit3A_183 = arith.constant 0 : i32
      %broadcast_in_dim3A_184 = vector.broadcast %jit3A_183 : i32 to vector<16xi32>
      %select_n3A_185 = arith.select %and3A_181, %broadcast_in_dim3A_184, %broadcast_in_dim3A_151 : vector<16xi1>, vector<16xi32>
      %convert_element_type3A_186 = arith.fptosi %broadcast_in_dim3A_170 : vector<16xf32> to vector<16xi32>
      %select_n3A_187 = arith.select %and3A_181, %convert_element_type3A_186, %broadcast_in_dim3A_153 : vector<16xi1>, vector<16xi32>
      %slice3A_188 = vector.extract_strided_slice %get3A_90 {offsets = [1], sizes = [1], strides = [1]} : vector<16xf32> to vector<1xf32>
      %broadcast_in_dim3A_189 = vector.shape_cast %slice3A_188 : vector<1xf32> to vector<1xf32>
      %broadcast_in_dim3A_190 = vector.broadcast %broadcast_in_dim3A_189 : vector<1xf32> to vector<16xf32>
      %slice3A_191 = vector.extract_strided_slice %get3A_102 {offsets = [1], sizes = [1], strides = [1]} : vector<16xf32> to vector<1xf32>
      %broadcast_in_dim3A_192 = vector.shape_cast %slice3A_191 : vector<1xf32> to vector<1xf32>
      %broadcast_in_dim3A_193 = vector.broadcast %broadcast_in_dim3A_192 : vector<1xf32> to vector<16xf32>
      %slice3A_194 = vector.extract_strided_slice %get3A_114 {offsets = [1], sizes = [1], strides = [1]} : vector<16xf32> to vector<1xf32>
      %broadcast_in_dim3A_195 = vector.shape_cast %slice3A_194 : vector<1xf32> to vector<1xf32>
      %broadcast_in_dim3A_196 = vector.broadcast %broadcast_in_dim3A_195 : vector<1xf32> to vector<16xf32>
      %slice3A_197 = vector.extract_strided_slice %get3A_126 {offsets = [1], sizes = [1], strides = [1]} : vector<16xf32> to vector<1xf32>
      %broadcast_in_dim3A_198 = vector.shape_cast %slice3A_197 : vector<1xf32> to vector<1xf32>
      %broadcast_in_dim3A_199 = vector.broadcast %broadcast_in_dim3A_198 : vector<1xf32> to vector<16xf32>
      %slice3A_200 = vector.extract_strided_slice %get3A_136 {offsets = [1], sizes = [1], strides = [1]} : vector<16xf32> to vector<1xf32>
      %broadcast_in_dim3A_201 = vector.shape_cast %slice3A_200 : vector<1xf32> to vector<1xf32>
      %broadcast_in_dim3A_202 = vector.broadcast %broadcast_in_dim3A_201 : vector<1xf32> to vector<16xf32>
      %slice3A_203 = vector.extract_strided_slice %get3A_144 {offsets = [1], sizes = [1], strides = [1]} : vector<16xf32> to vector<1xf32>
      %broadcast_in_dim3A_204 = vector.shape_cast %slice3A_203 : vector<1xf32> to vector<1xf32>
      %broadcast_in_dim3A_205 = vector.broadcast %broadcast_in_dim3A_204 : vector<1xf32> to vector<16xf32>
      %ge3A_206 = arith.cmpf oge, %get3A_62, %broadcast_in_dim3A_196 : vector<16xf32>
      %le3A_207 = arith.cmpf ole, %get3A_62, %broadcast_in_dim3A_199 : vector<16xf32>
      %and3A_208 = arith.andi %ge3A_206, %le3A_207 : vector<16xi1>
      %ge3A_209 = arith.cmpf oge, %get3A_67, %broadcast_in_dim3A_190 : vector<16xf32>
      %and3A_210 = arith.andi %and3A_208, %ge3A_209 : vector<16xi1>
      %le3A_211 = arith.cmpf ole, %get3A_67, %broadcast_in_dim3A_193 : vector<16xf32>
      %and3A_212 = arith.andi %and3A_210, %le3A_211 : vector<16xi1>
      %broadcast_in_dim3A_213 = vector.broadcast %scan3A_3 : f32 to vector<16xf32>
      %select_n3A_214 = arith.select %and3A_212, %broadcast_in_dim3A_202, %broadcast_in_dim3A_213 : vector<16xi1>, vector<16xf32>
      %le3A_215 = arith.cmpf ole, %select_n3A_214, %select_n3A_182 : vector<16xf32>
      %lt3A_216 = arith.cmpf olt, %select_n3A_214, %broadcast_in_dim3A_213 : vector<16xf32>
      %and3A_217 = arith.andi %le3A_215, %lt3A_216 : vector<16xi1>
      %select_n3A_218 = arith.select %and3A_217, %select_n3A_214, %select_n3A_182 : vector<16xi1>, vector<16xf32>
      %jit3A_219 = arith.constant 1 : i32
      %broadcast_in_dim3A_220 = vector.broadcast %jit3A_219 : i32 to vector<16xi32>
      %select_n3A_221 = arith.select %and3A_217, %broadcast_in_dim3A_220, %select_n3A_185 : vector<16xi1>, vector<16xi32>
      %convert_element_type3A_222 = arith.fptosi %broadcast_in_dim3A_205 : vector<16xf32> to vector<16xi32>
      %select_n3A_223 = arith.select %and3A_217, %convert_element_type3A_222, %select_n3A_187 : vector<16xi1>, vector<16xi32>
      %slice3A_224 = vector.extract_strided_slice %get3A_90 {offsets = [2], sizes = [1], strides = [1]} : vector<16xf32> to vector<1xf32>
      %broadcast_in_dim3A_225 = vector.shape_cast %slice3A_224 : vector<1xf32> to vector<1xf32>
      %broadcast_in_dim3A_226 = vector.broadcast %broadcast_in_dim3A_225 : vector<1xf32> to vector<16xf32>
      %slice3A_227 = vector.extract_strided_slice %get3A_102 {offsets = [2], sizes = [1], strides = [1]} : vector<16xf32> to vector<1xf32>
      %broadcast_in_dim3A_228 = vector.shape_cast %slice3A_227 : vector<1xf32> to vector<1xf32>
      %broadcast_in_dim3A_229 = vector.broadcast %broadcast_in_dim3A_228 : vector<1xf32> to vector<16xf32>
      %slice3A_230 = vector.extract_strided_slice %get3A_114 {offsets = [2], sizes = [1], strides = [1]} : vector<16xf32> to vector<1xf32>
      %broadcast_in_dim3A_231 = vector.shape_cast %slice3A_230 : vector<1xf32> to vector<1xf32>
      %broadcast_in_dim3A_232 = vector.broadcast %broadcast_in_dim3A_231 : vector<1xf32> to vector<16xf32>
      %slice3A_233 = vector.extract_strided_slice %get3A_126 {offsets = [2], sizes = [1], strides = [1]} : vector<16xf32> to vector<1xf32>
      %broadcast_in_dim3A_234 = vector.shape_cast %slice3A_233 : vector<1xf32> to vector<1xf32>
      %broadcast_in_dim3A_235 = vector.broadcast %broadcast_in_dim3A_234 : vector<1xf32> to vector<16xf32>
      %slice3A_236 = vector.extract_strided_slice %get3A_136 {offsets = [2], sizes = [1], strides = [1]} : vector<16xf32> to vector<1xf32>
      %broadcast_in_dim3A_237 = vector.shape_cast %slice3A_236 : vector<1xf32> to vector<1xf32>
      %broadcast_in_dim3A_238 = vector.broadcast %broadcast_in_dim3A_237 : vector<1xf32> to vector<16xf32>
      %slice3A_239 = vector.extract_strided_slice %get3A_144 {offsets = [2], sizes = [1], strides = [1]} : vector<16xf32> to vector<1xf32>
      %broadcast_in_dim3A_240 = vector.shape_cast %slice3A_239 : vector<1xf32> to vector<1xf32>
      %broadcast_in_dim3A_241 = vector.broadcast %broadcast_in_dim3A_240 : vector<1xf32> to vector<16xf32>
      %ge3A_242 = arith.cmpf oge, %get3A_62, %broadcast_in_dim3A_232 : vector<16xf32>
      %le3A_243 = arith.cmpf ole, %get3A_62, %broadcast_in_dim3A_235 : vector<16xf32>
      %and3A_244 = arith.andi %ge3A_242, %le3A_243 : vector<16xi1>
      %ge3A_245 = arith.cmpf oge, %get3A_67, %broadcast_in_dim3A_226 : vector<16xf32>
      %and3A_246 = arith.andi %and3A_244, %ge3A_245 : vector<16xi1>
      %le3A_247 = arith.cmpf ole, %get3A_67, %broadcast_in_dim3A_229 : vector<16xf32>
      %and3A_248 = arith.andi %and3A_246, %le3A_247 : vector<16xi1>
      %broadcast_in_dim3A_249 = vector.broadcast %scan3A_3 : f32 to vector<16xf32>
      %select_n3A_250 = arith.select %and3A_248, %broadcast_in_dim3A_238, %broadcast_in_dim3A_249 : vector<16xi1>, vector<16xf32>
      %le3A_251 = arith.cmpf ole, %select_n3A_250, %select_n3A_218 : vector<16xf32>
      %lt3A_252 = arith.cmpf olt, %select_n3A_250, %broadcast_in_dim3A_249 : vector<16xf32>
      %and3A_253 = arith.andi %le3A_251, %lt3A_252 : vector<16xi1>
      %select_n3A_254 = arith.select %and3A_253, %select_n3A_250, %select_n3A_218 : vector<16xi1>, vector<16xf32>
      %jit3A_255 = arith.constant 2 : i32
      %broadcast_in_dim3A_256 = vector.broadcast %jit3A_255 : i32 to vector<16xi32>
      %select_n3A_257 = arith.select %and3A_253, %broadcast_in_dim3A_256, %select_n3A_221 : vector<16xi1>, vector<16xi32>
      %convert_element_type3A_258 = arith.fptosi %broadcast_in_dim3A_241 : vector<16xf32> to vector<16xi32>
      %select_n3A_259 = arith.select %and3A_253, %convert_element_type3A_258, %select_n3A_223 : vector<16xi1>, vector<16xi32>
      %slice3A_260 = vector.extract_strided_slice %get3A_90 {offsets = [3], sizes = [1], strides = [1]} : vector<16xf32> to vector<1xf32>
      %broadcast_in_dim3A_261 = vector.shape_cast %slice3A_260 : vector<1xf32> to vector<1xf32>
      %broadcast_in_dim3A_262 = vector.broadcast %broadcast_in_dim3A_261 : vector<1xf32> to vector<16xf32>
      %slice3A_263 = vector.extract_strided_slice %get3A_102 {offsets = [3], sizes = [1], strides = [1]} : vector<16xf32> to vector<1xf32>
      %broadcast_in_dim3A_264 = vector.shape_cast %slice3A_263 : vector<1xf32> to vector<1xf32>
      %broadcast_in_dim3A_265 = vector.broadcast %broadcast_in_dim3A_264 : vector<1xf32> to vector<16xf32>
      %slice3A_266 = vector.extract_strided_slice %get3A_114 {offsets = [3], sizes = [1], strides = [1]} : vector<16xf32> to vector<1xf32>
      %broadcast_in_dim3A_267 = vector.shape_cast %slice3A_266 : vector<1xf32> to vector<1xf32>
      %broadcast_in_dim3A_268 = vector.broadcast %broadcast_in_dim3A_267 : vector<1xf32> to vector<16xf32>
      %slice3A_269 = vector.extract_strided_slice %get3A_126 {offsets = [3], sizes = [1], strides = [1]} : vector<16xf32> to vector<1xf32>
      %broadcast_in_dim3A_270 = vector.shape_cast %slice3A_269 : vector<1xf32> to vector<1xf32>
      %broadcast_in_dim3A_271 = vector.broadcast %broadcast_in_dim3A_270 : vector<1xf32> to vector<16xf32>
      %slice3A_272 = vector.extract_strided_slice %get3A_136 {offsets = [3], sizes = [1], strides = [1]} : vector<16xf32> to vector<1xf32>
      %broadcast_in_dim3A_273 = vector.shape_cast %slice3A_272 : vector<1xf32> to vector<1xf32>
      %broadcast_in_dim3A_274 = vector.broadcast %broadcast_in_dim3A_273 : vector<1xf32> to vector<16xf32>
      %slice3A_275 = vector.extract_strided_slice %get3A_144 {offsets = [3], sizes = [1], strides = [1]} : vector<16xf32> to vector<1xf32>
      %broadcast_in_dim3A_276 = vector.shape_cast %slice3A_275 : vector<1xf32> to vector<1xf32>
      %broadcast_in_dim3A_277 = vector.broadcast %broadcast_in_dim3A_276 : vector<1xf32> to vector<16xf32>
      %ge3A_278 = arith.cmpf oge, %get3A_62, %broadcast_in_dim3A_268 : vector<16xf32>
      %le3A_279 = arith.cmpf ole, %get3A_62, %broadcast_in_dim3A_271 : vector<16xf32>
      %and3A_280 = arith.andi %ge3A_278, %le3A_279 : vector<16xi1>
      %ge3A_281 = arith.cmpf oge, %get3A_67, %broadcast_in_dim3A_262 : vector<16xf32>
      %and3A_282 = arith.andi %and3A_280, %ge3A_281 : vector<16xi1>
      %le3A_283 = arith.cmpf ole, %get3A_67, %broadcast_in_dim3A_265 : vector<16xf32>
      %and3A_284 = arith.andi %and3A_282, %le3A_283 : vector<16xi1>
      %broadcast_in_dim3A_285 = vector.broadcast %scan3A_3 : f32 to vector<16xf32>
      %select_n3A_286 = arith.select %and3A_284, %broadcast_in_dim3A_274, %broadcast_in_dim3A_285 : vector<16xi1>, vector<16xf32>
      %le3A_287 = arith.cmpf ole, %select_n3A_286, %select_n3A_254 : vector<16xf32>
      %lt3A_288 = arith.cmpf olt, %select_n3A_286, %broadcast_in_dim3A_285 : vector<16xf32>
      %and3A_289 = arith.andi %le3A_287, %lt3A_288 : vector<16xi1>
      %select_n3A_290 = arith.select %and3A_289, %select_n3A_286, %select_n3A_254 : vector<16xi1>, vector<16xf32>
      %jit3A_291 = arith.constant 3 : i32
      %broadcast_in_dim3A_292 = vector.broadcast %jit3A_291 : i32 to vector<16xi32>
      %select_n3A_293 = arith.select %and3A_289, %broadcast_in_dim3A_292, %select_n3A_257 : vector<16xi1>, vector<16xi32>
      %convert_element_type3A_294 = arith.fptosi %broadcast_in_dim3A_277 : vector<16xf32> to vector<16xi32>
      %select_n3A_295 = arith.select %and3A_289, %convert_element_type3A_294, %select_n3A_259 : vector<16xi1>, vector<16xi32>
      %slice3A_296 = vector.extract_strided_slice %get3A_90 {offsets = [4], sizes = [1], strides = [1]} : vector<16xf32> to vector<1xf32>
      %broadcast_in_dim3A_297 = vector.shape_cast %slice3A_296 : vector<1xf32> to vector<1xf32>
      %broadcast_in_dim3A_298 = vector.broadcast %broadcast_in_dim3A_297 : vector<1xf32> to vector<16xf32>
      %slice3A_299 = vector.extract_strided_slice %get3A_102 {offsets = [4], sizes = [1], strides = [1]} : vector<16xf32> to vector<1xf32>
      %broadcast_in_dim3A_300 = vector.shape_cast %slice3A_299 : vector<1xf32> to vector<1xf32>
      %broadcast_in_dim3A_301 = vector.broadcast %broadcast_in_dim3A_300 : vector<1xf32> to vector<16xf32>
      %slice3A_302 = vector.extract_strided_slice %get3A_114 {offsets = [4], sizes = [1], strides = [1]} : vector<16xf32> to vector<1xf32>
      %broadcast_in_dim3A_303 = vector.shape_cast %slice3A_302 : vector<1xf32> to vector<1xf32>
      %broadcast_in_dim3A_304 = vector.broadcast %broadcast_in_dim3A_303 : vector<1xf32> to vector<16xf32>
      %slice3A_305 = vector.extract_strided_slice %get3A_126 {offsets = [4], sizes = [1], strides = [1]} : vector<16xf32> to vector<1xf32>
      %broadcast_in_dim3A_306 = vector.shape_cast %slice3A_305 : vector<1xf32> to vector<1xf32>
      %broadcast_in_dim3A_307 = vector.broadcast %broadcast_in_dim3A_306 : vector<1xf32> to vector<16xf32>
      %slice3A_308 = vector.extract_strided_slice %get3A_136 {offsets = [4], sizes = [1], strides = [1]} : vector<16xf32> to vector<1xf32>
      %broadcast_in_dim3A_309 = vector.shape_cast %slice3A_308 : vector<1xf32> to vector<1xf32>
      %broadcast_in_dim3A_310 = vector.broadcast %broadcast_in_dim3A_309 : vector<1xf32> to vector<16xf32>
      %slice3A_311 = vector.extract_strided_slice %get3A_144 {offsets = [4], sizes = [1], strides = [1]} : vector<16xf32> to vector<1xf32>
      %broadcast_in_dim3A_312 = vector.shape_cast %slice3A_311 : vector<1xf32> to vector<1xf32>
      %broadcast_in_dim3A_313 = vector.broadcast %broadcast_in_dim3A_312 : vector<1xf32> to vector<16xf32>
      %ge3A_314 = arith.cmpf oge, %get3A_62, %broadcast_in_dim3A_304 : vector<16xf32>
      %le3A_315 = arith.cmpf ole, %get3A_62, %broadcast_in_dim3A_307 : vector<16xf32>
      %and3A_316 = arith.andi %ge3A_314, %le3A_315 : vector<16xi1>
      %ge3A_317 = arith.cmpf oge, %get3A_67, %broadcast_in_dim3A_298 : vector<16xf32>
      %and3A_318 = arith.andi %and3A_316, %ge3A_317 : vector<16xi1>
      %le3A_319 = arith.cmpf ole, %get3A_67, %broadcast_in_dim3A_301 : vector<16xf32>
      %and3A_320 = arith.andi %and3A_318, %le3A_319 : vector<16xi1>
      %broadcast_in_dim3A_321 = vector.broadcast %scan3A_3 : f32 to vector<16xf32>
      %select_n3A_322 = arith.select %and3A_320, %broadcast_in_dim3A_310, %broadcast_in_dim3A_321 : vector<16xi1>, vector<16xf32>
      %le3A_323 = arith.cmpf ole, %select_n3A_322, %select_n3A_290 : vector<16xf32>
      %lt3A_324 = arith.cmpf olt, %select_n3A_322, %broadcast_in_dim3A_321 : vector<16xf32>
      %and3A_325 = arith.andi %le3A_323, %lt3A_324 : vector<16xi1>
      %select_n3A_326 = arith.select %and3A_325, %select_n3A_322, %select_n3A_290 : vector<16xi1>, vector<16xf32>
      %jit3A_327 = arith.constant 4 : i32
      %broadcast_in_dim3A_328 = vector.broadcast %jit3A_327 : i32 to vector<16xi32>
      %select_n3A_329 = arith.select %and3A_325, %broadcast_in_dim3A_328, %select_n3A_293 : vector<16xi1>, vector<16xi32>
      %convert_element_type3A_330 = arith.fptosi %broadcast_in_dim3A_313 : vector<16xf32> to vector<16xi32>
      %select_n3A_331 = arith.select %and3A_325, %convert_element_type3A_330, %select_n3A_295 : vector<16xi1>, vector<16xi32>
      %slice3A_332 = vector.extract_strided_slice %get3A_90 {offsets = [5], sizes = [1], strides = [1]} : vector<16xf32> to vector<1xf32>
      %broadcast_in_dim3A_333 = vector.shape_cast %slice3A_332 : vector<1xf32> to vector<1xf32>
      %broadcast_in_dim3A_334 = vector.broadcast %broadcast_in_dim3A_333 : vector<1xf32> to vector<16xf32>
      %slice3A_335 = vector.extract_strided_slice %get3A_102 {offsets = [5], sizes = [1], strides = [1]} : vector<16xf32> to vector<1xf32>
      %broadcast_in_dim3A_336 = vector.shape_cast %slice3A_335 : vector<1xf32> to vector<1xf32>
      %broadcast_in_dim3A_337 = vector.broadcast %broadcast_in_dim3A_336 : vector<1xf32> to vector<16xf32>
      %slice3A_338 = vector.extract_strided_slice %get3A_114 {offsets = [5], sizes = [1], strides = [1]} : vector<16xf32> to vector<1xf32>
      %broadcast_in_dim3A_339 = vector.shape_cast %slice3A_338 : vector<1xf32> to vector<1xf32>
      %broadcast_in_dim3A_340 = vector.broadcast %broadcast_in_dim3A_339 : vector<1xf32> to vector<16xf32>
      %slice3A_341 = vector.extract_strided_slice %get3A_126 {offsets = [5], sizes = [1], strides = [1]} : vector<16xf32> to vector<1xf32>
      %broadcast_in_dim3A_342 = vector.shape_cast %slice3A_341 : vector<1xf32> to vector<1xf32>
      %broadcast_in_dim3A_343 = vector.broadcast %broadcast_in_dim3A_342 : vector<1xf32> to vector<16xf32>
      %slice3A_344 = vector.extract_strided_slice %get3A_136 {offsets = [5], sizes = [1], strides = [1]} : vector<16xf32> to vector<1xf32>
      %broadcast_in_dim3A_345 = vector.shape_cast %slice3A_344 : vector<1xf32> to vector<1xf32>
      %broadcast_in_dim3A_346 = vector.broadcast %broadcast_in_dim3A_345 : vector<1xf32> to vector<16xf32>
      %slice3A_347 = vector.extract_strided_slice %get3A_144 {offsets = [5], sizes = [1], strides = [1]} : vector<16xf32> to vector<1xf32>
      %broadcast_in_dim3A_348 = vector.shape_cast %slice3A_347 : vector<1xf32> to vector<1xf32>
      %broadcast_in_dim3A_349 = vector.broadcast %broadcast_in_dim3A_348 : vector<1xf32> to vector<16xf32>
      %ge3A_350 = arith.cmpf oge, %get3A_62, %broadcast_in_dim3A_340 : vector<16xf32>
      %le3A_351 = arith.cmpf ole, %get3A_62, %broadcast_in_dim3A_343 : vector<16xf32>
      %and3A_352 = arith.andi %ge3A_350, %le3A_351 : vector<16xi1>
      %ge3A_353 = arith.cmpf oge, %get3A_67, %broadcast_in_dim3A_334 : vector<16xf32>
      %and3A_354 = arith.andi %and3A_352, %ge3A_353 : vector<16xi1>
      %le3A_355 = arith.cmpf ole, %get3A_67, %broadcast_in_dim3A_337 : vector<16xf32>
      %and3A_356 = arith.andi %and3A_354, %le3A_355 : vector<16xi1>
      %broadcast_in_dim3A_357 = vector.broadcast %scan3A_3 : f32 to vector<16xf32>
      %select_n3A_358 = arith.select %and3A_356, %broadcast_in_dim3A_346, %broadcast_in_dim3A_357 : vector<16xi1>, vector<16xf32>
      %le3A_359 = arith.cmpf ole, %select_n3A_358, %select_n3A_326 : vector<16xf32>
      %lt3A_360 = arith.cmpf olt, %select_n3A_358, %broadcast_in_dim3A_357 : vector<16xf32>
      %and3A_361 = arith.andi %le3A_359, %lt3A_360 : vector<16xi1>
      %select_n3A_362 = arith.select %and3A_361, %select_n3A_358, %select_n3A_326 : vector<16xi1>, vector<16xf32>
      %jit3A_363 = arith.constant 5 : i32
      %broadcast_in_dim3A_364 = vector.broadcast %jit3A_363 : i32 to vector<16xi32>
      %select_n3A_365 = arith.select %and3A_361, %broadcast_in_dim3A_364, %select_n3A_329 : vector<16xi1>, vector<16xi32>
      %convert_element_type3A_366 = arith.fptosi %broadcast_in_dim3A_349 : vector<16xf32> to vector<16xi32>
      %select_n3A_367 = arith.select %and3A_361, %convert_element_type3A_366, %select_n3A_331 : vector<16xi1>, vector<16xi32>
      %slice3A_368 = vector.extract_strided_slice %get3A_90 {offsets = [6], sizes = [1], strides = [1]} : vector<16xf32> to vector<1xf32>
      %broadcast_in_dim3A_369 = vector.shape_cast %slice3A_368 : vector<1xf32> to vector<1xf32>
      %broadcast_in_dim3A_370 = vector.broadcast %broadcast_in_dim3A_369 : vector<1xf32> to vector<16xf32>
      %slice3A_371 = vector.extract_strided_slice %get3A_102 {offsets = [6], sizes = [1], strides = [1]} : vector<16xf32> to vector<1xf32>
      %broadcast_in_dim3A_372 = vector.shape_cast %slice3A_371 : vector<1xf32> to vector<1xf32>
      %broadcast_in_dim3A_373 = vector.broadcast %broadcast_in_dim3A_372 : vector<1xf32> to vector<16xf32>
      %slice3A_374 = vector.extract_strided_slice %get3A_114 {offsets = [6], sizes = [1], strides = [1]} : vector<16xf32> to vector<1xf32>
      %broadcast_in_dim3A_375 = vector.shape_cast %slice3A_374 : vector<1xf32> to vector<1xf32>
      %broadcast_in_dim3A_376 = vector.broadcast %broadcast_in_dim3A_375 : vector<1xf32> to vector<16xf32>
      %slice3A_377 = vector.extract_strided_slice %get3A_126 {offsets = [6], sizes = [1], strides = [1]} : vector<16xf32> to vector<1xf32>
      %broadcast_in_dim3A_378 = vector.shape_cast %slice3A_377 : vector<1xf32> to vector<1xf32>
      %broadcast_in_dim3A_379 = vector.broadcast %broadcast_in_dim3A_378 : vector<1xf32> to vector<16xf32>
      %slice3A_380 = vector.extract_strided_slice %get3A_136 {offsets = [6], sizes = [1], strides = [1]} : vector<16xf32> to vector<1xf32>
      %broadcast_in_dim3A_381 = vector.shape_cast %slice3A_380 : vector<1xf32> to vector<1xf32>
      %broadcast_in_dim3A_382 = vector.broadcast %broadcast_in_dim3A_381 : vector<1xf32> to vector<16xf32>
      %slice3A_383 = vector.extract_strided_slice %get3A_144 {offsets = [6], sizes = [1], strides = [1]} : vector<16xf32> to vector<1xf32>
      %broadcast_in_dim3A_384 = vector.shape_cast %slice3A_383 : vector<1xf32> to vector<1xf32>
      %broadcast_in_dim3A_385 = vector.broadcast %broadcast_in_dim3A_384 : vector<1xf32> to vector<16xf32>
      %ge3A_386 = arith.cmpf oge, %get3A_62, %broadcast_in_dim3A_376 : vector<16xf32>
      %le3A_387 = arith.cmpf ole, %get3A_62, %broadcast_in_dim3A_379 : vector<16xf32>
      %and3A_388 = arith.andi %ge3A_386, %le3A_387 : vector<16xi1>
      %ge3A_389 = arith.cmpf oge, %get3A_67, %broadcast_in_dim3A_370 : vector<16xf32>
      %and3A_390 = arith.andi %and3A_388, %ge3A_389 : vector<16xi1>
      %le3A_391 = arith.cmpf ole, %get3A_67, %broadcast_in_dim3A_373 : vector<16xf32>
      %and3A_392 = arith.andi %and3A_390, %le3A_391 : vector<16xi1>
      %broadcast_in_dim3A_393 = vector.broadcast %scan3A_3 : f32 to vector<16xf32>
      %select_n3A_394 = arith.select %and3A_392, %broadcast_in_dim3A_382, %broadcast_in_dim3A_393 : vector<16xi1>, vector<16xf32>
      %le3A_395 = arith.cmpf ole, %select_n3A_394, %select_n3A_362 : vector<16xf32>
      %lt3A_396 = arith.cmpf olt, %select_n3A_394, %broadcast_in_dim3A_393 : vector<16xf32>
      %and3A_397 = arith.andi %le3A_395, %lt3A_396 : vector<16xi1>
      %select_n3A_398 = arith.select %and3A_397, %select_n3A_394, %select_n3A_362 : vector<16xi1>, vector<16xf32>
      %jit3A_399 = arith.constant 6 : i32
      %broadcast_in_dim3A_400 = vector.broadcast %jit3A_399 : i32 to vector<16xi32>
      %select_n3A_401 = arith.select %and3A_397, %broadcast_in_dim3A_400, %select_n3A_365 : vector<16xi1>, vector<16xi32>
      %convert_element_type3A_402 = arith.fptosi %broadcast_in_dim3A_385 : vector<16xf32> to vector<16xi32>
      %select_n3A_403 = arith.select %and3A_397, %convert_element_type3A_402, %select_n3A_367 : vector<16xi1>, vector<16xi32>
      %slice3A_404 = vector.extract_strided_slice %get3A_90 {offsets = [7], sizes = [1], strides = [1]} : vector<16xf32> to vector<1xf32>
      %broadcast_in_dim3A_405 = vector.shape_cast %slice3A_404 : vector<1xf32> to vector<1xf32>
      %broadcast_in_dim3A_406 = vector.broadcast %broadcast_in_dim3A_405 : vector<1xf32> to vector<16xf32>
      %slice3A_407 = vector.extract_strided_slice %get3A_102 {offsets = [7], sizes = [1], strides = [1]} : vector<16xf32> to vector<1xf32>
      %broadcast_in_dim3A_408 = vector.shape_cast %slice3A_407 : vector<1xf32> to vector<1xf32>
      %broadcast_in_dim3A_409 = vector.broadcast %broadcast_in_dim3A_408 : vector<1xf32> to vector<16xf32>
      %slice3A_410 = vector.extract_strided_slice %get3A_114 {offsets = [7], sizes = [1], strides = [1]} : vector<16xf32> to vector<1xf32>
      %broadcast_in_dim3A_411 = vector.shape_cast %slice3A_410 : vector<1xf32> to vector<1xf32>
      %broadcast_in_dim3A_412 = vector.broadcast %broadcast_in_dim3A_411 : vector<1xf32> to vector<16xf32>
      %slice3A_413 = vector.extract_strided_slice %get3A_126 {offsets = [7], sizes = [1], strides = [1]} : vector<16xf32> to vector<1xf32>
      %broadcast_in_dim3A_414 = vector.shape_cast %slice3A_413 : vector<1xf32> to vector<1xf32>
      %broadcast_in_dim3A_415 = vector.broadcast %broadcast_in_dim3A_414 : vector<1xf32> to vector<16xf32>
      %slice3A_416 = vector.extract_strided_slice %get3A_136 {offsets = [7], sizes = [1], strides = [1]} : vector<16xf32> to vector<1xf32>
      %broadcast_in_dim3A_417 = vector.shape_cast %slice3A_416 : vector<1xf32> to vector<1xf32>
      %broadcast_in_dim3A_418 = vector.broadcast %broadcast_in_dim3A_417 : vector<1xf32> to vector<16xf32>
      %slice3A_419 = vector.extract_strided_slice %get3A_144 {offsets = [7], sizes = [1], strides = [1]} : vector<16xf32> to vector<1xf32>
      %broadcast_in_dim3A_420 = vector.shape_cast %slice3A_419 : vector<1xf32> to vector<1xf32>
      %broadcast_in_dim3A_421 = vector.broadcast %broadcast_in_dim3A_420 : vector<1xf32> to vector<16xf32>
      %ge3A_422 = arith.cmpf oge, %get3A_62, %broadcast_in_dim3A_412 : vector<16xf32>
      %le3A_423 = arith.cmpf ole, %get3A_62, %broadcast_in_dim3A_415 : vector<16xf32>
      %and3A_424 = arith.andi %ge3A_422, %le3A_423 : vector<16xi1>
      %ge3A_425 = arith.cmpf oge, %get3A_67, %broadcast_in_dim3A_406 : vector<16xf32>
      %and3A_426 = arith.andi %and3A_424, %ge3A_425 : vector<16xi1>
      %le3A_427 = arith.cmpf ole, %get3A_67, %broadcast_in_dim3A_409 : vector<16xf32>
      %and3A_428 = arith.andi %and3A_426, %le3A_427 : vector<16xi1>
      %broadcast_in_dim3A_429 = vector.broadcast %scan3A_3 : f32 to vector<16xf32>
      %select_n3A_430 = arith.select %and3A_428, %broadcast_in_dim3A_418, %broadcast_in_dim3A_429 : vector<16xi1>, vector<16xf32>
      %le3A_431 = arith.cmpf ole, %select_n3A_430, %select_n3A_398 : vector<16xf32>
      %lt3A_432 = arith.cmpf olt, %select_n3A_430, %broadcast_in_dim3A_429 : vector<16xf32>
      %and3A_433 = arith.andi %le3A_431, %lt3A_432 : vector<16xi1>
      %select_n3A_434 = arith.select %and3A_433, %select_n3A_430, %select_n3A_398 : vector<16xi1>, vector<16xf32>
      %jit3A_435 = arith.constant 7 : i32
      %broadcast_in_dim3A_436 = vector.broadcast %jit3A_435 : i32 to vector<16xi32>
      %select_n3A_437 = arith.select %and3A_433, %broadcast_in_dim3A_436, %select_n3A_401 : vector<16xi1>, vector<16xi32>
      %convert_element_type3A_438 = arith.fptosi %broadcast_in_dim3A_421 : vector<16xf32> to vector<16xi32>
      %select_n3A_439 = arith.select %and3A_433, %convert_element_type3A_438, %select_n3A_403 : vector<16xi1>, vector<16xi32>
      %slice3A_440 = vector.extract_strided_slice %get3A_90 {offsets = [8], sizes = [1], strides = [1]} : vector<16xf32> to vector<1xf32>
      %broadcast_in_dim3A_441 = vector.shape_cast %slice3A_440 : vector<1xf32> to vector<1xf32>
      %broadcast_in_dim3A_442 = vector.broadcast %broadcast_in_dim3A_441 : vector<1xf32> to vector<16xf32>
      %slice3A_443 = vector.extract_strided_slice %get3A_102 {offsets = [8], sizes = [1], strides = [1]} : vector<16xf32> to vector<1xf32>
      %broadcast_in_dim3A_444 = vector.shape_cast %slice3A_443 : vector<1xf32> to vector<1xf32>
      %broadcast_in_dim3A_445 = vector.broadcast %broadcast_in_dim3A_444 : vector<1xf32> to vector<16xf32>
      %slice3A_446 = vector.extract_strided_slice %get3A_114 {offsets = [8], sizes = [1], strides = [1]} : vector<16xf32> to vector<1xf32>
      %broadcast_in_dim3A_447 = vector.shape_cast %slice3A_446 : vector<1xf32> to vector<1xf32>
      %broadcast_in_dim3A_448 = vector.broadcast %broadcast_in_dim3A_447 : vector<1xf32> to vector<16xf32>
      %slice3A_449 = vector.extract_strided_slice %get3A_126 {offsets = [8], sizes = [1], strides = [1]} : vector<16xf32> to vector<1xf32>
      %broadcast_in_dim3A_450 = vector.shape_cast %slice3A_449 : vector<1xf32> to vector<1xf32>
      %broadcast_in_dim3A_451 = vector.broadcast %broadcast_in_dim3A_450 : vector<1xf32> to vector<16xf32>
      %slice3A_452 = vector.extract_strided_slice %get3A_136 {offsets = [8], sizes = [1], strides = [1]} : vector<16xf32> to vector<1xf32>
      %broadcast_in_dim3A_453 = vector.shape_cast %slice3A_452 : vector<1xf32> to vector<1xf32>
      %broadcast_in_dim3A_454 = vector.broadcast %broadcast_in_dim3A_453 : vector<1xf32> to vector<16xf32>
      %slice3A_455 = vector.extract_strided_slice %get3A_144 {offsets = [8], sizes = [1], strides = [1]} : vector<16xf32> to vector<1xf32>
      %broadcast_in_dim3A_456 = vector.shape_cast %slice3A_455 : vector<1xf32> to vector<1xf32>
      %broadcast_in_dim3A_457 = vector.broadcast %broadcast_in_dim3A_456 : vector<1xf32> to vector<16xf32>
      %ge3A_458 = arith.cmpf oge, %get3A_62, %broadcast_in_dim3A_448 : vector<16xf32>
      %le3A_459 = arith.cmpf ole, %get3A_62, %broadcast_in_dim3A_451 : vector<16xf32>
      %and3A_460 = arith.andi %ge3A_458, %le3A_459 : vector<16xi1>
      %ge3A_461 = arith.cmpf oge, %get3A_67, %broadcast_in_dim3A_442 : vector<16xf32>
      %and3A_462 = arith.andi %and3A_460, %ge3A_461 : vector<16xi1>
      %le3A_463 = arith.cmpf ole, %get3A_67, %broadcast_in_dim3A_445 : vector<16xf32>
      %and3A_464 = arith.andi %and3A_462, %le3A_463 : vector<16xi1>
      %broadcast_in_dim3A_465 = vector.broadcast %scan3A_3 : f32 to vector<16xf32>
      %select_n3A_466 = arith.select %and3A_464, %broadcast_in_dim3A_454, %broadcast_in_dim3A_465 : vector<16xi1>, vector<16xf32>
      %le3A_467 = arith.cmpf ole, %select_n3A_466, %select_n3A_434 : vector<16xf32>
      %lt3A_468 = arith.cmpf olt, %select_n3A_466, %broadcast_in_dim3A_465 : vector<16xf32>
      %and3A_469 = arith.andi %le3A_467, %lt3A_468 : vector<16xi1>
      %select_n3A_470 = arith.select %and3A_469, %select_n3A_466, %select_n3A_434 : vector<16xi1>, vector<16xf32>
      %jit3A_471 = arith.constant 8 : i32
      %broadcast_in_dim3A_472 = vector.broadcast %jit3A_471 : i32 to vector<16xi32>
      %select_n3A_473 = arith.select %and3A_469, %broadcast_in_dim3A_472, %select_n3A_437 : vector<16xi1>, vector<16xi32>
      %convert_element_type3A_474 = arith.fptosi %broadcast_in_dim3A_457 : vector<16xf32> to vector<16xi32>
      %select_n3A_475 = arith.select %and3A_469, %convert_element_type3A_474, %select_n3A_439 : vector<16xi1>, vector<16xi32>
      %slice3A_476 = vector.extract_strided_slice %get3A_90 {offsets = [9], sizes = [1], strides = [1]} : vector<16xf32> to vector<1xf32>
      %broadcast_in_dim3A_477 = vector.shape_cast %slice3A_476 : vector<1xf32> to vector<1xf32>
      %broadcast_in_dim3A_478 = vector.broadcast %broadcast_in_dim3A_477 : vector<1xf32> to vector<16xf32>
      %slice3A_479 = vector.extract_strided_slice %get3A_102 {offsets = [9], sizes = [1], strides = [1]} : vector<16xf32> to vector<1xf32>
      %broadcast_in_dim3A_480 = vector.shape_cast %slice3A_479 : vector<1xf32> to vector<1xf32>
      %broadcast_in_dim3A_481 = vector.broadcast %broadcast_in_dim3A_480 : vector<1xf32> to vector<16xf32>
      %slice3A_482 = vector.extract_strided_slice %get3A_114 {offsets = [9], sizes = [1], strides = [1]} : vector<16xf32> to vector<1xf32>
      %broadcast_in_dim3A_483 = vector.shape_cast %slice3A_482 : vector<1xf32> to vector<1xf32>
      %broadcast_in_dim3A_484 = vector.broadcast %broadcast_in_dim3A_483 : vector<1xf32> to vector<16xf32>
      %slice3A_485 = vector.extract_strided_slice %get3A_126 {offsets = [9], sizes = [1], strides = [1]} : vector<16xf32> to vector<1xf32>
      %broadcast_in_dim3A_486 = vector.shape_cast %slice3A_485 : vector<1xf32> to vector<1xf32>
      %broadcast_in_dim3A_487 = vector.broadcast %broadcast_in_dim3A_486 : vector<1xf32> to vector<16xf32>
      %slice3A_488 = vector.extract_strided_slice %get3A_136 {offsets = [9], sizes = [1], strides = [1]} : vector<16xf32> to vector<1xf32>
      %broadcast_in_dim3A_489 = vector.shape_cast %slice3A_488 : vector<1xf32> to vector<1xf32>
      %broadcast_in_dim3A_490 = vector.broadcast %broadcast_in_dim3A_489 : vector<1xf32> to vector<16xf32>
      %slice3A_491 = vector.extract_strided_slice %get3A_144 {offsets = [9], sizes = [1], strides = [1]} : vector<16xf32> to vector<1xf32>
      %broadcast_in_dim3A_492 = vector.shape_cast %slice3A_491 : vector<1xf32> to vector<1xf32>
      %broadcast_in_dim3A_493 = vector.broadcast %broadcast_in_dim3A_492 : vector<1xf32> to vector<16xf32>
      %ge3A_494 = arith.cmpf oge, %get3A_62, %broadcast_in_dim3A_484 : vector<16xf32>
      %le3A_495 = arith.cmpf ole, %get3A_62, %broadcast_in_dim3A_487 : vector<16xf32>
      %and3A_496 = arith.andi %ge3A_494, %le3A_495 : vector<16xi1>
      %ge3A_497 = arith.cmpf oge, %get3A_67, %broadcast_in_dim3A_478 : vector<16xf32>
      %and3A_498 = arith.andi %and3A_496, %ge3A_497 : vector<16xi1>
      %le3A_499 = arith.cmpf ole, %get3A_67, %broadcast_in_dim3A_481 : vector<16xf32>
      %and3A_500 = arith.andi %and3A_498, %le3A_499 : vector<16xi1>
      %broadcast_in_dim3A_501 = vector.broadcast %scan3A_3 : f32 to vector<16xf32>
      %select_n3A_502 = arith.select %and3A_500, %broadcast_in_dim3A_490, %broadcast_in_dim3A_501 : vector<16xi1>, vector<16xf32>
      %le3A_503 = arith.cmpf ole, %select_n3A_502, %select_n3A_470 : vector<16xf32>
      %lt3A_504 = arith.cmpf olt, %select_n3A_502, %broadcast_in_dim3A_501 : vector<16xf32>
      %and3A_505 = arith.andi %le3A_503, %lt3A_504 : vector<16xi1>
      %select_n3A_506 = arith.select %and3A_505, %select_n3A_502, %select_n3A_470 : vector<16xi1>, vector<16xf32>
      %jit3A_507 = arith.constant 9 : i32
      %broadcast_in_dim3A_508 = vector.broadcast %jit3A_507 : i32 to vector<16xi32>
      %select_n3A_509 = arith.select %and3A_505, %broadcast_in_dim3A_508, %select_n3A_473 : vector<16xi1>, vector<16xi32>
      %convert_element_type3A_510 = arith.fptosi %broadcast_in_dim3A_493 : vector<16xf32> to vector<16xi32>
      %select_n3A_511 = arith.select %and3A_505, %convert_element_type3A_510, %select_n3A_475 : vector<16xi1>, vector<16xi32>
      %slice3A_512 = vector.extract_strided_slice %get3A_90 {offsets = [10], sizes = [1], strides = [1]} : vector<16xf32> to vector<1xf32>
      %broadcast_in_dim3A_513 = vector.shape_cast %slice3A_512 : vector<1xf32> to vector<1xf32>
      %broadcast_in_dim3A_514 = vector.broadcast %broadcast_in_dim3A_513 : vector<1xf32> to vector<16xf32>
      %slice3A_515 = vector.extract_strided_slice %get3A_102 {offsets = [10], sizes = [1], strides = [1]} : vector<16xf32> to vector<1xf32>
      %broadcast_in_dim3A_516 = vector.shape_cast %slice3A_515 : vector<1xf32> to vector<1xf32>
      %broadcast_in_dim3A_517 = vector.broadcast %broadcast_in_dim3A_516 : vector<1xf32> to vector<16xf32>
      %slice3A_518 = vector.extract_strided_slice %get3A_114 {offsets = [10], sizes = [1], strides = [1]} : vector<16xf32> to vector<1xf32>
      %broadcast_in_dim3A_519 = vector.shape_cast %slice3A_518 : vector<1xf32> to vector<1xf32>
      %broadcast_in_dim3A_520 = vector.broadcast %broadcast_in_dim3A_519 : vector<1xf32> to vector<16xf32>
      %slice3A_521 = vector.extract_strided_slice %get3A_126 {offsets = [10], sizes = [1], strides = [1]} : vector<16xf32> to vector<1xf32>
      %broadcast_in_dim3A_522 = vector.shape_cast %slice3A_521 : vector<1xf32> to vector<1xf32>
      %broadcast_in_dim3A_523 = vector.broadcast %broadcast_in_dim3A_522 : vector<1xf32> to vector<16xf32>
      %slice3A_524 = vector.extract_strided_slice %get3A_136 {offsets = [10], sizes = [1], strides = [1]} : vector<16xf32> to vector<1xf32>
      %broadcast_in_dim3A_525 = vector.shape_cast %slice3A_524 : vector<1xf32> to vector<1xf32>
      %broadcast_in_dim3A_526 = vector.broadcast %broadcast_in_dim3A_525 : vector<1xf32> to vector<16xf32>
      %slice3A_527 = vector.extract_strided_slice %get3A_144 {offsets = [10], sizes = [1], strides = [1]} : vector<16xf32> to vector<1xf32>
      %broadcast_in_dim3A_528 = vector.shape_cast %slice3A_527 : vector<1xf32> to vector<1xf32>
      %broadcast_in_dim3A_529 = vector.broadcast %broadcast_in_dim3A_528 : vector<1xf32> to vector<16xf32>
      %ge3A_530 = arith.cmpf oge, %get3A_62, %broadcast_in_dim3A_520 : vector<16xf32>
      %le3A_531 = arith.cmpf ole, %get3A_62, %broadcast_in_dim3A_523 : vector<16xf32>
      %and3A_532 = arith.andi %ge3A_530, %le3A_531 : vector<16xi1>
      %ge3A_533 = arith.cmpf oge, %get3A_67, %broadcast_in_dim3A_514 : vector<16xf32>
      %and3A_534 = arith.andi %and3A_532, %ge3A_533 : vector<16xi1>
      %le3A_535 = arith.cmpf ole, %get3A_67, %broadcast_in_dim3A_517 : vector<16xf32>
      %and3A_536 = arith.andi %and3A_534, %le3A_535 : vector<16xi1>
      %broadcast_in_dim3A_537 = vector.broadcast %scan3A_3 : f32 to vector<16xf32>
      %select_n3A_538 = arith.select %and3A_536, %broadcast_in_dim3A_526, %broadcast_in_dim3A_537 : vector<16xi1>, vector<16xf32>
      %le3A_539 = arith.cmpf ole, %select_n3A_538, %select_n3A_506 : vector<16xf32>
      %lt3A_540 = arith.cmpf olt, %select_n3A_538, %broadcast_in_dim3A_537 : vector<16xf32>
      %and3A_541 = arith.andi %le3A_539, %lt3A_540 : vector<16xi1>
      %select_n3A_542 = arith.select %and3A_541, %select_n3A_538, %select_n3A_506 : vector<16xi1>, vector<16xf32>
      %jit3A_543 = arith.constant 10 : i32
      %broadcast_in_dim3A_544 = vector.broadcast %jit3A_543 : i32 to vector<16xi32>
      %select_n3A_545 = arith.select %and3A_541, %broadcast_in_dim3A_544, %select_n3A_509 : vector<16xi1>, vector<16xi32>
      %convert_element_type3A_546 = arith.fptosi %broadcast_in_dim3A_529 : vector<16xf32> to vector<16xi32>
      %select_n3A_547 = arith.select %and3A_541, %convert_element_type3A_546, %select_n3A_511 : vector<16xi1>, vector<16xi32>
      %slice3A_548 = vector.extract_strided_slice %get3A_90 {offsets = [11], sizes = [1], strides = [1]} : vector<16xf32> to vector<1xf32>
      %broadcast_in_dim3A_549 = vector.shape_cast %slice3A_548 : vector<1xf32> to vector<1xf32>
      %broadcast_in_dim3A_550 = vector.broadcast %broadcast_in_dim3A_549 : vector<1xf32> to vector<16xf32>
      %slice3A_551 = vector.extract_strided_slice %get3A_102 {offsets = [11], sizes = [1], strides = [1]} : vector<16xf32> to vector<1xf32>
      %broadcast_in_dim3A_552 = vector.shape_cast %slice3A_551 : vector<1xf32> to vector<1xf32>
      %broadcast_in_dim3A_553 = vector.broadcast %broadcast_in_dim3A_552 : vector<1xf32> to vector<16xf32>
      %slice3A_554 = vector.extract_strided_slice %get3A_114 {offsets = [11], sizes = [1], strides = [1]} : vector<16xf32> to vector<1xf32>
      %broadcast_in_dim3A_555 = vector.shape_cast %slice3A_554 : vector<1xf32> to vector<1xf32>
      %broadcast_in_dim3A_556 = vector.broadcast %broadcast_in_dim3A_555 : vector<1xf32> to vector<16xf32>
      %slice3A_557 = vector.extract_strided_slice %get3A_126 {offsets = [11], sizes = [1], strides = [1]} : vector<16xf32> to vector<1xf32>
      %broadcast_in_dim3A_558 = vector.shape_cast %slice3A_557 : vector<1xf32> to vector<1xf32>
      %broadcast_in_dim3A_559 = vector.broadcast %broadcast_in_dim3A_558 : vector<1xf32> to vector<16xf32>
      %slice3A_560 = vector.extract_strided_slice %get3A_136 {offsets = [11], sizes = [1], strides = [1]} : vector<16xf32> to vector<1xf32>
      %broadcast_in_dim3A_561 = vector.shape_cast %slice3A_560 : vector<1xf32> to vector<1xf32>
      %broadcast_in_dim3A_562 = vector.broadcast %broadcast_in_dim3A_561 : vector<1xf32> to vector<16xf32>
      %slice3A_563 = vector.extract_strided_slice %get3A_144 {offsets = [11], sizes = [1], strides = [1]} : vector<16xf32> to vector<1xf32>
      %broadcast_in_dim3A_564 = vector.shape_cast %slice3A_563 : vector<1xf32> to vector<1xf32>
      %broadcast_in_dim3A_565 = vector.broadcast %broadcast_in_dim3A_564 : vector<1xf32> to vector<16xf32>
      %ge3A_566 = arith.cmpf oge, %get3A_62, %broadcast_in_dim3A_556 : vector<16xf32>
      %le3A_567 = arith.cmpf ole, %get3A_62, %broadcast_in_dim3A_559 : vector<16xf32>
      %and3A_568 = arith.andi %ge3A_566, %le3A_567 : vector<16xi1>
      %ge3A_569 = arith.cmpf oge, %get3A_67, %broadcast_in_dim3A_550 : vector<16xf32>
      %and3A_570 = arith.andi %and3A_568, %ge3A_569 : vector<16xi1>
      %le3A_571 = arith.cmpf ole, %get3A_67, %broadcast_in_dim3A_553 : vector<16xf32>
      %and3A_572 = arith.andi %and3A_570, %le3A_571 : vector<16xi1>
      %broadcast_in_dim3A_573 = vector.broadcast %scan3A_3 : f32 to vector<16xf32>
      %select_n3A_574 = arith.select %and3A_572, %broadcast_in_dim3A_562, %broadcast_in_dim3A_573 : vector<16xi1>, vector<16xf32>
      %le3A_575 = arith.cmpf ole, %select_n3A_574, %select_n3A_542 : vector<16xf32>
      %lt3A_576 = arith.cmpf olt, %select_n3A_574, %broadcast_in_dim3A_573 : vector<16xf32>
      %and3A_577 = arith.andi %le3A_575, %lt3A_576 : vector<16xi1>
      %select_n3A_578 = arith.select %and3A_577, %select_n3A_574, %select_n3A_542 : vector<16xi1>, vector<16xf32>
      %jit3A_579 = arith.constant 11 : i32
      %broadcast_in_dim3A_580 = vector.broadcast %jit3A_579 : i32 to vector<16xi32>
      %select_n3A_581 = arith.select %and3A_577, %broadcast_in_dim3A_580, %select_n3A_545 : vector<16xi1>, vector<16xi32>
      %convert_element_type3A_582 = arith.fptosi %broadcast_in_dim3A_565 : vector<16xf32> to vector<16xi32>
      %select_n3A_583 = arith.select %and3A_577, %convert_element_type3A_582, %select_n3A_547 : vector<16xi1>, vector<16xi32>
      %slice3A_584 = vector.extract_strided_slice %get3A_90 {offsets = [12], sizes = [1], strides = [1]} : vector<16xf32> to vector<1xf32>
      %broadcast_in_dim3A_585 = vector.shape_cast %slice3A_584 : vector<1xf32> to vector<1xf32>
      %broadcast_in_dim3A_586 = vector.broadcast %broadcast_in_dim3A_585 : vector<1xf32> to vector<16xf32>
      %slice3A_587 = vector.extract_strided_slice %get3A_102 {offsets = [12], sizes = [1], strides = [1]} : vector<16xf32> to vector<1xf32>
      %broadcast_in_dim3A_588 = vector.shape_cast %slice3A_587 : vector<1xf32> to vector<1xf32>
      %broadcast_in_dim3A_589 = vector.broadcast %broadcast_in_dim3A_588 : vector<1xf32> to vector<16xf32>
      %slice3A_590 = vector.extract_strided_slice %get3A_114 {offsets = [12], sizes = [1], strides = [1]} : vector<16xf32> to vector<1xf32>
      %broadcast_in_dim3A_591 = vector.shape_cast %slice3A_590 : vector<1xf32> to vector<1xf32>
      %broadcast_in_dim3A_592 = vector.broadcast %broadcast_in_dim3A_591 : vector<1xf32> to vector<16xf32>
      %slice3A_593 = vector.extract_strided_slice %get3A_126 {offsets = [12], sizes = [1], strides = [1]} : vector<16xf32> to vector<1xf32>
      %broadcast_in_dim3A_594 = vector.shape_cast %slice3A_593 : vector<1xf32> to vector<1xf32>
      %broadcast_in_dim3A_595 = vector.broadcast %broadcast_in_dim3A_594 : vector<1xf32> to vector<16xf32>
      %slice3A_596 = vector.extract_strided_slice %get3A_136 {offsets = [12], sizes = [1], strides = [1]} : vector<16xf32> to vector<1xf32>
      %broadcast_in_dim3A_597 = vector.shape_cast %slice3A_596 : vector<1xf32> to vector<1xf32>
      %broadcast_in_dim3A_598 = vector.broadcast %broadcast_in_dim3A_597 : vector<1xf32> to vector<16xf32>
      %slice3A_599 = vector.extract_strided_slice %get3A_144 {offsets = [12], sizes = [1], strides = [1]} : vector<16xf32> to vector<1xf32>
      %broadcast_in_dim3A_600 = vector.shape_cast %slice3A_599 : vector<1xf32> to vector<1xf32>
      %broadcast_in_dim3A_601 = vector.broadcast %broadcast_in_dim3A_600 : vector<1xf32> to vector<16xf32>
      %ge3A_602 = arith.cmpf oge, %get3A_62, %broadcast_in_dim3A_592 : vector<16xf32>
      %le3A_603 = arith.cmpf ole, %get3A_62, %broadcast_in_dim3A_595 : vector<16xf32>
      %and3A_604 = arith.andi %ge3A_602, %le3A_603 : vector<16xi1>
      %ge3A_605 = arith.cmpf oge, %get3A_67, %broadcast_in_dim3A_586 : vector<16xf32>
      %and3A_606 = arith.andi %and3A_604, %ge3A_605 : vector<16xi1>
      %le3A_607 = arith.cmpf ole, %get3A_67, %broadcast_in_dim3A_589 : vector<16xf32>
      %and3A_608 = arith.andi %and3A_606, %le3A_607 : vector<16xi1>
      %broadcast_in_dim3A_609 = vector.broadcast %scan3A_3 : f32 to vector<16xf32>
      %select_n3A_610 = arith.select %and3A_608, %broadcast_in_dim3A_598, %broadcast_in_dim3A_609 : vector<16xi1>, vector<16xf32>
      %le3A_611 = arith.cmpf ole, %select_n3A_610, %select_n3A_578 : vector<16xf32>
      %lt3A_612 = arith.cmpf olt, %select_n3A_610, %broadcast_in_dim3A_609 : vector<16xf32>
      %and3A_613 = arith.andi %le3A_611, %lt3A_612 : vector<16xi1>
      %select_n3A_614 = arith.select %and3A_613, %select_n3A_610, %select_n3A_578 : vector<16xi1>, vector<16xf32>
      %jit3A_615 = arith.constant 12 : i32
      %broadcast_in_dim3A_616 = vector.broadcast %jit3A_615 : i32 to vector<16xi32>
      %select_n3A_617 = arith.select %and3A_613, %broadcast_in_dim3A_616, %select_n3A_581 : vector<16xi1>, vector<16xi32>
      %convert_element_type3A_618 = arith.fptosi %broadcast_in_dim3A_601 : vector<16xf32> to vector<16xi32>
      %select_n3A_619 = arith.select %and3A_613, %convert_element_type3A_618, %select_n3A_583 : vector<16xi1>, vector<16xi32>
      %slice3A_620 = vector.extract_strided_slice %get3A_90 {offsets = [13], sizes = [1], strides = [1]} : vector<16xf32> to vector<1xf32>
      %broadcast_in_dim3A_621 = vector.shape_cast %slice3A_620 : vector<1xf32> to vector<1xf32>
      %broadcast_in_dim3A_622 = vector.broadcast %broadcast_in_dim3A_621 : vector<1xf32> to vector<16xf32>
      %slice3A_623 = vector.extract_strided_slice %get3A_102 {offsets = [13], sizes = [1], strides = [1]} : vector<16xf32> to vector<1xf32>
      %broadcast_in_dim3A_624 = vector.shape_cast %slice3A_623 : vector<1xf32> to vector<1xf32>
      %broadcast_in_dim3A_625 = vector.broadcast %broadcast_in_dim3A_624 : vector<1xf32> to vector<16xf32>
      %slice3A_626 = vector.extract_strided_slice %get3A_114 {offsets = [13], sizes = [1], strides = [1]} : vector<16xf32> to vector<1xf32>
      %broadcast_in_dim3A_627 = vector.shape_cast %slice3A_626 : vector<1xf32> to vector<1xf32>
      %broadcast_in_dim3A_628 = vector.broadcast %broadcast_in_dim3A_627 : vector<1xf32> to vector<16xf32>
      %slice3A_629 = vector.extract_strided_slice %get3A_126 {offsets = [13], sizes = [1], strides = [1]} : vector<16xf32> to vector<1xf32>
      %broadcast_in_dim3A_630 = vector.shape_cast %slice3A_629 : vector<1xf32> to vector<1xf32>
      %broadcast_in_dim3A_631 = vector.broadcast %broadcast_in_dim3A_630 : vector<1xf32> to vector<16xf32>
      %slice3A_632 = vector.extract_strided_slice %get3A_136 {offsets = [13], sizes = [1], strides = [1]} : vector<16xf32> to vector<1xf32>
      %broadcast_in_dim3A_633 = vector.shape_cast %slice3A_632 : vector<1xf32> to vector<1xf32>
      %broadcast_in_dim3A_634 = vector.broadcast %broadcast_in_dim3A_633 : vector<1xf32> to vector<16xf32>
      %slice3A_635 = vector.extract_strided_slice %get3A_144 {offsets = [13], sizes = [1], strides = [1]} : vector<16xf32> to vector<1xf32>
      %broadcast_in_dim3A_636 = vector.shape_cast %slice3A_635 : vector<1xf32> to vector<1xf32>
      %broadcast_in_dim3A_637 = vector.broadcast %broadcast_in_dim3A_636 : vector<1xf32> to vector<16xf32>
      %ge3A_638 = arith.cmpf oge, %get3A_62, %broadcast_in_dim3A_628 : vector<16xf32>
      %le3A_639 = arith.cmpf ole, %get3A_62, %broadcast_in_dim3A_631 : vector<16xf32>
      %and3A_640 = arith.andi %ge3A_638, %le3A_639 : vector<16xi1>
      %ge3A_641 = arith.cmpf oge, %get3A_67, %broadcast_in_dim3A_622 : vector<16xf32>
      %and3A_642 = arith.andi %and3A_640, %ge3A_641 : vector<16xi1>
      %le3A_643 = arith.cmpf ole, %get3A_67, %broadcast_in_dim3A_625 : vector<16xf32>
      %and3A_644 = arith.andi %and3A_642, %le3A_643 : vector<16xi1>
      %broadcast_in_dim3A_645 = vector.broadcast %scan3A_3 : f32 to vector<16xf32>
      %select_n3A_646 = arith.select %and3A_644, %broadcast_in_dim3A_634, %broadcast_in_dim3A_645 : vector<16xi1>, vector<16xf32>
      %le3A_647 = arith.cmpf ole, %select_n3A_646, %select_n3A_614 : vector<16xf32>
      %lt3A_648 = arith.cmpf olt, %select_n3A_646, %broadcast_in_dim3A_645 : vector<16xf32>
      %and3A_649 = arith.andi %le3A_647, %lt3A_648 : vector<16xi1>
      %select_n3A_650 = arith.select %and3A_649, %select_n3A_646, %select_n3A_614 : vector<16xi1>, vector<16xf32>
      %jit3A_651 = arith.constant 13 : i32
      %broadcast_in_dim3A_652 = vector.broadcast %jit3A_651 : i32 to vector<16xi32>
      %select_n3A_653 = arith.select %and3A_649, %broadcast_in_dim3A_652, %select_n3A_617 : vector<16xi1>, vector<16xi32>
      %convert_element_type3A_654 = arith.fptosi %broadcast_in_dim3A_637 : vector<16xf32> to vector<16xi32>
      %select_n3A_655 = arith.select %and3A_649, %convert_element_type3A_654, %select_n3A_619 : vector<16xi1>, vector<16xi32>
      %slice3A_656 = vector.extract_strided_slice %get3A_90 {offsets = [14], sizes = [1], strides = [1]} : vector<16xf32> to vector<1xf32>
      %broadcast_in_dim3A_657 = vector.shape_cast %slice3A_656 : vector<1xf32> to vector<1xf32>
      %broadcast_in_dim3A_658 = vector.broadcast %broadcast_in_dim3A_657 : vector<1xf32> to vector<16xf32>
      %slice3A_659 = vector.extract_strided_slice %get3A_102 {offsets = [14], sizes = [1], strides = [1]} : vector<16xf32> to vector<1xf32>
      %broadcast_in_dim3A_660 = vector.shape_cast %slice3A_659 : vector<1xf32> to vector<1xf32>
      %broadcast_in_dim3A_661 = vector.broadcast %broadcast_in_dim3A_660 : vector<1xf32> to vector<16xf32>
      %slice3A_662 = vector.extract_strided_slice %get3A_114 {offsets = [14], sizes = [1], strides = [1]} : vector<16xf32> to vector<1xf32>
      %broadcast_in_dim3A_663 = vector.shape_cast %slice3A_662 : vector<1xf32> to vector<1xf32>
      %broadcast_in_dim3A_664 = vector.broadcast %broadcast_in_dim3A_663 : vector<1xf32> to vector<16xf32>
      %slice3A_665 = vector.extract_strided_slice %get3A_126 {offsets = [14], sizes = [1], strides = [1]} : vector<16xf32> to vector<1xf32>
      %broadcast_in_dim3A_666 = vector.shape_cast %slice3A_665 : vector<1xf32> to vector<1xf32>
      %broadcast_in_dim3A_667 = vector.broadcast %broadcast_in_dim3A_666 : vector<1xf32> to vector<16xf32>
      %slice3A_668 = vector.extract_strided_slice %get3A_136 {offsets = [14], sizes = [1], strides = [1]} : vector<16xf32> to vector<1xf32>
      %broadcast_in_dim3A_669 = vector.shape_cast %slice3A_668 : vector<1xf32> to vector<1xf32>
      %broadcast_in_dim3A_670 = vector.broadcast %broadcast_in_dim3A_669 : vector<1xf32> to vector<16xf32>
      %slice3A_671 = vector.extract_strided_slice %get3A_144 {offsets = [14], sizes = [1], strides = [1]} : vector<16xf32> to vector<1xf32>
      %broadcast_in_dim3A_672 = vector.shape_cast %slice3A_671 : vector<1xf32> to vector<1xf32>
      %broadcast_in_dim3A_673 = vector.broadcast %broadcast_in_dim3A_672 : vector<1xf32> to vector<16xf32>
      %ge3A_674 = arith.cmpf oge, %get3A_62, %broadcast_in_dim3A_664 : vector<16xf32>
      %le3A_675 = arith.cmpf ole, %get3A_62, %broadcast_in_dim3A_667 : vector<16xf32>
      %and3A_676 = arith.andi %ge3A_674, %le3A_675 : vector<16xi1>
      %ge3A_677 = arith.cmpf oge, %get3A_67, %broadcast_in_dim3A_658 : vector<16xf32>
      %and3A_678 = arith.andi %and3A_676, %ge3A_677 : vector<16xi1>
      %le3A_679 = arith.cmpf ole, %get3A_67, %broadcast_in_dim3A_661 : vector<16xf32>
      %and3A_680 = arith.andi %and3A_678, %le3A_679 : vector<16xi1>
      %broadcast_in_dim3A_681 = vector.broadcast %scan3A_3 : f32 to vector<16xf32>
      %select_n3A_682 = arith.select %and3A_680, %broadcast_in_dim3A_670, %broadcast_in_dim3A_681 : vector<16xi1>, vector<16xf32>
      %le3A_683 = arith.cmpf ole, %select_n3A_682, %select_n3A_650 : vector<16xf32>
      %lt3A_684 = arith.cmpf olt, %select_n3A_682, %broadcast_in_dim3A_681 : vector<16xf32>
      %and3A_685 = arith.andi %le3A_683, %lt3A_684 : vector<16xi1>
      %select_n3A_686 = arith.select %and3A_685, %select_n3A_682, %select_n3A_650 : vector<16xi1>, vector<16xf32>
      %jit3A_687 = arith.constant 14 : i32
      %broadcast_in_dim3A_688 = vector.broadcast %jit3A_687 : i32 to vector<16xi32>
      %select_n3A_689 = arith.select %and3A_685, %broadcast_in_dim3A_688, %select_n3A_653 : vector<16xi1>, vector<16xi32>
      %convert_element_type3A_690 = arith.fptosi %broadcast_in_dim3A_673 : vector<16xf32> to vector<16xi32>
      %select_n3A_691 = arith.select %and3A_685, %convert_element_type3A_690, %select_n3A_655 : vector<16xi1>, vector<16xi32>
      %slice3A_692 = vector.extract_strided_slice %get3A_90 {offsets = [15], sizes = [1], strides = [1]} : vector<16xf32> to vector<1xf32>
      %broadcast_in_dim3A_693 = vector.shape_cast %slice3A_692 : vector<1xf32> to vector<1xf32>
      %broadcast_in_dim3A_694 = vector.broadcast %broadcast_in_dim3A_693 : vector<1xf32> to vector<16xf32>
      %slice3A_695 = vector.extract_strided_slice %get3A_102 {offsets = [15], sizes = [1], strides = [1]} : vector<16xf32> to vector<1xf32>
      %broadcast_in_dim3A_696 = vector.shape_cast %slice3A_695 : vector<1xf32> to vector<1xf32>
      %broadcast_in_dim3A_697 = vector.broadcast %broadcast_in_dim3A_696 : vector<1xf32> to vector<16xf32>
      %slice3A_698 = vector.extract_strided_slice %get3A_114 {offsets = [15], sizes = [1], strides = [1]} : vector<16xf32> to vector<1xf32>
      %broadcast_in_dim3A_699 = vector.shape_cast %slice3A_698 : vector<1xf32> to vector<1xf32>
      %broadcast_in_dim3A_700 = vector.broadcast %broadcast_in_dim3A_699 : vector<1xf32> to vector<16xf32>
      %slice3A_701 = vector.extract_strided_slice %get3A_126 {offsets = [15], sizes = [1], strides = [1]} : vector<16xf32> to vector<1xf32>
      %broadcast_in_dim3A_702 = vector.shape_cast %slice3A_701 : vector<1xf32> to vector<1xf32>
      %broadcast_in_dim3A_703 = vector.broadcast %broadcast_in_dim3A_702 : vector<1xf32> to vector<16xf32>
      %slice3A_704 = vector.extract_strided_slice %get3A_136 {offsets = [15], sizes = [1], strides = [1]} : vector<16xf32> to vector<1xf32>
      %broadcast_in_dim3A_705 = vector.shape_cast %slice3A_704 : vector<1xf32> to vector<1xf32>
      %broadcast_in_dim3A_706 = vector.broadcast %broadcast_in_dim3A_705 : vector<1xf32> to vector<16xf32>
      %slice3A_707 = vector.extract_strided_slice %get3A_144 {offsets = [15], sizes = [1], strides = [1]} : vector<16xf32> to vector<1xf32>
      %broadcast_in_dim3A_708 = vector.shape_cast %slice3A_707 : vector<1xf32> to vector<1xf32>
      %broadcast_in_dim3A_709 = vector.broadcast %broadcast_in_dim3A_708 : vector<1xf32> to vector<16xf32>
      %ge3A_710 = arith.cmpf oge, %get3A_62, %broadcast_in_dim3A_700 : vector<16xf32>
      %le3A_711 = arith.cmpf ole, %get3A_62, %broadcast_in_dim3A_703 : vector<16xf32>
      %and3A_712 = arith.andi %ge3A_710, %le3A_711 : vector<16xi1>
      %ge3A_713 = arith.cmpf oge, %get3A_67, %broadcast_in_dim3A_694 : vector<16xf32>
      %and3A_714 = arith.andi %and3A_712, %ge3A_713 : vector<16xi1>
      %le3A_715 = arith.cmpf ole, %get3A_67, %broadcast_in_dim3A_697 : vector<16xf32>
      %and3A_716 = arith.andi %and3A_714, %le3A_715 : vector<16xi1>
      %broadcast_in_dim3A_717 = vector.broadcast %scan3A_3 : f32 to vector<16xf32>
      %select_n3A_718 = arith.select %and3A_716, %broadcast_in_dim3A_706, %broadcast_in_dim3A_717 : vector<16xi1>, vector<16xf32>
      %le3A_719 = arith.cmpf ole, %select_n3A_718, %select_n3A_686 : vector<16xf32>
      %lt3A_720 = arith.cmpf olt, %select_n3A_718, %broadcast_in_dim3A_717 : vector<16xf32>
      %and3A_721 = arith.andi %le3A_719, %lt3A_720 : vector<16xi1>
      %select_n3A_722 = arith.select %and3A_721, %select_n3A_718, %select_n3A_686 : vector<16xi1>, vector<16xf32>
      %jit3A_723 = arith.constant 15 : i32
      %broadcast_in_dim3A_724 = vector.broadcast %jit3A_723 : i32 to vector<16xi32>
      %select_n3A_725 = arith.select %and3A_721, %broadcast_in_dim3A_724, %select_n3A_689 : vector<16xi1>, vector<16xi32>
      %convert_element_type3A_726 = arith.fptosi %broadcast_in_dim3A_709 : vector<16xf32> to vector<16xi32>
      %select_n3A_727 = arith.select %and3A_721, %convert_element_type3A_726, %select_n3A_691 : vector<16xi1>, vector<16xi32>
      %slice3A_728 = vector.extract_strided_slice %get3A_97 {offsets = [0], sizes = [1], strides = [1]} : vector<16xf32> to vector<1xf32>
      %broadcast_in_dim3A_729 = vector.shape_cast %slice3A_728 : vector<1xf32> to vector<1xf32>
      %broadcast_in_dim3A_730 = vector.broadcast %broadcast_in_dim3A_729 : vector<1xf32> to vector<16xf32>
      %slice3A_731 = vector.extract_strided_slice %get3A_109 {offsets = [0], sizes = [1], strides = [1]} : vector<16xf32> to vector<1xf32>
      %broadcast_in_dim3A_732 = vector.shape_cast %slice3A_731 : vector<1xf32> to vector<1xf32>
      %broadcast_in_dim3A_733 = vector.broadcast %broadcast_in_dim3A_732 : vector<1xf32> to vector<16xf32>
      %slice3A_734 = vector.extract_strided_slice %get3A_121 {offsets = [0], sizes = [1], strides = [1]} : vector<16xf32> to vector<1xf32>
      %broadcast_in_dim3A_735 = vector.shape_cast %slice3A_734 : vector<1xf32> to vector<1xf32>
      %broadcast_in_dim3A_736 = vector.broadcast %broadcast_in_dim3A_735 : vector<1xf32> to vector<16xf32>
      %slice3A_737 = vector.extract_strided_slice %get3A_133 {offsets = [0], sizes = [1], strides = [1]} : vector<16xf32> to vector<1xf32>
      %broadcast_in_dim3A_738 = vector.shape_cast %slice3A_737 : vector<1xf32> to vector<1xf32>
      %broadcast_in_dim3A_739 = vector.broadcast %broadcast_in_dim3A_738 : vector<1xf32> to vector<16xf32>
      %slice3A_740 = vector.extract_strided_slice %get3A_141 {offsets = [0], sizes = [1], strides = [1]} : vector<16xf32> to vector<1xf32>
      %broadcast_in_dim3A_741 = vector.shape_cast %slice3A_740 : vector<1xf32> to vector<1xf32>
      %broadcast_in_dim3A_742 = vector.broadcast %broadcast_in_dim3A_741 : vector<1xf32> to vector<16xf32>
      %slice3A_743 = vector.extract_strided_slice %get3A_149 {offsets = [0], sizes = [1], strides = [1]} : vector<16xf32> to vector<1xf32>
      %broadcast_in_dim3A_744 = vector.shape_cast %slice3A_743 : vector<1xf32> to vector<1xf32>
      %broadcast_in_dim3A_745 = vector.broadcast %broadcast_in_dim3A_744 : vector<1xf32> to vector<16xf32>
      %ge3A_746 = arith.cmpf oge, %get3A_62, %broadcast_in_dim3A_736 : vector<16xf32>
      %le3A_747 = arith.cmpf ole, %get3A_62, %broadcast_in_dim3A_739 : vector<16xf32>
      %and3A_748 = arith.andi %ge3A_746, %le3A_747 : vector<16xi1>
      %ge3A_749 = arith.cmpf oge, %get3A_67, %broadcast_in_dim3A_730 : vector<16xf32>
      %and3A_750 = arith.andi %and3A_748, %ge3A_749 : vector<16xi1>
      %le3A_751 = arith.cmpf ole, %get3A_67, %broadcast_in_dim3A_733 : vector<16xf32>
      %and3A_752 = arith.andi %and3A_750, %le3A_751 : vector<16xi1>
      %broadcast_in_dim3A_753 = vector.broadcast %scan3A_3 : f32 to vector<16xf32>
      %select_n3A_754 = arith.select %and3A_752, %broadcast_in_dim3A_742, %broadcast_in_dim3A_753 : vector<16xi1>, vector<16xf32>
      %le3A_755 = arith.cmpf ole, %select_n3A_754, %select_n3A_722 : vector<16xf32>
      %lt3A_756 = arith.cmpf olt, %select_n3A_754, %broadcast_in_dim3A_753 : vector<16xf32>
      %and3A_757 = arith.andi %le3A_755, %lt3A_756 : vector<16xi1>
      %select_n3A_758 = arith.select %and3A_757, %select_n3A_754, %select_n3A_722 : vector<16xi1>, vector<16xf32>
      %jit3A_759 = arith.constant 16 : i32
      %broadcast_in_dim3A_760 = vector.broadcast %jit3A_759 : i32 to vector<16xi32>
      %select_n3A_761 = arith.select %and3A_757, %broadcast_in_dim3A_760, %select_n3A_725 : vector<16xi1>, vector<16xi32>
      %convert_element_type3A_762 = arith.fptosi %broadcast_in_dim3A_745 : vector<16xf32> to vector<16xi32>
      %select_n3A_763 = arith.select %and3A_757, %convert_element_type3A_762, %select_n3A_727 : vector<16xi1>, vector<16xi32>
      %slice3A_764 = vector.extract_strided_slice %get3A_97 {offsets = [1], sizes = [1], strides = [1]} : vector<16xf32> to vector<1xf32>
      %broadcast_in_dim3A_765 = vector.shape_cast %slice3A_764 : vector<1xf32> to vector<1xf32>
      %broadcast_in_dim3A_766 = vector.broadcast %broadcast_in_dim3A_765 : vector<1xf32> to vector<16xf32>
      %slice3A_767 = vector.extract_strided_slice %get3A_109 {offsets = [1], sizes = [1], strides = [1]} : vector<16xf32> to vector<1xf32>
      %broadcast_in_dim3A_768 = vector.shape_cast %slice3A_767 : vector<1xf32> to vector<1xf32>
      %broadcast_in_dim3A_769 = vector.broadcast %broadcast_in_dim3A_768 : vector<1xf32> to vector<16xf32>
      %slice3A_770 = vector.extract_strided_slice %get3A_121 {offsets = [1], sizes = [1], strides = [1]} : vector<16xf32> to vector<1xf32>
      %broadcast_in_dim3A_771 = vector.shape_cast %slice3A_770 : vector<1xf32> to vector<1xf32>
      %broadcast_in_dim3A_772 = vector.broadcast %broadcast_in_dim3A_771 : vector<1xf32> to vector<16xf32>
      %slice3A_773 = vector.extract_strided_slice %get3A_133 {offsets = [1], sizes = [1], strides = [1]} : vector<16xf32> to vector<1xf32>
      %broadcast_in_dim3A_774 = vector.shape_cast %slice3A_773 : vector<1xf32> to vector<1xf32>
      %broadcast_in_dim3A_775 = vector.broadcast %broadcast_in_dim3A_774 : vector<1xf32> to vector<16xf32>
      %slice3A_776 = vector.extract_strided_slice %get3A_141 {offsets = [1], sizes = [1], strides = [1]} : vector<16xf32> to vector<1xf32>
      %broadcast_in_dim3A_777 = vector.shape_cast %slice3A_776 : vector<1xf32> to vector<1xf32>
      %broadcast_in_dim3A_778 = vector.broadcast %broadcast_in_dim3A_777 : vector<1xf32> to vector<16xf32>
      %slice3A_779 = vector.extract_strided_slice %get3A_149 {offsets = [1], sizes = [1], strides = [1]} : vector<16xf32> to vector<1xf32>
      %broadcast_in_dim3A_780 = vector.shape_cast %slice3A_779 : vector<1xf32> to vector<1xf32>
      %broadcast_in_dim3A_781 = vector.broadcast %broadcast_in_dim3A_780 : vector<1xf32> to vector<16xf32>
      %ge3A_782 = arith.cmpf oge, %get3A_62, %broadcast_in_dim3A_772 : vector<16xf32>
      %le3A_783 = arith.cmpf ole, %get3A_62, %broadcast_in_dim3A_775 : vector<16xf32>
      %and3A_784 = arith.andi %ge3A_782, %le3A_783 : vector<16xi1>
      %ge3A_785 = arith.cmpf oge, %get3A_67, %broadcast_in_dim3A_766 : vector<16xf32>
      %and3A_786 = arith.andi %and3A_784, %ge3A_785 : vector<16xi1>
      %le3A_787 = arith.cmpf ole, %get3A_67, %broadcast_in_dim3A_769 : vector<16xf32>
      %and3A_788 = arith.andi %and3A_786, %le3A_787 : vector<16xi1>
      %broadcast_in_dim3A_789 = vector.broadcast %scan3A_3 : f32 to vector<16xf32>
      %select_n3A_790 = arith.select %and3A_788, %broadcast_in_dim3A_778, %broadcast_in_dim3A_789 : vector<16xi1>, vector<16xf32>
      %le3A_791 = arith.cmpf ole, %select_n3A_790, %select_n3A_758 : vector<16xf32>
      %lt3A_792 = arith.cmpf olt, %select_n3A_790, %broadcast_in_dim3A_789 : vector<16xf32>
      %and3A_793 = arith.andi %le3A_791, %lt3A_792 : vector<16xi1>
      %select_n3A_794 = arith.select %and3A_793, %select_n3A_790, %select_n3A_758 : vector<16xi1>, vector<16xf32>
      %jit3A_795 = arith.constant 17 : i32
      %broadcast_in_dim3A_796 = vector.broadcast %jit3A_795 : i32 to vector<16xi32>
      %select_n3A_797 = arith.select %and3A_793, %broadcast_in_dim3A_796, %select_n3A_761 : vector<16xi1>, vector<16xi32>
      %convert_element_type3A_798 = arith.fptosi %broadcast_in_dim3A_781 : vector<16xf32> to vector<16xi32>
      %select_n3A_799 = arith.select %and3A_793, %convert_element_type3A_798, %select_n3A_763 : vector<16xi1>, vector<16xi32>
      %slice3A_800 = vector.extract_strided_slice %get3A_97 {offsets = [2], sizes = [1], strides = [1]} : vector<16xf32> to vector<1xf32>
      %broadcast_in_dim3A_801 = vector.shape_cast %slice3A_800 : vector<1xf32> to vector<1xf32>
      %broadcast_in_dim3A_802 = vector.broadcast %broadcast_in_dim3A_801 : vector<1xf32> to vector<16xf32>
      %slice3A_803 = vector.extract_strided_slice %get3A_109 {offsets = [2], sizes = [1], strides = [1]} : vector<16xf32> to vector<1xf32>
      %broadcast_in_dim3A_804 = vector.shape_cast %slice3A_803 : vector<1xf32> to vector<1xf32>
      %broadcast_in_dim3A_805 = vector.broadcast %broadcast_in_dim3A_804 : vector<1xf32> to vector<16xf32>
      %slice3A_806 = vector.extract_strided_slice %get3A_121 {offsets = [2], sizes = [1], strides = [1]} : vector<16xf32> to vector<1xf32>
      %broadcast_in_dim3A_807 = vector.shape_cast %slice3A_806 : vector<1xf32> to vector<1xf32>
      %broadcast_in_dim3A_808 = vector.broadcast %broadcast_in_dim3A_807 : vector<1xf32> to vector<16xf32>
      %slice3A_809 = vector.extract_strided_slice %get3A_133 {offsets = [2], sizes = [1], strides = [1]} : vector<16xf32> to vector<1xf32>
      %broadcast_in_dim3A_810 = vector.shape_cast %slice3A_809 : vector<1xf32> to vector<1xf32>
      %broadcast_in_dim3A_811 = vector.broadcast %broadcast_in_dim3A_810 : vector<1xf32> to vector<16xf32>
      %slice3A_812 = vector.extract_strided_slice %get3A_141 {offsets = [2], sizes = [1], strides = [1]} : vector<16xf32> to vector<1xf32>
      %broadcast_in_dim3A_813 = vector.shape_cast %slice3A_812 : vector<1xf32> to vector<1xf32>
      %broadcast_in_dim3A_814 = vector.broadcast %broadcast_in_dim3A_813 : vector<1xf32> to vector<16xf32>
      %slice3A_815 = vector.extract_strided_slice %get3A_149 {offsets = [2], sizes = [1], strides = [1]} : vector<16xf32> to vector<1xf32>
      %broadcast_in_dim3A_816 = vector.shape_cast %slice3A_815 : vector<1xf32> to vector<1xf32>
      %broadcast_in_dim3A_817 = vector.broadcast %broadcast_in_dim3A_816 : vector<1xf32> to vector<16xf32>
      %ge3A_818 = arith.cmpf oge, %get3A_62, %broadcast_in_dim3A_808 : vector<16xf32>
      %le3A_819 = arith.cmpf ole, %get3A_62, %broadcast_in_dim3A_811 : vector<16xf32>
      %and3A_820 = arith.andi %ge3A_818, %le3A_819 : vector<16xi1>
      %ge3A_821 = arith.cmpf oge, %get3A_67, %broadcast_in_dim3A_802 : vector<16xf32>
      %and3A_822 = arith.andi %and3A_820, %ge3A_821 : vector<16xi1>
      %le3A_823 = arith.cmpf ole, %get3A_67, %broadcast_in_dim3A_805 : vector<16xf32>
      %and3A_824 = arith.andi %and3A_822, %le3A_823 : vector<16xi1>
      %broadcast_in_dim3A_825 = vector.broadcast %scan3A_3 : f32 to vector<16xf32>
      %select_n3A_826 = arith.select %and3A_824, %broadcast_in_dim3A_814, %broadcast_in_dim3A_825 : vector<16xi1>, vector<16xf32>
      %le3A_827 = arith.cmpf ole, %select_n3A_826, %select_n3A_794 : vector<16xf32>
      %lt3A_828 = arith.cmpf olt, %select_n3A_826, %broadcast_in_dim3A_825 : vector<16xf32>
      %and3A_829 = arith.andi %le3A_827, %lt3A_828 : vector<16xi1>
      %select_n3A_830 = arith.select %and3A_829, %select_n3A_826, %select_n3A_794 : vector<16xi1>, vector<16xf32>
      %jit3A_831 = arith.constant 18 : i32
      %broadcast_in_dim3A_832 = vector.broadcast %jit3A_831 : i32 to vector<16xi32>
      %select_n3A_833 = arith.select %and3A_829, %broadcast_in_dim3A_832, %select_n3A_797 : vector<16xi1>, vector<16xi32>
      %convert_element_type3A_834 = arith.fptosi %broadcast_in_dim3A_817 : vector<16xf32> to vector<16xi32>
      %select_n3A_835 = arith.select %and3A_829, %convert_element_type3A_834, %select_n3A_799 : vector<16xi1>, vector<16xi32>
      %slice3A_836 = vector.extract_strided_slice %get3A_97 {offsets = [3], sizes = [1], strides = [1]} : vector<16xf32> to vector<1xf32>
      %broadcast_in_dim3A_837 = vector.shape_cast %slice3A_836 : vector<1xf32> to vector<1xf32>
      %broadcast_in_dim3A_838 = vector.broadcast %broadcast_in_dim3A_837 : vector<1xf32> to vector<16xf32>
      %slice3A_839 = vector.extract_strided_slice %get3A_109 {offsets = [3], sizes = [1], strides = [1]} : vector<16xf32> to vector<1xf32>
      %broadcast_in_dim3A_840 = vector.shape_cast %slice3A_839 : vector<1xf32> to vector<1xf32>
      %broadcast_in_dim3A_841 = vector.broadcast %broadcast_in_dim3A_840 : vector<1xf32> to vector<16xf32>
      %slice3A_842 = vector.extract_strided_slice %get3A_121 {offsets = [3], sizes = [1], strides = [1]} : vector<16xf32> to vector<1xf32>
      %broadcast_in_dim3A_843 = vector.shape_cast %slice3A_842 : vector<1xf32> to vector<1xf32>
      %broadcast_in_dim3A_844 = vector.broadcast %broadcast_in_dim3A_843 : vector<1xf32> to vector<16xf32>
      %slice3A_845 = vector.extract_strided_slice %get3A_133 {offsets = [3], sizes = [1], strides = [1]} : vector<16xf32> to vector<1xf32>
      %broadcast_in_dim3A_846 = vector.shape_cast %slice3A_845 : vector<1xf32> to vector<1xf32>
      %broadcast_in_dim3A_847 = vector.broadcast %broadcast_in_dim3A_846 : vector<1xf32> to vector<16xf32>
      %slice3A_848 = vector.extract_strided_slice %get3A_141 {offsets = [3], sizes = [1], strides = [1]} : vector<16xf32> to vector<1xf32>
      %broadcast_in_dim3A_849 = vector.shape_cast %slice3A_848 : vector<1xf32> to vector<1xf32>
      %broadcast_in_dim3A_850 = vector.broadcast %broadcast_in_dim3A_849 : vector<1xf32> to vector<16xf32>
      %slice3A_851 = vector.extract_strided_slice %get3A_149 {offsets = [3], sizes = [1], strides = [1]} : vector<16xf32> to vector<1xf32>
      %broadcast_in_dim3A_852 = vector.shape_cast %slice3A_851 : vector<1xf32> to vector<1xf32>
      %broadcast_in_dim3A_853 = vector.broadcast %broadcast_in_dim3A_852 : vector<1xf32> to vector<16xf32>
      %ge3A_854 = arith.cmpf oge, %get3A_62, %broadcast_in_dim3A_844 : vector<16xf32>
      %le3A_855 = arith.cmpf ole, %get3A_62, %broadcast_in_dim3A_847 : vector<16xf32>
      %and3A_856 = arith.andi %ge3A_854, %le3A_855 : vector<16xi1>
      %ge3A_857 = arith.cmpf oge, %get3A_67, %broadcast_in_dim3A_838 : vector<16xf32>
      %and3A_858 = arith.andi %and3A_856, %ge3A_857 : vector<16xi1>
      %le3A_859 = arith.cmpf ole, %get3A_67, %broadcast_in_dim3A_841 : vector<16xf32>
      %and3A_860 = arith.andi %and3A_858, %le3A_859 : vector<16xi1>
      %broadcast_in_dim3A_861 = vector.broadcast %scan3A_3 : f32 to vector<16xf32>
      %select_n3A_862 = arith.select %and3A_860, %broadcast_in_dim3A_850, %broadcast_in_dim3A_861 : vector<16xi1>, vector<16xf32>
      %le3A_863 = arith.cmpf ole, %select_n3A_862, %select_n3A_830 : vector<16xf32>
      %lt3A_864 = arith.cmpf olt, %select_n3A_862, %broadcast_in_dim3A_861 : vector<16xf32>
      %and3A_865 = arith.andi %le3A_863, %lt3A_864 : vector<16xi1>
      %select_n3A_866 = arith.select %and3A_865, %select_n3A_862, %select_n3A_830 : vector<16xi1>, vector<16xf32>
      %jit3A_867 = arith.constant 19 : i32
      %broadcast_in_dim3A_868 = vector.broadcast %jit3A_867 : i32 to vector<16xi32>
      %select_n3A_869 = arith.select %and3A_865, %broadcast_in_dim3A_868, %select_n3A_833 : vector<16xi1>, vector<16xi32>
      %convert_element_type3A_870 = arith.fptosi %broadcast_in_dim3A_853 : vector<16xf32> to vector<16xi32>
      %select_n3A_871 = arith.select %and3A_865, %convert_element_type3A_870, %select_n3A_835 : vector<16xi1>, vector<16xi32>
      %slice3A_872 = vector.extract_strided_slice %get3A_97 {offsets = [4], sizes = [1], strides = [1]} : vector<16xf32> to vector<1xf32>
      %broadcast_in_dim3A_873 = vector.shape_cast %slice3A_872 : vector<1xf32> to vector<1xf32>
      %broadcast_in_dim3A_874 = vector.broadcast %broadcast_in_dim3A_873 : vector<1xf32> to vector<16xf32>
      %slice3A_875 = vector.extract_strided_slice %get3A_109 {offsets = [4], sizes = [1], strides = [1]} : vector<16xf32> to vector<1xf32>
      %broadcast_in_dim3A_876 = vector.shape_cast %slice3A_875 : vector<1xf32> to vector<1xf32>
      %broadcast_in_dim3A_877 = vector.broadcast %broadcast_in_dim3A_876 : vector<1xf32> to vector<16xf32>
      %slice3A_878 = vector.extract_strided_slice %get3A_121 {offsets = [4], sizes = [1], strides = [1]} : vector<16xf32> to vector<1xf32>
      %broadcast_in_dim3A_879 = vector.shape_cast %slice3A_878 : vector<1xf32> to vector<1xf32>
      %broadcast_in_dim3A_880 = vector.broadcast %broadcast_in_dim3A_879 : vector<1xf32> to vector<16xf32>
      %slice3A_881 = vector.extract_strided_slice %get3A_133 {offsets = [4], sizes = [1], strides = [1]} : vector<16xf32> to vector<1xf32>
      %broadcast_in_dim3A_882 = vector.shape_cast %slice3A_881 : vector<1xf32> to vector<1xf32>
      %broadcast_in_dim3A_883 = vector.broadcast %broadcast_in_dim3A_882 : vector<1xf32> to vector<16xf32>
      %slice3A_884 = vector.extract_strided_slice %get3A_141 {offsets = [4], sizes = [1], strides = [1]} : vector<16xf32> to vector<1xf32>
      %broadcast_in_dim3A_885 = vector.shape_cast %slice3A_884 : vector<1xf32> to vector<1xf32>
      %broadcast_in_dim3A_886 = vector.broadcast %broadcast_in_dim3A_885 : vector<1xf32> to vector<16xf32>
      %slice3A_887 = vector.extract_strided_slice %get3A_149 {offsets = [4], sizes = [1], strides = [1]} : vector<16xf32> to vector<1xf32>
      %broadcast_in_dim3A_888 = vector.shape_cast %slice3A_887 : vector<1xf32> to vector<1xf32>
      %broadcast_in_dim3A_889 = vector.broadcast %broadcast_in_dim3A_888 : vector<1xf32> to vector<16xf32>
      %ge3A_890 = arith.cmpf oge, %get3A_62, %broadcast_in_dim3A_880 : vector<16xf32>
      %le3A_891 = arith.cmpf ole, %get3A_62, %broadcast_in_dim3A_883 : vector<16xf32>
      %and3A_892 = arith.andi %ge3A_890, %le3A_891 : vector<16xi1>
      %ge3A_893 = arith.cmpf oge, %get3A_67, %broadcast_in_dim3A_874 : vector<16xf32>
      %and3A_894 = arith.andi %and3A_892, %ge3A_893 : vector<16xi1>
      %le3A_895 = arith.cmpf ole, %get3A_67, %broadcast_in_dim3A_877 : vector<16xf32>
      %and3A_896 = arith.andi %and3A_894, %le3A_895 : vector<16xi1>
      %broadcast_in_dim3A_897 = vector.broadcast %scan3A_3 : f32 to vector<16xf32>
      %select_n3A_898 = arith.select %and3A_896, %broadcast_in_dim3A_886, %broadcast_in_dim3A_897 : vector<16xi1>, vector<16xf32>
      %le3A_899 = arith.cmpf ole, %select_n3A_898, %select_n3A_866 : vector<16xf32>
      %lt3A_900 = arith.cmpf olt, %select_n3A_898, %broadcast_in_dim3A_897 : vector<16xf32>
      %and3A_901 = arith.andi %le3A_899, %lt3A_900 : vector<16xi1>
      %select_n3A_902 = arith.select %and3A_901, %select_n3A_898, %select_n3A_866 : vector<16xi1>, vector<16xf32>
      %jit3A_903 = arith.constant 20 : i32
      %broadcast_in_dim3A_904 = vector.broadcast %jit3A_903 : i32 to vector<16xi32>
      %select_n3A_905 = arith.select %and3A_901, %broadcast_in_dim3A_904, %select_n3A_869 : vector<16xi1>, vector<16xi32>
      %convert_element_type3A_906 = arith.fptosi %broadcast_in_dim3A_889 : vector<16xf32> to vector<16xi32>
      %select_n3A_907 = arith.select %and3A_901, %convert_element_type3A_906, %select_n3A_871 : vector<16xi1>, vector<16xi32>
      %slice3A_908 = vector.extract_strided_slice %get3A_97 {offsets = [5], sizes = [1], strides = [1]} : vector<16xf32> to vector<1xf32>
      %broadcast_in_dim3A_909 = vector.shape_cast %slice3A_908 : vector<1xf32> to vector<1xf32>
      %broadcast_in_dim3A_910 = vector.broadcast %broadcast_in_dim3A_909 : vector<1xf32> to vector<16xf32>
      %slice3A_911 = vector.extract_strided_slice %get3A_109 {offsets = [5], sizes = [1], strides = [1]} : vector<16xf32> to vector<1xf32>
      %broadcast_in_dim3A_912 = vector.shape_cast %slice3A_911 : vector<1xf32> to vector<1xf32>
      %broadcast_in_dim3A_913 = vector.broadcast %broadcast_in_dim3A_912 : vector<1xf32> to vector<16xf32>
      %slice3A_914 = vector.extract_strided_slice %get3A_121 {offsets = [5], sizes = [1], strides = [1]} : vector<16xf32> to vector<1xf32>
      %broadcast_in_dim3A_915 = vector.shape_cast %slice3A_914 : vector<1xf32> to vector<1xf32>
      %broadcast_in_dim3A_916 = vector.broadcast %broadcast_in_dim3A_915 : vector<1xf32> to vector<16xf32>
      %slice3A_917 = vector.extract_strided_slice %get3A_133 {offsets = [5], sizes = [1], strides = [1]} : vector<16xf32> to vector<1xf32>
      %broadcast_in_dim3A_918 = vector.shape_cast %slice3A_917 : vector<1xf32> to vector<1xf32>
      %broadcast_in_dim3A_919 = vector.broadcast %broadcast_in_dim3A_918 : vector<1xf32> to vector<16xf32>
      %slice3A_920 = vector.extract_strided_slice %get3A_141 {offsets = [5], sizes = [1], strides = [1]} : vector<16xf32> to vector<1xf32>
      %broadcast_in_dim3A_921 = vector.shape_cast %slice3A_920 : vector<1xf32> to vector<1xf32>
      %broadcast_in_dim3A_922 = vector.broadcast %broadcast_in_dim3A_921 : vector<1xf32> to vector<16xf32>
      %slice3A_923 = vector.extract_strided_slice %get3A_149 {offsets = [5], sizes = [1], strides = [1]} : vector<16xf32> to vector<1xf32>
      %broadcast_in_dim3A_924 = vector.shape_cast %slice3A_923 : vector<1xf32> to vector<1xf32>
      %broadcast_in_dim3A_925 = vector.broadcast %broadcast_in_dim3A_924 : vector<1xf32> to vector<16xf32>
      %ge3A_926 = arith.cmpf oge, %get3A_62, %broadcast_in_dim3A_916 : vector<16xf32>
      %le3A_927 = arith.cmpf ole, %get3A_62, %broadcast_in_dim3A_919 : vector<16xf32>
      %and3A_928 = arith.andi %ge3A_926, %le3A_927 : vector<16xi1>
      %ge3A_929 = arith.cmpf oge, %get3A_67, %broadcast_in_dim3A_910 : vector<16xf32>
      %and3A_930 = arith.andi %and3A_928, %ge3A_929 : vector<16xi1>
      %le3A_931 = arith.cmpf ole, %get3A_67, %broadcast_in_dim3A_913 : vector<16xf32>
      %and3A_932 = arith.andi %and3A_930, %le3A_931 : vector<16xi1>
      %broadcast_in_dim3A_933 = vector.broadcast %scan3A_3 : f32 to vector<16xf32>
      %select_n3A_934 = arith.select %and3A_932, %broadcast_in_dim3A_922, %broadcast_in_dim3A_933 : vector<16xi1>, vector<16xf32>
      %le3A_935 = arith.cmpf ole, %select_n3A_934, %select_n3A_902 : vector<16xf32>
      %lt3A_936 = arith.cmpf olt, %select_n3A_934, %broadcast_in_dim3A_933 : vector<16xf32>
      %and3A_937 = arith.andi %le3A_935, %lt3A_936 : vector<16xi1>
      %select_n3A_938 = arith.select %and3A_937, %select_n3A_934, %select_n3A_902 : vector<16xi1>, vector<16xf32>
      %jit3A_939 = arith.constant 21 : i32
      %broadcast_in_dim3A_940 = vector.broadcast %jit3A_939 : i32 to vector<16xi32>
      %select_n3A_941 = arith.select %and3A_937, %broadcast_in_dim3A_940, %select_n3A_905 : vector<16xi1>, vector<16xi32>
      %convert_element_type3A_942 = arith.fptosi %broadcast_in_dim3A_925 : vector<16xf32> to vector<16xi32>
      %select_n3A_943 = arith.select %and3A_937, %convert_element_type3A_942, %select_n3A_907 : vector<16xi1>, vector<16xi32>
      %slice3A_944 = vector.extract_strided_slice %get3A_97 {offsets = [6], sizes = [1], strides = [1]} : vector<16xf32> to vector<1xf32>
      %broadcast_in_dim3A_945 = vector.shape_cast %slice3A_944 : vector<1xf32> to vector<1xf32>
      %broadcast_in_dim3A_946 = vector.broadcast %broadcast_in_dim3A_945 : vector<1xf32> to vector<16xf32>
      %slice3A_947 = vector.extract_strided_slice %get3A_109 {offsets = [6], sizes = [1], strides = [1]} : vector<16xf32> to vector<1xf32>
      %broadcast_in_dim3A_948 = vector.shape_cast %slice3A_947 : vector<1xf32> to vector<1xf32>
      %broadcast_in_dim3A_949 = vector.broadcast %broadcast_in_dim3A_948 : vector<1xf32> to vector<16xf32>
      %slice3A_950 = vector.extract_strided_slice %get3A_121 {offsets = [6], sizes = [1], strides = [1]} : vector<16xf32> to vector<1xf32>
      %broadcast_in_dim3A_951 = vector.shape_cast %slice3A_950 : vector<1xf32> to vector<1xf32>
      %broadcast_in_dim3A_952 = vector.broadcast %broadcast_in_dim3A_951 : vector<1xf32> to vector<16xf32>
      %slice3A_953 = vector.extract_strided_slice %get3A_133 {offsets = [6], sizes = [1], strides = [1]} : vector<16xf32> to vector<1xf32>
      %broadcast_in_dim3A_954 = vector.shape_cast %slice3A_953 : vector<1xf32> to vector<1xf32>
      %broadcast_in_dim3A_955 = vector.broadcast %broadcast_in_dim3A_954 : vector<1xf32> to vector<16xf32>
      %slice3A_956 = vector.extract_strided_slice %get3A_141 {offsets = [6], sizes = [1], strides = [1]} : vector<16xf32> to vector<1xf32>
      %broadcast_in_dim3A_957 = vector.shape_cast %slice3A_956 : vector<1xf32> to vector<1xf32>
      %broadcast_in_dim3A_958 = vector.broadcast %broadcast_in_dim3A_957 : vector<1xf32> to vector<16xf32>
      %slice3A_959 = vector.extract_strided_slice %get3A_149 {offsets = [6], sizes = [1], strides = [1]} : vector<16xf32> to vector<1xf32>
      %broadcast_in_dim3A_960 = vector.shape_cast %slice3A_959 : vector<1xf32> to vector<1xf32>
      %broadcast_in_dim3A_961 = vector.broadcast %broadcast_in_dim3A_960 : vector<1xf32> to vector<16xf32>
      %ge3A_962 = arith.cmpf oge, %get3A_62, %broadcast_in_dim3A_952 : vector<16xf32>
      %le3A_963 = arith.cmpf ole, %get3A_62, %broadcast_in_dim3A_955 : vector<16xf32>
      %and3A_964 = arith.andi %ge3A_962, %le3A_963 : vector<16xi1>
      %ge3A_965 = arith.cmpf oge, %get3A_67, %broadcast_in_dim3A_946 : vector<16xf32>
      %and3A_966 = arith.andi %and3A_964, %ge3A_965 : vector<16xi1>
      %le3A_967 = arith.cmpf ole, %get3A_67, %broadcast_in_dim3A_949 : vector<16xf32>
      %and3A_968 = arith.andi %and3A_966, %le3A_967 : vector<16xi1>
      %broadcast_in_dim3A_969 = vector.broadcast %scan3A_3 : f32 to vector<16xf32>
      %select_n3A_970 = arith.select %and3A_968, %broadcast_in_dim3A_958, %broadcast_in_dim3A_969 : vector<16xi1>, vector<16xf32>
      %le3A_971 = arith.cmpf ole, %select_n3A_970, %select_n3A_938 : vector<16xf32>
      %lt3A_972 = arith.cmpf olt, %select_n3A_970, %broadcast_in_dim3A_969 : vector<16xf32>
      %and3A_973 = arith.andi %le3A_971, %lt3A_972 : vector<16xi1>
      %select_n3A_974 = arith.select %and3A_973, %select_n3A_970, %select_n3A_938 : vector<16xi1>, vector<16xf32>
      %jit3A_975 = arith.constant 22 : i32
      %broadcast_in_dim3A_976 = vector.broadcast %jit3A_975 : i32 to vector<16xi32>
      %select_n3A_977 = arith.select %and3A_973, %broadcast_in_dim3A_976, %select_n3A_941 : vector<16xi1>, vector<16xi32>
      %convert_element_type3A_978 = arith.fptosi %broadcast_in_dim3A_961 : vector<16xf32> to vector<16xi32>
      %select_n3A_979 = arith.select %and3A_973, %convert_element_type3A_978, %select_n3A_943 : vector<16xi1>, vector<16xi32>
      %slice3A_980 = vector.extract_strided_slice %get3A_97 {offsets = [7], sizes = [1], strides = [1]} : vector<16xf32> to vector<1xf32>
      %broadcast_in_dim3A_981 = vector.shape_cast %slice3A_980 : vector<1xf32> to vector<1xf32>
      %broadcast_in_dim3A_982 = vector.broadcast %broadcast_in_dim3A_981 : vector<1xf32> to vector<16xf32>
      %slice3A_983 = vector.extract_strided_slice %get3A_109 {offsets = [7], sizes = [1], strides = [1]} : vector<16xf32> to vector<1xf32>
      %broadcast_in_dim3A_984 = vector.shape_cast %slice3A_983 : vector<1xf32> to vector<1xf32>
      %broadcast_in_dim3A_985 = vector.broadcast %broadcast_in_dim3A_984 : vector<1xf32> to vector<16xf32>
      %slice3A_986 = vector.extract_strided_slice %get3A_121 {offsets = [7], sizes = [1], strides = [1]} : vector<16xf32> to vector<1xf32>
      %broadcast_in_dim3A_987 = vector.shape_cast %slice3A_986 : vector<1xf32> to vector<1xf32>
      %broadcast_in_dim3A_988 = vector.broadcast %broadcast_in_dim3A_987 : vector<1xf32> to vector<16xf32>
      %slice3A_989 = vector.extract_strided_slice %get3A_133 {offsets = [7], sizes = [1], strides = [1]} : vector<16xf32> to vector<1xf32>
      %broadcast_in_dim3A_990 = vector.shape_cast %slice3A_989 : vector<1xf32> to vector<1xf32>
      %broadcast_in_dim3A_991 = vector.broadcast %broadcast_in_dim3A_990 : vector<1xf32> to vector<16xf32>
      %slice3A_992 = vector.extract_strided_slice %get3A_141 {offsets = [7], sizes = [1], strides = [1]} : vector<16xf32> to vector<1xf32>
      %broadcast_in_dim3A_993 = vector.shape_cast %slice3A_992 : vector<1xf32> to vector<1xf32>
      %broadcast_in_dim3A_994 = vector.broadcast %broadcast_in_dim3A_993 : vector<1xf32> to vector<16xf32>
      %slice3A_995 = vector.extract_strided_slice %get3A_149 {offsets = [7], sizes = [1], strides = [1]} : vector<16xf32> to vector<1xf32>
      %broadcast_in_dim3A_996 = vector.shape_cast %slice3A_995 : vector<1xf32> to vector<1xf32>
      %broadcast_in_dim3A_997 = vector.broadcast %broadcast_in_dim3A_996 : vector<1xf32> to vector<16xf32>
      %ge3A_998 = arith.cmpf oge, %get3A_62, %broadcast_in_dim3A_988 : vector<16xf32>
      %le3A_999 = arith.cmpf ole, %get3A_62, %broadcast_in_dim3A_991 : vector<16xf32>
      %and3A_1000 = arith.andi %ge3A_998, %le3A_999 : vector<16xi1>
      %ge3A_1001 = arith.cmpf oge, %get3A_67, %broadcast_in_dim3A_982 : vector<16xf32>
      %and3A_1002 = arith.andi %and3A_1000, %ge3A_1001 : vector<16xi1>
      %le3A_1003 = arith.cmpf ole, %get3A_67, %broadcast_in_dim3A_985 : vector<16xf32>
      %and3A_1004 = arith.andi %and3A_1002, %le3A_1003 : vector<16xi1>
      %broadcast_in_dim3A_1005 = vector.broadcast %scan3A_3 : f32 to vector<16xf32>
      %select_n3A_1006 = arith.select %and3A_1004, %broadcast_in_dim3A_994, %broadcast_in_dim3A_1005 : vector<16xi1>, vector<16xf32>
      %le3A_1007 = arith.cmpf ole, %select_n3A_1006, %select_n3A_974 : vector<16xf32>
      %lt3A_1008 = arith.cmpf olt, %select_n3A_1006, %broadcast_in_dim3A_1005 : vector<16xf32>
      %and3A_1009 = arith.andi %le3A_1007, %lt3A_1008 : vector<16xi1>
      %select_n3A_1010 = arith.select %and3A_1009, %select_n3A_1006, %select_n3A_974 : vector<16xi1>, vector<16xf32>
      %jit3A_1011 = arith.constant 23 : i32
      %broadcast_in_dim3A_1012 = vector.broadcast %jit3A_1011 : i32 to vector<16xi32>
      %select_n3A_1013 = arith.select %and3A_1009, %broadcast_in_dim3A_1012, %select_n3A_977 : vector<16xi1>, vector<16xi32>
      %convert_element_type3A_1014 = arith.fptosi %broadcast_in_dim3A_997 : vector<16xf32> to vector<16xi32>
      %select_n3A_1015 = arith.select %and3A_1009, %convert_element_type3A_1014, %select_n3A_979 : vector<16xi1>, vector<16xi32>
      %slice3A_1016 = vector.extract_strided_slice %get3A_97 {offsets = [8], sizes = [1], strides = [1]} : vector<16xf32> to vector<1xf32>
      %broadcast_in_dim3A_1017 = vector.shape_cast %slice3A_1016 : vector<1xf32> to vector<1xf32>
      %broadcast_in_dim3A_1018 = vector.broadcast %broadcast_in_dim3A_1017 : vector<1xf32> to vector<16xf32>
      %slice3A_1019 = vector.extract_strided_slice %get3A_109 {offsets = [8], sizes = [1], strides = [1]} : vector<16xf32> to vector<1xf32>
      %broadcast_in_dim3A_1020 = vector.shape_cast %slice3A_1019 : vector<1xf32> to vector<1xf32>
      %broadcast_in_dim3A_1021 = vector.broadcast %broadcast_in_dim3A_1020 : vector<1xf32> to vector<16xf32>
      %slice3A_1022 = vector.extract_strided_slice %get3A_121 {offsets = [8], sizes = [1], strides = [1]} : vector<16xf32> to vector<1xf32>
      %broadcast_in_dim3A_1023 = vector.shape_cast %slice3A_1022 : vector<1xf32> to vector<1xf32>
      %broadcast_in_dim3A_1024 = vector.broadcast %broadcast_in_dim3A_1023 : vector<1xf32> to vector<16xf32>
      %slice3A_1025 = vector.extract_strided_slice %get3A_133 {offsets = [8], sizes = [1], strides = [1]} : vector<16xf32> to vector<1xf32>
      %broadcast_in_dim3A_1026 = vector.shape_cast %slice3A_1025 : vector<1xf32> to vector<1xf32>
      %broadcast_in_dim3A_1027 = vector.broadcast %broadcast_in_dim3A_1026 : vector<1xf32> to vector<16xf32>
      %slice3A_1028 = vector.extract_strided_slice %get3A_141 {offsets = [8], sizes = [1], strides = [1]} : vector<16xf32> to vector<1xf32>
      %broadcast_in_dim3A_1029 = vector.shape_cast %slice3A_1028 : vector<1xf32> to vector<1xf32>
      %broadcast_in_dim3A_1030 = vector.broadcast %broadcast_in_dim3A_1029 : vector<1xf32> to vector<16xf32>
      %slice3A_1031 = vector.extract_strided_slice %get3A_149 {offsets = [8], sizes = [1], strides = [1]} : vector<16xf32> to vector<1xf32>
      %broadcast_in_dim3A_1032 = vector.shape_cast %slice3A_1031 : vector<1xf32> to vector<1xf32>
      %broadcast_in_dim3A_1033 = vector.broadcast %broadcast_in_dim3A_1032 : vector<1xf32> to vector<16xf32>
      %ge3A_1034 = arith.cmpf oge, %get3A_62, %broadcast_in_dim3A_1024 : vector<16xf32>
      %le3A_1035 = arith.cmpf ole, %get3A_62, %broadcast_in_dim3A_1027 : vector<16xf32>
      %and3A_1036 = arith.andi %ge3A_1034, %le3A_1035 : vector<16xi1>
      %ge3A_1037 = arith.cmpf oge, %get3A_67, %broadcast_in_dim3A_1018 : vector<16xf32>
      %and3A_1038 = arith.andi %and3A_1036, %ge3A_1037 : vector<16xi1>
      %le3A_1039 = arith.cmpf ole, %get3A_67, %broadcast_in_dim3A_1021 : vector<16xf32>
      %and3A_1040 = arith.andi %and3A_1038, %le3A_1039 : vector<16xi1>
      %broadcast_in_dim3A_1041 = vector.broadcast %scan3A_3 : f32 to vector<16xf32>
      %select_n3A_1042 = arith.select %and3A_1040, %broadcast_in_dim3A_1030, %broadcast_in_dim3A_1041 : vector<16xi1>, vector<16xf32>
      %le3A_1043 = arith.cmpf ole, %select_n3A_1042, %select_n3A_1010 : vector<16xf32>
      %lt3A_1044 = arith.cmpf olt, %select_n3A_1042, %broadcast_in_dim3A_1041 : vector<16xf32>
      %and3A_1045 = arith.andi %le3A_1043, %lt3A_1044 : vector<16xi1>
      %select_n3A_1046 = arith.select %and3A_1045, %select_n3A_1042, %select_n3A_1010 : vector<16xi1>, vector<16xf32>
      %jit3A_1047 = arith.constant 24 : i32
      %broadcast_in_dim3A_1048 = vector.broadcast %jit3A_1047 : i32 to vector<16xi32>
      %select_n3A_1049 = arith.select %and3A_1045, %broadcast_in_dim3A_1048, %select_n3A_1013 : vector<16xi1>, vector<16xi32>
      %convert_element_type3A_1050 = arith.fptosi %broadcast_in_dim3A_1033 : vector<16xf32> to vector<16xi32>
      %select_n3A_1051 = arith.select %and3A_1045, %convert_element_type3A_1050, %select_n3A_1015 : vector<16xi1>, vector<16xi32>
      %slice3A_1052 = vector.extract_strided_slice %get3A_97 {offsets = [9], sizes = [1], strides = [1]} : vector<16xf32> to vector<1xf32>
      %broadcast_in_dim3A_1053 = vector.shape_cast %slice3A_1052 : vector<1xf32> to vector<1xf32>
      %broadcast_in_dim3A_1054 = vector.broadcast %broadcast_in_dim3A_1053 : vector<1xf32> to vector<16xf32>
      %slice3A_1055 = vector.extract_strided_slice %get3A_109 {offsets = [9], sizes = [1], strides = [1]} : vector<16xf32> to vector<1xf32>
      %broadcast_in_dim3A_1056 = vector.shape_cast %slice3A_1055 : vector<1xf32> to vector<1xf32>
      %broadcast_in_dim3A_1057 = vector.broadcast %broadcast_in_dim3A_1056 : vector<1xf32> to vector<16xf32>
      %slice3A_1058 = vector.extract_strided_slice %get3A_121 {offsets = [9], sizes = [1], strides = [1]} : vector<16xf32> to vector<1xf32>
      %broadcast_in_dim3A_1059 = vector.shape_cast %slice3A_1058 : vector<1xf32> to vector<1xf32>
      %broadcast_in_dim3A_1060 = vector.broadcast %broadcast_in_dim3A_1059 : vector<1xf32> to vector<16xf32>
      %slice3A_1061 = vector.extract_strided_slice %get3A_133 {offsets = [9], sizes = [1], strides = [1]} : vector<16xf32> to vector<1xf32>
      %broadcast_in_dim3A_1062 = vector.shape_cast %slice3A_1061 : vector<1xf32> to vector<1xf32>
      %broadcast_in_dim3A_1063 = vector.broadcast %broadcast_in_dim3A_1062 : vector<1xf32> to vector<16xf32>
      %slice3A_1064 = vector.extract_strided_slice %get3A_141 {offsets = [9], sizes = [1], strides = [1]} : vector<16xf32> to vector<1xf32>
      %broadcast_in_dim3A_1065 = vector.shape_cast %slice3A_1064 : vector<1xf32> to vector<1xf32>
      %broadcast_in_dim3A_1066 = vector.broadcast %broadcast_in_dim3A_1065 : vector<1xf32> to vector<16xf32>
      %slice3A_1067 = vector.extract_strided_slice %get3A_149 {offsets = [9], sizes = [1], strides = [1]} : vector<16xf32> to vector<1xf32>
      %broadcast_in_dim3A_1068 = vector.shape_cast %slice3A_1067 : vector<1xf32> to vector<1xf32>
      %broadcast_in_dim3A_1069 = vector.broadcast %broadcast_in_dim3A_1068 : vector<1xf32> to vector<16xf32>
      %ge3A_1070 = arith.cmpf oge, %get3A_62, %broadcast_in_dim3A_1060 : vector<16xf32>
      %le3A_1071 = arith.cmpf ole, %get3A_62, %broadcast_in_dim3A_1063 : vector<16xf32>
      %and3A_1072 = arith.andi %ge3A_1070, %le3A_1071 : vector<16xi1>
      %ge3A_1073 = arith.cmpf oge, %get3A_67, %broadcast_in_dim3A_1054 : vector<16xf32>
      %and3A_1074 = arith.andi %and3A_1072, %ge3A_1073 : vector<16xi1>
      %le3A_1075 = arith.cmpf ole, %get3A_67, %broadcast_in_dim3A_1057 : vector<16xf32>
      %and3A_1076 = arith.andi %and3A_1074, %le3A_1075 : vector<16xi1>
      %broadcast_in_dim3A_1077 = vector.broadcast %scan3A_3 : f32 to vector<16xf32>
      %select_n3A_1078 = arith.select %and3A_1076, %broadcast_in_dim3A_1066, %broadcast_in_dim3A_1077 : vector<16xi1>, vector<16xf32>
      %le3A_1079 = arith.cmpf ole, %select_n3A_1078, %select_n3A_1046 : vector<16xf32>
      %lt3A_1080 = arith.cmpf olt, %select_n3A_1078, %broadcast_in_dim3A_1077 : vector<16xf32>
      %and3A_1081 = arith.andi %le3A_1079, %lt3A_1080 : vector<16xi1>
      %select_n3A_1082 = arith.select %and3A_1081, %select_n3A_1078, %select_n3A_1046 : vector<16xi1>, vector<16xf32>
      %jit3A_1083 = arith.constant 25 : i32
      %broadcast_in_dim3A_1084 = vector.broadcast %jit3A_1083 : i32 to vector<16xi32>
      %select_n3A_1085 = arith.select %and3A_1081, %broadcast_in_dim3A_1084, %select_n3A_1049 : vector<16xi1>, vector<16xi32>
      %convert_element_type3A_1086 = arith.fptosi %broadcast_in_dim3A_1069 : vector<16xf32> to vector<16xi32>
      %select_n3A_1087 = arith.select %and3A_1081, %convert_element_type3A_1086, %select_n3A_1051 : vector<16xi1>, vector<16xi32>
      %slice3A_1088 = vector.extract_strided_slice %get3A_97 {offsets = [10], sizes = [1], strides = [1]} : vector<16xf32> to vector<1xf32>
      %broadcast_in_dim3A_1089 = vector.shape_cast %slice3A_1088 : vector<1xf32> to vector<1xf32>
      %broadcast_in_dim3A_1090 = vector.broadcast %broadcast_in_dim3A_1089 : vector<1xf32> to vector<16xf32>
      %slice3A_1091 = vector.extract_strided_slice %get3A_109 {offsets = [10], sizes = [1], strides = [1]} : vector<16xf32> to vector<1xf32>
      %broadcast_in_dim3A_1092 = vector.shape_cast %slice3A_1091 : vector<1xf32> to vector<1xf32>
      %broadcast_in_dim3A_1093 = vector.broadcast %broadcast_in_dim3A_1092 : vector<1xf32> to vector<16xf32>
      %slice3A_1094 = vector.extract_strided_slice %get3A_121 {offsets = [10], sizes = [1], strides = [1]} : vector<16xf32> to vector<1xf32>
      %broadcast_in_dim3A_1095 = vector.shape_cast %slice3A_1094 : vector<1xf32> to vector<1xf32>
      %broadcast_in_dim3A_1096 = vector.broadcast %broadcast_in_dim3A_1095 : vector<1xf32> to vector<16xf32>
      %slice3A_1097 = vector.extract_strided_slice %get3A_133 {offsets = [10], sizes = [1], strides = [1]} : vector<16xf32> to vector<1xf32>
      %broadcast_in_dim3A_1098 = vector.shape_cast %slice3A_1097 : vector<1xf32> to vector<1xf32>
      %broadcast_in_dim3A_1099 = vector.broadcast %broadcast_in_dim3A_1098 : vector<1xf32> to vector<16xf32>
      %slice3A_1100 = vector.extract_strided_slice %get3A_141 {offsets = [10], sizes = [1], strides = [1]} : vector<16xf32> to vector<1xf32>
      %broadcast_in_dim3A_1101 = vector.shape_cast %slice3A_1100 : vector<1xf32> to vector<1xf32>
      %broadcast_in_dim3A_1102 = vector.broadcast %broadcast_in_dim3A_1101 : vector<1xf32> to vector<16xf32>
      %slice3A_1103 = vector.extract_strided_slice %get3A_149 {offsets = [10], sizes = [1], strides = [1]} : vector<16xf32> to vector<1xf32>
      %broadcast_in_dim3A_1104 = vector.shape_cast %slice3A_1103 : vector<1xf32> to vector<1xf32>
      %broadcast_in_dim3A_1105 = vector.broadcast %broadcast_in_dim3A_1104 : vector<1xf32> to vector<16xf32>
      %ge3A_1106 = arith.cmpf oge, %get3A_62, %broadcast_in_dim3A_1096 : vector<16xf32>
      %le3A_1107 = arith.cmpf ole, %get3A_62, %broadcast_in_dim3A_1099 : vector<16xf32>
      %and3A_1108 = arith.andi %ge3A_1106, %le3A_1107 : vector<16xi1>
      %ge3A_1109 = arith.cmpf oge, %get3A_67, %broadcast_in_dim3A_1090 : vector<16xf32>
      %and3A_1110 = arith.andi %and3A_1108, %ge3A_1109 : vector<16xi1>
      %le3A_1111 = arith.cmpf ole, %get3A_67, %broadcast_in_dim3A_1093 : vector<16xf32>
      %and3A_1112 = arith.andi %and3A_1110, %le3A_1111 : vector<16xi1>
      %broadcast_in_dim3A_1113 = vector.broadcast %scan3A_3 : f32 to vector<16xf32>
      %select_n3A_1114 = arith.select %and3A_1112, %broadcast_in_dim3A_1102, %broadcast_in_dim3A_1113 : vector<16xi1>, vector<16xf32>
      %le3A_1115 = arith.cmpf ole, %select_n3A_1114, %select_n3A_1082 : vector<16xf32>
      %lt3A_1116 = arith.cmpf olt, %select_n3A_1114, %broadcast_in_dim3A_1113 : vector<16xf32>
      %and3A_1117 = arith.andi %le3A_1115, %lt3A_1116 : vector<16xi1>
      %select_n3A_1118 = arith.select %and3A_1117, %select_n3A_1114, %select_n3A_1082 : vector<16xi1>, vector<16xf32>
      %jit3A_1119 = arith.constant 26 : i32
      %broadcast_in_dim3A_1120 = vector.broadcast %jit3A_1119 : i32 to vector<16xi32>
      %select_n3A_1121 = arith.select %and3A_1117, %broadcast_in_dim3A_1120, %select_n3A_1085 : vector<16xi1>, vector<16xi32>
      %convert_element_type3A_1122 = arith.fptosi %broadcast_in_dim3A_1105 : vector<16xf32> to vector<16xi32>
      %select_n3A_1123 = arith.select %and3A_1117, %convert_element_type3A_1122, %select_n3A_1087 : vector<16xi1>, vector<16xi32>
      %slice3A_1124 = vector.extract_strided_slice %get3A_97 {offsets = [11], sizes = [1], strides = [1]} : vector<16xf32> to vector<1xf32>
      %broadcast_in_dim3A_1125 = vector.shape_cast %slice3A_1124 : vector<1xf32> to vector<1xf32>
      %broadcast_in_dim3A_1126 = vector.broadcast %broadcast_in_dim3A_1125 : vector<1xf32> to vector<16xf32>
      %slice3A_1127 = vector.extract_strided_slice %get3A_109 {offsets = [11], sizes = [1], strides = [1]} : vector<16xf32> to vector<1xf32>
      %broadcast_in_dim3A_1128 = vector.shape_cast %slice3A_1127 : vector<1xf32> to vector<1xf32>
      %broadcast_in_dim3A_1129 = vector.broadcast %broadcast_in_dim3A_1128 : vector<1xf32> to vector<16xf32>
      %slice3A_1130 = vector.extract_strided_slice %get3A_121 {offsets = [11], sizes = [1], strides = [1]} : vector<16xf32> to vector<1xf32>
      %broadcast_in_dim3A_1131 = vector.shape_cast %slice3A_1130 : vector<1xf32> to vector<1xf32>
      %broadcast_in_dim3A_1132 = vector.broadcast %broadcast_in_dim3A_1131 : vector<1xf32> to vector<16xf32>
      %slice3A_1133 = vector.extract_strided_slice %get3A_133 {offsets = [11], sizes = [1], strides = [1]} : vector<16xf32> to vector<1xf32>
      %broadcast_in_dim3A_1134 = vector.shape_cast %slice3A_1133 : vector<1xf32> to vector<1xf32>
      %broadcast_in_dim3A_1135 = vector.broadcast %broadcast_in_dim3A_1134 : vector<1xf32> to vector<16xf32>
      %slice3A_1136 = vector.extract_strided_slice %get3A_141 {offsets = [11], sizes = [1], strides = [1]} : vector<16xf32> to vector<1xf32>
      %broadcast_in_dim3A_1137 = vector.shape_cast %slice3A_1136 : vector<1xf32> to vector<1xf32>
      %broadcast_in_dim3A_1138 = vector.broadcast %broadcast_in_dim3A_1137 : vector<1xf32> to vector<16xf32>
      %slice3A_1139 = vector.extract_strided_slice %get3A_149 {offsets = [11], sizes = [1], strides = [1]} : vector<16xf32> to vector<1xf32>
      %broadcast_in_dim3A_1140 = vector.shape_cast %slice3A_1139 : vector<1xf32> to vector<1xf32>
      %broadcast_in_dim3A_1141 = vector.broadcast %broadcast_in_dim3A_1140 : vector<1xf32> to vector<16xf32>
      %ge3A_1142 = arith.cmpf oge, %get3A_62, %broadcast_in_dim3A_1132 : vector<16xf32>
      %le3A_1143 = arith.cmpf ole, %get3A_62, %broadcast_in_dim3A_1135 : vector<16xf32>
      %and3A_1144 = arith.andi %ge3A_1142, %le3A_1143 : vector<16xi1>
      %ge3A_1145 = arith.cmpf oge, %get3A_67, %broadcast_in_dim3A_1126 : vector<16xf32>
      %and3A_1146 = arith.andi %and3A_1144, %ge3A_1145 : vector<16xi1>
      %le3A_1147 = arith.cmpf ole, %get3A_67, %broadcast_in_dim3A_1129 : vector<16xf32>
      %and3A_1148 = arith.andi %and3A_1146, %le3A_1147 : vector<16xi1>
      %broadcast_in_dim3A_1149 = vector.broadcast %scan3A_3 : f32 to vector<16xf32>
      %select_n3A_1150 = arith.select %and3A_1148, %broadcast_in_dim3A_1138, %broadcast_in_dim3A_1149 : vector<16xi1>, vector<16xf32>
      %le3A_1151 = arith.cmpf ole, %select_n3A_1150, %select_n3A_1118 : vector<16xf32>
      %lt3A_1152 = arith.cmpf olt, %select_n3A_1150, %broadcast_in_dim3A_1149 : vector<16xf32>
      %and3A_1153 = arith.andi %le3A_1151, %lt3A_1152 : vector<16xi1>
      %select_n3A_1154 = arith.select %and3A_1153, %select_n3A_1150, %select_n3A_1118 : vector<16xi1>, vector<16xf32>
      %jit3A_1155 = arith.constant 27 : i32
      %broadcast_in_dim3A_1156 = vector.broadcast %jit3A_1155 : i32 to vector<16xi32>
      %select_n3A_1157 = arith.select %and3A_1153, %broadcast_in_dim3A_1156, %select_n3A_1121 : vector<16xi1>, vector<16xi32>
      %convert_element_type3A_1158 = arith.fptosi %broadcast_in_dim3A_1141 : vector<16xf32> to vector<16xi32>
      %select_n3A_1159 = arith.select %and3A_1153, %convert_element_type3A_1158, %select_n3A_1123 : vector<16xi1>, vector<16xi32>
      %slice3A_1160 = vector.extract_strided_slice %get3A_97 {offsets = [12], sizes = [1], strides = [1]} : vector<16xf32> to vector<1xf32>
      %broadcast_in_dim3A_1161 = vector.shape_cast %slice3A_1160 : vector<1xf32> to vector<1xf32>
      %broadcast_in_dim3A_1162 = vector.broadcast %broadcast_in_dim3A_1161 : vector<1xf32> to vector<16xf32>
      %slice3A_1163 = vector.extract_strided_slice %get3A_109 {offsets = [12], sizes = [1], strides = [1]} : vector<16xf32> to vector<1xf32>
      %broadcast_in_dim3A_1164 = vector.shape_cast %slice3A_1163 : vector<1xf32> to vector<1xf32>
      %broadcast_in_dim3A_1165 = vector.broadcast %broadcast_in_dim3A_1164 : vector<1xf32> to vector<16xf32>
      %slice3A_1166 = vector.extract_strided_slice %get3A_121 {offsets = [12], sizes = [1], strides = [1]} : vector<16xf32> to vector<1xf32>
      %broadcast_in_dim3A_1167 = vector.shape_cast %slice3A_1166 : vector<1xf32> to vector<1xf32>
      %broadcast_in_dim3A_1168 = vector.broadcast %broadcast_in_dim3A_1167 : vector<1xf32> to vector<16xf32>
      %slice3A_1169 = vector.extract_strided_slice %get3A_133 {offsets = [12], sizes = [1], strides = [1]} : vector<16xf32> to vector<1xf32>
      %broadcast_in_dim3A_1170 = vector.shape_cast %slice3A_1169 : vector<1xf32> to vector<1xf32>
      %broadcast_in_dim3A_1171 = vector.broadcast %broadcast_in_dim3A_1170 : vector<1xf32> to vector<16xf32>
      %slice3A_1172 = vector.extract_strided_slice %get3A_141 {offsets = [12], sizes = [1], strides = [1]} : vector<16xf32> to vector<1xf32>
      %broadcast_in_dim3A_1173 = vector.shape_cast %slice3A_1172 : vector<1xf32> to vector<1xf32>
      %broadcast_in_dim3A_1174 = vector.broadcast %broadcast_in_dim3A_1173 : vector<1xf32> to vector<16xf32>
      %slice3A_1175 = vector.extract_strided_slice %get3A_149 {offsets = [12], sizes = [1], strides = [1]} : vector<16xf32> to vector<1xf32>
      %broadcast_in_dim3A_1176 = vector.shape_cast %slice3A_1175 : vector<1xf32> to vector<1xf32>
      %broadcast_in_dim3A_1177 = vector.broadcast %broadcast_in_dim3A_1176 : vector<1xf32> to vector<16xf32>
      %ge3A_1178 = arith.cmpf oge, %get3A_62, %broadcast_in_dim3A_1168 : vector<16xf32>
      %le3A_1179 = arith.cmpf ole, %get3A_62, %broadcast_in_dim3A_1171 : vector<16xf32>
      %and3A_1180 = arith.andi %ge3A_1178, %le3A_1179 : vector<16xi1>
      %ge3A_1181 = arith.cmpf oge, %get3A_67, %broadcast_in_dim3A_1162 : vector<16xf32>
      %and3A_1182 = arith.andi %and3A_1180, %ge3A_1181 : vector<16xi1>
      %le3A_1183 = arith.cmpf ole, %get3A_67, %broadcast_in_dim3A_1165 : vector<16xf32>
      %and3A_1184 = arith.andi %and3A_1182, %le3A_1183 : vector<16xi1>
      %broadcast_in_dim3A_1185 = vector.broadcast %scan3A_3 : f32 to vector<16xf32>
      %select_n3A_1186 = arith.select %and3A_1184, %broadcast_in_dim3A_1174, %broadcast_in_dim3A_1185 : vector<16xi1>, vector<16xf32>
      %le3A_1187 = arith.cmpf ole, %select_n3A_1186, %select_n3A_1154 : vector<16xf32>
      %lt3A_1188 = arith.cmpf olt, %select_n3A_1186, %broadcast_in_dim3A_1185 : vector<16xf32>
      %and3A_1189 = arith.andi %le3A_1187, %lt3A_1188 : vector<16xi1>
      %select_n3A_1190 = arith.select %and3A_1189, %select_n3A_1186, %select_n3A_1154 : vector<16xi1>, vector<16xf32>
      %jit3A_1191 = arith.constant 28 : i32
      %broadcast_in_dim3A_1192 = vector.broadcast %jit3A_1191 : i32 to vector<16xi32>
      %select_n3A_1193 = arith.select %and3A_1189, %broadcast_in_dim3A_1192, %select_n3A_1157 : vector<16xi1>, vector<16xi32>
      %convert_element_type3A_1194 = arith.fptosi %broadcast_in_dim3A_1177 : vector<16xf32> to vector<16xi32>
      %select_n3A_1195 = arith.select %and3A_1189, %convert_element_type3A_1194, %select_n3A_1159 : vector<16xi1>, vector<16xi32>
      %slice3A_1196 = vector.extract_strided_slice %get3A_97 {offsets = [13], sizes = [1], strides = [1]} : vector<16xf32> to vector<1xf32>
      %broadcast_in_dim3A_1197 = vector.shape_cast %slice3A_1196 : vector<1xf32> to vector<1xf32>
      %broadcast_in_dim3A_1198 = vector.broadcast %broadcast_in_dim3A_1197 : vector<1xf32> to vector<16xf32>
      %slice3A_1199 = vector.extract_strided_slice %get3A_109 {offsets = [13], sizes = [1], strides = [1]} : vector<16xf32> to vector<1xf32>
      %broadcast_in_dim3A_1200 = vector.shape_cast %slice3A_1199 : vector<1xf32> to vector<1xf32>
      %broadcast_in_dim3A_1201 = vector.broadcast %broadcast_in_dim3A_1200 : vector<1xf32> to vector<16xf32>
      %slice3A_1202 = vector.extract_strided_slice %get3A_121 {offsets = [13], sizes = [1], strides = [1]} : vector<16xf32> to vector<1xf32>
      %broadcast_in_dim3A_1203 = vector.shape_cast %slice3A_1202 : vector<1xf32> to vector<1xf32>
      %broadcast_in_dim3A_1204 = vector.broadcast %broadcast_in_dim3A_1203 : vector<1xf32> to vector<16xf32>
      %slice3A_1205 = vector.extract_strided_slice %get3A_133 {offsets = [13], sizes = [1], strides = [1]} : vector<16xf32> to vector<1xf32>
      %broadcast_in_dim3A_1206 = vector.shape_cast %slice3A_1205 : vector<1xf32> to vector<1xf32>
      %broadcast_in_dim3A_1207 = vector.broadcast %broadcast_in_dim3A_1206 : vector<1xf32> to vector<16xf32>
      %slice3A_1208 = vector.extract_strided_slice %get3A_141 {offsets = [13], sizes = [1], strides = [1]} : vector<16xf32> to vector<1xf32>
      %broadcast_in_dim3A_1209 = vector.shape_cast %slice3A_1208 : vector<1xf32> to vector<1xf32>
      %broadcast_in_dim3A_1210 = vector.broadcast %broadcast_in_dim3A_1209 : vector<1xf32> to vector<16xf32>
      %slice3A_1211 = vector.extract_strided_slice %get3A_149 {offsets = [13], sizes = [1], strides = [1]} : vector<16xf32> to vector<1xf32>
      %broadcast_in_dim3A_1212 = vector.shape_cast %slice3A_1211 : vector<1xf32> to vector<1xf32>
      %broadcast_in_dim3A_1213 = vector.broadcast %broadcast_in_dim3A_1212 : vector<1xf32> to vector<16xf32>
      %ge3A_1214 = arith.cmpf oge, %get3A_62, %broadcast_in_dim3A_1204 : vector<16xf32>
      %le3A_1215 = arith.cmpf ole, %get3A_62, %broadcast_in_dim3A_1207 : vector<16xf32>
      %and3A_1216 = arith.andi %ge3A_1214, %le3A_1215 : vector<16xi1>
      %ge3A_1217 = arith.cmpf oge, %get3A_67, %broadcast_in_dim3A_1198 : vector<16xf32>
      %and3A_1218 = arith.andi %and3A_1216, %ge3A_1217 : vector<16xi1>
      %le3A_1219 = arith.cmpf ole, %get3A_67, %broadcast_in_dim3A_1201 : vector<16xf32>
      %and3A_1220 = arith.andi %and3A_1218, %le3A_1219 : vector<16xi1>
      %broadcast_in_dim3A_1221 = vector.broadcast %scan3A_3 : f32 to vector<16xf32>
      %select_n3A_1222 = arith.select %and3A_1220, %broadcast_in_dim3A_1210, %broadcast_in_dim3A_1221 : vector<16xi1>, vector<16xf32>
      %le3A_1223 = arith.cmpf ole, %select_n3A_1222, %select_n3A_1190 : vector<16xf32>
      %lt3A_1224 = arith.cmpf olt, %select_n3A_1222, %broadcast_in_dim3A_1221 : vector<16xf32>
      %and3A_1225 = arith.andi %le3A_1223, %lt3A_1224 : vector<16xi1>
      %select_n3A_1226 = arith.select %and3A_1225, %select_n3A_1222, %select_n3A_1190 : vector<16xi1>, vector<16xf32>
      %jit3A_1227 = arith.constant 29 : i32
      %broadcast_in_dim3A_1228 = vector.broadcast %jit3A_1227 : i32 to vector<16xi32>
      %select_n3A_1229 = arith.select %and3A_1225, %broadcast_in_dim3A_1228, %select_n3A_1193 : vector<16xi1>, vector<16xi32>
      %convert_element_type3A_1230 = arith.fptosi %broadcast_in_dim3A_1213 : vector<16xf32> to vector<16xi32>
      %select_n3A_1231 = arith.select %and3A_1225, %convert_element_type3A_1230, %select_n3A_1195 : vector<16xi1>, vector<16xi32>
      %slice3A_1232 = vector.extract_strided_slice %get3A_97 {offsets = [14], sizes = [1], strides = [1]} : vector<16xf32> to vector<1xf32>
      %broadcast_in_dim3A_1233 = vector.shape_cast %slice3A_1232 : vector<1xf32> to vector<1xf32>
      %broadcast_in_dim3A_1234 = vector.broadcast %broadcast_in_dim3A_1233 : vector<1xf32> to vector<16xf32>
      %slice3A_1235 = vector.extract_strided_slice %get3A_109 {offsets = [14], sizes = [1], strides = [1]} : vector<16xf32> to vector<1xf32>
      %broadcast_in_dim3A_1236 = vector.shape_cast %slice3A_1235 : vector<1xf32> to vector<1xf32>
      %broadcast_in_dim3A_1237 = vector.broadcast %broadcast_in_dim3A_1236 : vector<1xf32> to vector<16xf32>
      %slice3A_1238 = vector.extract_strided_slice %get3A_121 {offsets = [14], sizes = [1], strides = [1]} : vector<16xf32> to vector<1xf32>
      %broadcast_in_dim3A_1239 = vector.shape_cast %slice3A_1238 : vector<1xf32> to vector<1xf32>
      %broadcast_in_dim3A_1240 = vector.broadcast %broadcast_in_dim3A_1239 : vector<1xf32> to vector<16xf32>
      %slice3A_1241 = vector.extract_strided_slice %get3A_133 {offsets = [14], sizes = [1], strides = [1]} : vector<16xf32> to vector<1xf32>
      %broadcast_in_dim3A_1242 = vector.shape_cast %slice3A_1241 : vector<1xf32> to vector<1xf32>
      %broadcast_in_dim3A_1243 = vector.broadcast %broadcast_in_dim3A_1242 : vector<1xf32> to vector<16xf32>
      %slice3A_1244 = vector.extract_strided_slice %get3A_141 {offsets = [14], sizes = [1], strides = [1]} : vector<16xf32> to vector<1xf32>
      %broadcast_in_dim3A_1245 = vector.shape_cast %slice3A_1244 : vector<1xf32> to vector<1xf32>
      %broadcast_in_dim3A_1246 = vector.broadcast %broadcast_in_dim3A_1245 : vector<1xf32> to vector<16xf32>
      %slice3A_1247 = vector.extract_strided_slice %get3A_149 {offsets = [14], sizes = [1], strides = [1]} : vector<16xf32> to vector<1xf32>
      %broadcast_in_dim3A_1248 = vector.shape_cast %slice3A_1247 : vector<1xf32> to vector<1xf32>
      %broadcast_in_dim3A_1249 = vector.broadcast %broadcast_in_dim3A_1248 : vector<1xf32> to vector<16xf32>
      %ge3A_1250 = arith.cmpf oge, %get3A_62, %broadcast_in_dim3A_1240 : vector<16xf32>
      %le3A_1251 = arith.cmpf ole, %get3A_62, %broadcast_in_dim3A_1243 : vector<16xf32>
      %and3A_1252 = arith.andi %ge3A_1250, %le3A_1251 : vector<16xi1>
      %ge3A_1253 = arith.cmpf oge, %get3A_67, %broadcast_in_dim3A_1234 : vector<16xf32>
      %and3A_1254 = arith.andi %and3A_1252, %ge3A_1253 : vector<16xi1>
      %le3A_1255 = arith.cmpf ole, %get3A_67, %broadcast_in_dim3A_1237 : vector<16xf32>
      %and3A_1256 = arith.andi %and3A_1254, %le3A_1255 : vector<16xi1>
      %broadcast_in_dim3A_1257 = vector.broadcast %scan3A_3 : f32 to vector<16xf32>
      %select_n3A_1258 = arith.select %and3A_1256, %broadcast_in_dim3A_1246, %broadcast_in_dim3A_1257 : vector<16xi1>, vector<16xf32>
      %le3A_1259 = arith.cmpf ole, %select_n3A_1258, %select_n3A_1226 : vector<16xf32>
      %lt3A_1260 = arith.cmpf olt, %select_n3A_1258, %broadcast_in_dim3A_1257 : vector<16xf32>
      %and3A_1261 = arith.andi %le3A_1259, %lt3A_1260 : vector<16xi1>
      %select_n3A_1262 = arith.select %and3A_1261, %select_n3A_1258, %select_n3A_1226 : vector<16xi1>, vector<16xf32>
      %jit3A_1263 = arith.constant 30 : i32
      %broadcast_in_dim3A_1264 = vector.broadcast %jit3A_1263 : i32 to vector<16xi32>
      %select_n3A_1265 = arith.select %and3A_1261, %broadcast_in_dim3A_1264, %select_n3A_1229 : vector<16xi1>, vector<16xi32>
      %convert_element_type3A_1266 = arith.fptosi %broadcast_in_dim3A_1249 : vector<16xf32> to vector<16xi32>
      %select_n3A_1267 = arith.select %and3A_1261, %convert_element_type3A_1266, %select_n3A_1231 : vector<16xi1>, vector<16xi32>
      %slice3A_1268 = vector.extract_strided_slice %get3A_97 {offsets = [15], sizes = [1], strides = [1]} : vector<16xf32> to vector<1xf32>
      %broadcast_in_dim3A_1269 = vector.shape_cast %slice3A_1268 : vector<1xf32> to vector<1xf32>
      %broadcast_in_dim3A_1270 = vector.broadcast %broadcast_in_dim3A_1269 : vector<1xf32> to vector<16xf32>
      %slice3A_1271 = vector.extract_strided_slice %get3A_109 {offsets = [15], sizes = [1], strides = [1]} : vector<16xf32> to vector<1xf32>
      %broadcast_in_dim3A_1272 = vector.shape_cast %slice3A_1271 : vector<1xf32> to vector<1xf32>
      %broadcast_in_dim3A_1273 = vector.broadcast %broadcast_in_dim3A_1272 : vector<1xf32> to vector<16xf32>
      %slice3A_1274 = vector.extract_strided_slice %get3A_121 {offsets = [15], sizes = [1], strides = [1]} : vector<16xf32> to vector<1xf32>
      %broadcast_in_dim3A_1275 = vector.shape_cast %slice3A_1274 : vector<1xf32> to vector<1xf32>
      %broadcast_in_dim3A_1276 = vector.broadcast %broadcast_in_dim3A_1275 : vector<1xf32> to vector<16xf32>
      %slice3A_1277 = vector.extract_strided_slice %get3A_133 {offsets = [15], sizes = [1], strides = [1]} : vector<16xf32> to vector<1xf32>
      %broadcast_in_dim3A_1278 = vector.shape_cast %slice3A_1277 : vector<1xf32> to vector<1xf32>
      %broadcast_in_dim3A_1279 = vector.broadcast %broadcast_in_dim3A_1278 : vector<1xf32> to vector<16xf32>
      %slice3A_1280 = vector.extract_strided_slice %get3A_141 {offsets = [15], sizes = [1], strides = [1]} : vector<16xf32> to vector<1xf32>
      %broadcast_in_dim3A_1281 = vector.shape_cast %slice3A_1280 : vector<1xf32> to vector<1xf32>
      %broadcast_in_dim3A_1282 = vector.broadcast %broadcast_in_dim3A_1281 : vector<1xf32> to vector<16xf32>
      %slice3A_1283 = vector.extract_strided_slice %get3A_149 {offsets = [15], sizes = [1], strides = [1]} : vector<16xf32> to vector<1xf32>
      %broadcast_in_dim3A_1284 = vector.shape_cast %slice3A_1283 : vector<1xf32> to vector<1xf32>
      %broadcast_in_dim3A_1285 = vector.broadcast %broadcast_in_dim3A_1284 : vector<1xf32> to vector<16xf32>
      %ge3A_1286 = arith.cmpf oge, %get3A_62, %broadcast_in_dim3A_1276 : vector<16xf32>
      %le3A_1287 = arith.cmpf ole, %get3A_62, %broadcast_in_dim3A_1279 : vector<16xf32>
      %and3A_1288 = arith.andi %ge3A_1286, %le3A_1287 : vector<16xi1>
      %ge3A_1289 = arith.cmpf oge, %get3A_67, %broadcast_in_dim3A_1270 : vector<16xf32>
      %and3A_1290 = arith.andi %and3A_1288, %ge3A_1289 : vector<16xi1>
      %le3A_1291 = arith.cmpf ole, %get3A_67, %broadcast_in_dim3A_1273 : vector<16xf32>
      %and3A_1292 = arith.andi %and3A_1290, %le3A_1291 : vector<16xi1>
      %broadcast_in_dim3A_1293 = vector.broadcast %scan3A_3 : f32 to vector<16xf32>
      %select_n3A_1294 = arith.select %and3A_1292, %broadcast_in_dim3A_1282, %broadcast_in_dim3A_1293 : vector<16xi1>, vector<16xf32>
      %le3A_1295 = arith.cmpf ole, %select_n3A_1294, %select_n3A_1262 : vector<16xf32>
      %lt3A_1296 = arith.cmpf olt, %select_n3A_1294, %broadcast_in_dim3A_1293 : vector<16xf32>
      %and3A_1297 = arith.andi %le3A_1295, %lt3A_1296 : vector<16xi1>
      %select_n3A_1298 = arith.select %and3A_1297, %select_n3A_1294, %select_n3A_1262 : vector<16xi1>, vector<16xf32>
      %jit3A_1299 = arith.constant 31 : i32
      %broadcast_in_dim3A_1300 = vector.broadcast %jit3A_1299 : i32 to vector<16xi32>
      %select_n3A_1301 = arith.select %and3A_1297, %broadcast_in_dim3A_1300, %select_n3A_1265 : vector<16xi1>, vector<16xi32>
      %convert_element_type3A_1302 = arith.fptosi %broadcast_in_dim3A_1285 : vector<16xf32> to vector<16xi32>
      %select_n3A_1303 = arith.select %and3A_1297, %convert_element_type3A_1302, %select_n3A_1267 : vector<16xi1>, vector<16xi32>
      %mul3A_1304 = arith.constant 16 : i32
      %mul3A_1305 = arith.muli %scan3A_13, %mul3A_1304 : i32
      %swap3A = arith.index_cast %mul3A_1305 : i32 to index
      %swap3A_1306 = tpu.vector_load %arg10[%swap3A] {strides = array<i32>} : memref<496xi32, #tpu.memory_space<vmem>>, vector<16xi32>,
      %swap3A_1307 = vector.shape_cast %swap3A_1306 : vector<16xi32> to vector<16xi32>
      %swap3A_1308 = vector.shape_cast %select_n3A_1303 : vector<16xi32> to vector<16xi32>
      tpu.vector_store %arg10[%swap3A], %swap3A_1308 {strides = array<i32>} : memref<496xi32, #tpu.memory_space<vmem>>, vector<16xi32>,
      %mul3A_1309 = arith.constant 16 : i32
      %mul3A_1310 = arith.muli %scan3A_13, %mul3A_1309 : i32
      %swap3A_1311 = arith.index_cast %mul3A_1310 : i32 to index
      %swap3A_1312 = tpu.vector_load %arg11[%swap3A_1311] {strides = array<i32>} : memref<496xi32, #tpu.memory_space<vmem>>, vector<16xi32>,
      %swap3A_1313 = vector.shape_cast %swap3A_1312 : vector<16xi32> to vector<16xi32>
      %swap3A_1314 = vector.shape_cast %select_n3A_1301 : vector<16xi32> to vector<16xi32>
      tpu.vector_store %arg11[%swap3A_1311], %swap3A_1314 {strides = array<i32>} : memref<496xi32, #tpu.memory_space<vmem>>, vector<16xi32>,
    }
    %scan3A_8 = arith.constant 31 : i32
    %mul3A_9 = arith.constant 16 : i32
    %mul3A_10 = arith.muli %mul3A_2, %mul3A_9 : i32
    "tpu.region"() ({
      %run_scoped3A = tpu.sem_alloc : memref<!tpu.dma_semaphore, #tpu.memory_space<semaphore_mem>>
      %dma_start3A = tpu.memref_slice %arg5[%mul3A_10] : memref<15872xi32, #tpu.memory_space<hbm>> -> memref<496xi32, #tpu.memory_space<hbm>>
      %dma_start3A_13 = tpu.memref_slice %arg5[%mul3A_10] : memref<15872xi32, #tpu.memory_space<hbm>> -> memref<496xi32, #tpu.memory_space<hbm>>
      tpu.enqueue_dma source(%arg10 : memref<496xi32, #tpu.memory_space<vmem>>) target(%dma_start3A_13 : memref<496xi32, #tpu.memory_space<hbm>>) target_semaphore(%run_scoped3A : memref<!tpu.dma_semaphore, #tpu.memory_space<semaphore_mem>>)
      %dma_wait3A = tpu.memref_slice %arg5[%mul3A_10] : memref<15872xi32, #tpu.memory_space<hbm>> -> memref<496xi32, #tpu.memory_space<hbm>>
      %dma_wait3A_14 = tpu.memref_slice %arg5[%mul3A_10] : memref<15872xi32, #tpu.memory_space<hbm>> -> memref<496xi32, #tpu.memory_space<hbm>>
      tpu.wait_dma2 semaphore(%run_scoped3A : memref<!tpu.dma_semaphore, #tpu.memory_space<semaphore_mem>>) src(%arg10 : memref<496xi32, #tpu.memory_space<vmem>>) dst(%dma_wait3A_14 : memref<496xi32, #tpu.memory_space<hbm>>)
      tpu.yield
    }) : () -> ()
    %mul3A_11 = arith.constant 16 : i32
    %mul3A_12 = arith.muli %mul3A_2, %mul3A_11 : i32
    "tpu.region"() ({
      %run_scoped3A = tpu.sem_alloc : memref<!tpu.dma_semaphore, #tpu.memory_space<semaphore_mem>>
      %dma_start3A = tpu.memref_slice %arg6[%mul3A_12] : memref<15872xi32, #tpu.memory_space<hbm>> -> memref<496xi32, #tpu.memory_space<hbm>>
      %dma_start3A_13 = tpu.memref_slice %arg6[%mul3A_12] : memref<15872xi32, #tpu.memory_space<hbm>> -> memref<496xi32, #tpu.memory_space<hbm>>
      tpu.enqueue_dma source(%arg11 : memref<496xi32, #tpu.memory_space<vmem>>) target(%dma_start3A_13 : memref<496xi32, #tpu.memory_space<hbm>>) target_semaphore(%run_scoped3A : memref<!tpu.dma_semaphore, #tpu.memory_space<semaphore_mem>>)
      %dma_wait3A = tpu.memref_slice %arg6[%mul3A_12] : memref<15872xi32, #tpu.memory_space<hbm>> -> memref<496xi32, #tpu.memory_space<hbm>>
      %dma_wait3A_14 = tpu.memref_slice %arg6[%mul3A_12] : memref<15872xi32, #tpu.memory_space<hbm>> -> memref<496xi32, #tpu.memory_space<hbm>>
      tpu.wait_dma2 semaphore(%run_scoped3A : memref<!tpu.dma_semaphore, #tpu.memory_space<semaphore_mem>>) src(%arg11 : memref<496xi32, #tpu.memory_space<vmem>>) dst(%dma_wait3A_14 : memref<496xi32, #tpu.memory_space<hbm>>)
      tpu.yield
    }) : () -> ()
    return
  }
}

module attributes {stable_mosaic.version = 14 : i64} {
  func.func @_stats_body(%arg0: i32, %arg1: i32, %arg2: memref<1x8x512x512xf32, #tpu.memory_space<vmem>>, %arg3: memref<1x8x128xf32, #tpu.memory_space<vmem>>, %arg4: memref<1x1x128xi32, #tpu.memory_space<vmem>>, %arg5: memref<1x32x128xf32, #tpu.memory_space<vmem>>, %arg6: memref<8x128xi32, #tpu.memory_space<vmem>>) attributes {dimension_semantics = [#tpu.dimension_semantics<arbitrary>, #tpu.dimension_semantics<arbitrary>], iteration_bounds = array<i64: 4, 4>, scalar_prefetch = 0 : i64, scratch_operands = 1 : i64, tpu.core_type = #tpu.core_type<tc>, window_params = [{transform_indices = @transform_0, window_bounds = array<i64: 1, 8, 512, 512>}, {transform_indices = @transform_1, window_bounds = array<i64: 1, 8, 128>}, {transform_indices = @transform_2, window_bounds = array<i64: 1, 1, 128>}, {transform_indices = @transform_3, window_bounds = array<i64: 1, 32, 128>}]} {
    %iota3A = tpu.iota {dimensions = array<i32: 0>} : vector<8x512xi32>
    %iota3A_0 = tpu.iota {dimensions = array<i32: 1>} : vector<8x512xi32>
    %eq3A = arith.constant 0 : i32
    %eq3A_1 = vector.broadcast %eq3A : i32 to vector<8x512xi32>
    %eq3A_2 = arith.cmpi eq, %iota3A, %eq3A_1 : vector<8x512xi32>
    %eq3A_3 = arith.constant 1 : i32
    %eq3A_4 = vector.broadcast %eq3A_3 : i32 to vector<8x512xi32>
    %eq3A_5 = arith.cmpi eq, %iota3A, %eq3A_4 : vector<8x512xi32>
    %and3A = arith.constant -2 : i32
    %and3A_6 = vector.broadcast %and3A : i32 to vector<8x512xi32>
    %and3A_7 = arith.andi %iota3A_0, %and3A_6 : vector<8x512xi32>
    %eq3A_8 = arith.constant 2 : i32
    %eq3A_9 = vector.broadcast %eq3A_8 : i32 to vector<8x512xi32>
    %eq3A_10 = arith.cmpi eq, %iota3A, %eq3A_9 : vector<8x512xi32>
    %and3A_11 = arith.constant 1 : i32
    %and3A_12 = vector.broadcast %and3A_11 : i32 to vector<8x512xi32>
    %and3A_13 = arith.andi %iota3A_0, %and3A_12 : vector<8x512xi32>
    %jit3A = arith.constant 0 : i32
    %broadcast_in_dim3A = vector.broadcast %jit3A : i32 to vector<8x512xi32>
    %select_n3A = arith.select %eq3A_10, %and3A_13, %broadcast_in_dim3A : vector<8x512xi1>, vector<8x512xi32>
    %select_n3A_14 = arith.select %eq3A_5, %and3A_7, %select_n3A : vector<8x512xi1>, vector<8x512xi32>
    %jit3A_15 = arith.constant 1 : i32
    %broadcast_in_dim3A_16 = vector.broadcast %jit3A_15 : i32 to vector<8x512xi32>
    %select_n3A_17 = arith.select %eq3A_2, %broadcast_in_dim3A_16, %select_n3A_14 : vector<8x512xi1>, vector<8x512xi32>
    %convert_element_type3A = arith.sitofp %select_n3A_17 : vector<8x512xi32> to vector<8x512xf32>
    %iota3A_18 = tpu.iota {dimensions = array<i32: 1>} : vector<1x512xi32>
    %iota3A_19 = tpu.iota {dimensions = array<i32: 1>} : vector<8x128xi32>
    %iota3A_20 = tpu.iota {dimensions = array<i32: 0>} : vector<8x128xi32>
    %mul3A = arith.constant 8 : i32
    %mul3A_21 = arith.muli %arg1, %mul3A : i32
    %get3A = arith.constant 0 : index
    %get3A_22 = arith.constant 0 : index
    %get3A_23 = vector.load %arg6[%get3A, %get3A_22] : memref<8x128xi32, #tpu.memory_space<vmem>>, vector<8x128xi32>
    %get3A_24 = arith.constant 0 : index
    %get3A_25 = arith.constant 0 : index
    %get3A_26 = arith.constant 0 : index
    %get3A_27 = arith.constant 0 : index
    %get3A_28 = vector.load %arg2[%get3A_24, %get3A_25, %get3A_26, %get3A_27] : memref<1x8x512x512xf32, #tpu.memory_space<vmem>>, vector<1x1x512x512xf32>
    %get3A_29 = vector.shape_cast %get3A_28 : vector<1x1x512x512xf32> to vector<512x512xf32>
    %ne3A = arith.constant 0.000000e+00 : f32
    %ne3A_30 = vector.broadcast %ne3A : f32 to vector<512x512xf32>
    %ne3A_31 = arith.cmpf one, %get3A_29, %ne3A_30 : vector<512x512xf32>
    %jit3A_32 = arith.constant 1.000000e+00 : f32
    %jit3A_33 = arith.constant 0.000000e+00 : f32
    %broadcast_in_dim3A_34 = vector.broadcast %jit3A_32 : f32 to vector<512x512xf32>
    %broadcast_in_dim3A_35 = vector.broadcast %jit3A_33 : f32 to vector<512x512xf32>
    %select_n3A_36 = arith.select %ne3A_31, %broadcast_in_dim3A_34, %broadcast_in_dim3A_35 : vector<512x512xi1>, vector<512x512xf32>
    %dot_general3A = arith.constant dense<0.000000e+00> : vector<8x512xf32>
    %dot_general3A_37 = tpu.matmul %convert_element_type3A, %select_n3A_36, %dot_general3A {dimension_numbers = #tpu.dot_dimension_numbers<[1], [0], [0], [1], [0, 0, 1, 1], [], []>, transpose_lhs_hint = false} : vector<8x512xf32>, vector<512x512xf32>, vector<8x512xf32> -> vector<8x512xf32>
    %slice3A = vector.extract_strided_slice %dot_general3A_37 {offsets = [0, 0], sizes = [1, 512], strides = [1, 1]} : vector<8x512xf32> to vector<1x512xf32>
    %convert_element_type3A_38 = arith.fptosi %slice3A : vector<1x512xf32> to vector<1x512xi32>
    %reduce_sum3A = vector.shape_cast %convert_element_type3A_38 : vector<1x512xi32> to vector<1x1x512xi32>
    %reduce_sum3A_39 = arith.constant dense<0> : vector<1xi32>
    %reduce_sum3A_40 = vector.multi_reduction <add>, %reduce_sum3A, %reduce_sum3A_39 [1, 2] : vector<1x1x512xi32> to vector<1xi32>
    %reduce_sum3A_41 = vector.shape_cast %reduce_sum3A_40 : vector<1xi32> to vector<1x1x1xi32>
    %reduce_sum3A_42 = vector.extract %reduce_sum3A_41[0, 0, 0] : i32 from vector<1x1x1xi32>
    %mul3A_43 = arith.muli %convert_element_type3A_38, %iota3A_18 : vector<1x512xi32>
    %reduce_sum3A_44 = vector.shape_cast %mul3A_43 : vector<1x512xi32> to vector<1x1x512xi32>
    %reduce_sum3A_45 = arith.constant dense<0> : vector<1xi32>
    %reduce_sum3A_46 = vector.multi_reduction <add>, %reduce_sum3A_44, %reduce_sum3A_45 [1, 2] : vector<1x1x512xi32> to vector<1xi32>
    %reduce_sum3A_47 = vector.shape_cast %reduce_sum3A_46 : vector<1xi32> to vector<1x1x1xi32>
    %reduce_sum3A_48 = vector.extract %reduce_sum3A_47[0, 0, 0] : i32 from vector<1x1x1xi32>
    %slice3A_49 = vector.extract_strided_slice %dot_general3A_37 {offsets = [1, 0], sizes = [1, 512], strides = [1, 1]} : vector<8x512xf32> to vector<1x512xf32>
    %convert_element_type3A_50 = arith.fptosi %slice3A_49 : vector<1x512xf32> to vector<1x512xi32>
    %reduce_sum3A_51 = vector.shape_cast %convert_element_type3A_50 : vector<1x512xi32> to vector<1x1x512xi32>
    %reduce_sum3A_52 = arith.constant dense<0> : vector<1xi32>
    %reduce_sum3A_53 = vector.multi_reduction <add>, %reduce_sum3A_51, %reduce_sum3A_52 [1, 2] : vector<1x1x512xi32> to vector<1xi32>
    %reduce_sum3A_54 = vector.shape_cast %reduce_sum3A_53 : vector<1xi32> to vector<1x1x1xi32>
    %reduce_sum3A_55 = vector.extract %reduce_sum3A_54[0, 0, 0] : i32 from vector<1x1x1xi32>
    %slice3A_56 = vector.extract_strided_slice %dot_general3A_37 {offsets = [2, 0], sizes = [1, 512], strides = [1, 1]} : vector<8x512xf32> to vector<1x512xf32>
    %convert_element_type3A_57 = arith.fptosi %slice3A_56 : vector<1x512xf32> to vector<1x512xi32>
    %reduce_sum3A_58 = vector.shape_cast %convert_element_type3A_57 : vector<1x512xi32> to vector<1x1x512xi32>
    %reduce_sum3A_59 = arith.constant dense<0> : vector<1xi32>
    %reduce_sum3A_60 = vector.multi_reduction <add>, %reduce_sum3A_58, %reduce_sum3A_59 [1, 2] : vector<1x1x512xi32> to vector<1xi32>
    %reduce_sum3A_61 = vector.shape_cast %reduce_sum3A_60 : vector<1xi32> to vector<1x1x1xi32>
    %reduce_sum3A_62 = vector.extract %reduce_sum3A_61[0, 0, 0] : i32 from vector<1x1x1xi32>
    %add3A = arith.addi %reduce_sum3A_55, %reduce_sum3A_62 : i32
    %add3A_63 = arith.constant 0 : i32
    %add3A_64 = arith.addi %mul3A_21, %add3A_63 : i32
    %eq3A_65 = vector.broadcast %add3A_64 : i32 to vector<8x128xi32>
    %eq3A_66 = arith.cmpi eq, %iota3A_19, %eq3A_65 : vector<8x128xi32>
    %eq3A_67 = arith.constant 0 : i32
    %eq3A_68 = vector.broadcast %eq3A_67 : i32 to vector<8x128xi32>
    %eq3A_69 = arith.cmpi eq, %iota3A_20, %eq3A_68 : vector<8x128xi32>
    %and3A_70 = arith.andi %eq3A_66, %eq3A_69 : vector<8x128xi1>
    %eq3A_71 = arith.constant 1 : i32
    %eq3A_72 = vector.broadcast %eq3A_71 : i32 to vector<8x128xi32>
    %eq3A_73 = arith.cmpi eq, %iota3A_20, %eq3A_72 : vector<8x128xi32>
    %and3A_74 = arith.andi %eq3A_66, %eq3A_73 : vector<8x128xi1>
    %eq3A_75 = arith.constant 2 : i32
    %eq3A_76 = vector.broadcast %eq3A_75 : i32 to vector<8x128xi32>
    %eq3A_77 = arith.cmpi eq, %iota3A_20, %eq3A_76 : vector<8x128xi32>
    %and3A_78 = arith.andi %eq3A_66, %eq3A_77 : vector<8x128xi1>
    %broadcast_in_dim3A_79 = vector.broadcast %reduce_sum3A_48 : i32 to vector<8x128xi32>
    %select_n3A_80 = arith.select %and3A_78, %broadcast_in_dim3A_79, %get3A_23 : vector<8x128xi1>, vector<8x128xi32>
    %broadcast_in_dim3A_81 = vector.broadcast %add3A : i32 to vector<8x128xi32>
    %select_n3A_82 = arith.select %and3A_74, %broadcast_in_dim3A_81, %select_n3A_80 : vector<8x128xi1>, vector<8x128xi32>
    %broadcast_in_dim3A_83 = vector.broadcast %reduce_sum3A_42 : i32 to vector<8x128xi32>
    %select_n3A_84 = arith.select %and3A_70, %broadcast_in_dim3A_83, %select_n3A_82 : vector<8x128xi1>, vector<8x128xi32>
    %get3A_85 = arith.constant 0 : index
    %get3A_86 = arith.constant 1 : index
    %get3A_87 = arith.constant 0 : index
    %get3A_88 = arith.constant 0 : index
    %get3A_89 = vector.load %arg2[%get3A_85, %get3A_86, %get3A_87, %get3A_88] : memref<1x8x512x512xf32, #tpu.memory_space<vmem>>, vector<1x1x512x512xf32>
    %get3A_90 = vector.shape_cast %get3A_89 : vector<1x1x512x512xf32> to vector<512x512xf32>
    %ne3A_91 = arith.constant 0.000000e+00 : f32
    %ne3A_92 = vector.broadcast %ne3A_91 : f32 to vector<512x512xf32>
    %ne3A_93 = arith.cmpf one, %get3A_90, %ne3A_92 : vector<512x512xf32>
    %jit3A_94 = arith.constant 1.000000e+00 : f32
    %jit3A_95 = arith.constant 0.000000e+00 : f32
    %broadcast_in_dim3A_96 = vector.broadcast %jit3A_94 : f32 to vector<512x512xf32>
    %broadcast_in_dim3A_97 = vector.broadcast %jit3A_95 : f32 to vector<512x512xf32>
    %select_n3A_98 = arith.select %ne3A_93, %broadcast_in_dim3A_96, %broadcast_in_dim3A_97 : vector<512x512xi1>, vector<512x512xf32>
    %dot_general3A_99 = arith.constant dense<0.000000e+00> : vector<8x512xf32>
    %dot_general3A_100 = tpu.matmul %convert_element_type3A, %select_n3A_98, %dot_general3A_99 {dimension_numbers = #tpu.dot_dimension_numbers<[1], [0], [0], [1], [0, 0, 1, 1], [], []>, transpose_lhs_hint = false} : vector<8x512xf32>, vector<512x512xf32>, vector<8x512xf32> -> vector<8x512xf32>
    %slice3A_101 = vector.extract_strided_slice %dot_general3A_100 {offsets = [0, 0], sizes = [1, 512], strides = [1, 1]} : vector<8x512xf32> to vector<1x512xf32>
    %convert_element_type3A_102 = arith.fptosi %slice3A_101 : vector<1x512xf32> to vector<1x512xi32>
    %reduce_sum3A_103 = vector.shape_cast %convert_element_type3A_102 : vector<1x512xi32> to vector<1x1x512xi32>
    %reduce_sum3A_104 = arith.constant dense<0> : vector<1xi32>
    %reduce_sum3A_105 = vector.multi_reduction <add>, %reduce_sum3A_103, %reduce_sum3A_104 [1, 2] : vector<1x1x512xi32> to vector<1xi32>
    %reduce_sum3A_106 = vector.shape_cast %reduce_sum3A_105 : vector<1xi32> to vector<1x1x1xi32>
    %reduce_sum3A_107 = vector.extract %reduce_sum3A_106[0, 0, 0] : i32 from vector<1x1x1xi32>
    %mul3A_108 = arith.muli %convert_element_type3A_102, %iota3A_18 : vector<1x512xi32>
    %reduce_sum3A_109 = vector.shape_cast %mul3A_108 : vector<1x512xi32> to vector<1x1x512xi32>
    %reduce_sum3A_110 = arith.constant dense<0> : vector<1xi32>
    %reduce_sum3A_111 = vector.multi_reduction <add>, %reduce_sum3A_109, %reduce_sum3A_110 [1, 2] : vector<1x1x512xi32> to vector<1xi32>
    %reduce_sum3A_112 = vector.shape_cast %reduce_sum3A_111 : vector<1xi32> to vector<1x1x1xi32>
    %reduce_sum3A_113 = vector.extract %reduce_sum3A_112[0, 0, 0] : i32 from vector<1x1x1xi32>
    %slice3A_114 = vector.extract_strided_slice %dot_general3A_100 {offsets = [1, 0], sizes = [1, 512], strides = [1, 1]} : vector<8x512xf32> to vector<1x512xf32>
    %convert_element_type3A_115 = arith.fptosi %slice3A_114 : vector<1x512xf32> to vector<1x512xi32>
    %reduce_sum3A_116 = vector.shape_cast %convert_element_type3A_115 : vector<1x512xi32> to vector<1x1x512xi32>
    %reduce_sum3A_117 = arith.constant dense<0> : vector<1xi32>
    %reduce_sum3A_118 = vector.multi_reduction <add>, %reduce_sum3A_116, %reduce_sum3A_117 [1, 2] : vector<1x1x512xi32> to vector<1xi32>
    %reduce_sum3A_119 = vector.shape_cast %reduce_sum3A_118 : vector<1xi32> to vector<1x1x1xi32>
    %reduce_sum3A_120 = vector.extract %reduce_sum3A_119[0, 0, 0] : i32 from vector<1x1x1xi32>
    %slice3A_121 = vector.extract_strided_slice %dot_general3A_100 {offsets = [2, 0], sizes = [1, 512], strides = [1, 1]} : vector<8x512xf32> to vector<1x512xf32>
    %convert_element_type3A_122 = arith.fptosi %slice3A_121 : vector<1x512xf32> to vector<1x512xi32>
    %reduce_sum3A_123 = vector.shape_cast %convert_element_type3A_122 : vector<1x512xi32> to vector<1x1x512xi32>
    %reduce_sum3A_124 = arith.constant dense<0> : vector<1xi32>
    %reduce_sum3A_125 = vector.multi_reduction <add>, %reduce_sum3A_123, %reduce_sum3A_124 [1, 2] : vector<1x1x512xi32> to vector<1xi32>
    %reduce_sum3A_126 = vector.shape_cast %reduce_sum3A_125 : vector<1xi32> to vector<1x1x1xi32>
    %reduce_sum3A_127 = vector.extract %reduce_sum3A_126[0, 0, 0] : i32 from vector<1x1x1xi32>
    %add3A_128 = arith.addi %reduce_sum3A_120, %reduce_sum3A_127 : i32
    %add3A_129 = arith.constant 1 : i32
    %add3A_130 = arith.addi %mul3A_21, %add3A_129 : i32
    %eq3A_131 = vector.broadcast %add3A_130 : i32 to vector<8x128xi32>
    %eq3A_132 = arith.cmpi eq, %iota3A_19, %eq3A_131 : vector<8x128xi32>
    %eq3A_133 = arith.constant 0 : i32
    %eq3A_134 = vector.broadcast %eq3A_133 : i32 to vector<8x128xi32>
    %eq3A_135 = arith.cmpi eq, %iota3A_20, %eq3A_134 : vector<8x128xi32>
    %and3A_136 = arith.andi %eq3A_132, %eq3A_135 : vector<8x128xi1>
    %eq3A_137 = arith.constant 1 : i32
    %eq3A_138 = vector.broadcast %eq3A_137 : i32 to vector<8x128xi32>
    %eq3A_139 = arith.cmpi eq, %iota3A_20, %eq3A_138 : vector<8x128xi32>
    %and3A_140 = arith.andi %eq3A_132, %eq3A_139 : vector<8x128xi1>
    %eq3A_141 = arith.constant 2 : i32
    %eq3A_142 = vector.broadcast %eq3A_141 : i32 to vector<8x128xi32>
    %eq3A_143 = arith.cmpi eq, %iota3A_20, %eq3A_142 : vector<8x128xi32>
    %and3A_144 = arith.andi %eq3A_132, %eq3A_143 : vector<8x128xi1>
    %broadcast_in_dim3A_145 = vector.broadcast %reduce_sum3A_113 : i32 to vector<8x128xi32>
    %select_n3A_146 = arith.select %and3A_144, %broadcast_in_dim3A_145, %select_n3A_84 : vector<8x128xi1>, vector<8x128xi32>
    %broadcast_in_dim3A_147 = vector.broadcast %add3A_128 : i32 to vector<8x128xi32>
    %select_n3A_148 = arith.select %and3A_140, %broadcast_in_dim3A_147, %select_n3A_146 : vector<8x128xi1>, vector<8x128xi32>
    %broadcast_in_dim3A_149 = vector.broadcast %reduce_sum3A_107 : i32 to vector<8x128xi32>
    %select_n3A_150 = arith.select %and3A_136, %broadcast_in_dim3A_149, %select_n3A_148 : vector<8x128xi1>, vector<8x128xi32>
    %get3A_151 = arith.constant 0 : index
    %get3A_152 = arith.constant 2 : index
    %get3A_153 = arith.constant 0 : index
    %get3A_154 = arith.constant 0 : index
    %get3A_155 = vector.load %arg2[%get3A_151, %get3A_152, %get3A_153, %get3A_154] : memref<1x8x512x512xf32, #tpu.memory_space<vmem>>, vector<1x1x512x512xf32>
    %get3A_156 = vector.shape_cast %get3A_155 : vector<1x1x512x512xf32> to vector<512x512xf32>
    %ne3A_157 = arith.constant 0.000000e+00 : f32
    %ne3A_158 = vector.broadcast %ne3A_157 : f32 to vector<512x512xf32>
    %ne3A_159 = arith.cmpf one, %get3A_156, %ne3A_158 : vector<512x512xf32>
    %jit3A_160 = arith.constant 1.000000e+00 : f32
    %jit3A_161 = arith.constant 0.000000e+00 : f32
    %broadcast_in_dim3A_162 = vector.broadcast %jit3A_160 : f32 to vector<512x512xf32>
    %broadcast_in_dim3A_163 = vector.broadcast %jit3A_161 : f32 to vector<512x512xf32>
    %select_n3A_164 = arith.select %ne3A_159, %broadcast_in_dim3A_162, %broadcast_in_dim3A_163 : vector<512x512xi1>, vector<512x512xf32>
    %dot_general3A_165 = arith.constant dense<0.000000e+00> : vector<8x512xf32>
    %dot_general3A_166 = tpu.matmul %convert_element_type3A, %select_n3A_164, %dot_general3A_165 {dimension_numbers = #tpu.dot_dimension_numbers<[1], [0], [0], [1], [0, 0, 1, 1], [], []>, transpose_lhs_hint = false} : vector<8x512xf32>, vector<512x512xf32>, vector<8x512xf32> -> vector<8x512xf32>
    %slice3A_167 = vector.extract_strided_slice %dot_general3A_166 {offsets = [0, 0], sizes = [1, 512], strides = [1, 1]} : vector<8x512xf32> to vector<1x512xf32>
    %convert_element_type3A_168 = arith.fptosi %slice3A_167 : vector<1x512xf32> to vector<1x512xi32>
    %reduce_sum3A_169 = vector.shape_cast %convert_element_type3A_168 : vector<1x512xi32> to vector<1x1x512xi32>
    %reduce_sum3A_170 = arith.constant dense<0> : vector<1xi32>
    %reduce_sum3A_171 = vector.multi_reduction <add>, %reduce_sum3A_169, %reduce_sum3A_170 [1, 2] : vector<1x1x512xi32> to vector<1xi32>
    %reduce_sum3A_172 = vector.shape_cast %reduce_sum3A_171 : vector<1xi32> to vector<1x1x1xi32>
    %reduce_sum3A_173 = vector.extract %reduce_sum3A_172[0, 0, 0] : i32 from vector<1x1x1xi32>
    %mul3A_174 = arith.muli %convert_element_type3A_168, %iota3A_18 : vector<1x512xi32>
    %reduce_sum3A_175 = vector.shape_cast %mul3A_174 : vector<1x512xi32> to vector<1x1x512xi32>
    %reduce_sum3A_176 = arith.constant dense<0> : vector<1xi32>
    %reduce_sum3A_177 = vector.multi_reduction <add>, %reduce_sum3A_175, %reduce_sum3A_176 [1, 2] : vector<1x1x512xi32> to vector<1xi32>
    %reduce_sum3A_178 = vector.shape_cast %reduce_sum3A_177 : vector<1xi32> to vector<1x1x1xi32>
    %reduce_sum3A_179 = vector.extract %reduce_sum3A_178[0, 0, 0] : i32 from vector<1x1x1xi32>
    %slice3A_180 = vector.extract_strided_slice %dot_general3A_166 {offsets = [1, 0], sizes = [1, 512], strides = [1, 1]} : vector<8x512xf32> to vector<1x512xf32>
    %convert_element_type3A_181 = arith.fptosi %slice3A_180 : vector<1x512xf32> to vector<1x512xi32>
    %reduce_sum3A_182 = vector.shape_cast %convert_element_type3A_181 : vector<1x512xi32> to vector<1x1x512xi32>
    %reduce_sum3A_183 = arith.constant dense<0> : vector<1xi32>
    %reduce_sum3A_184 = vector.multi_reduction <add>, %reduce_sum3A_182, %reduce_sum3A_183 [1, 2] : vector<1x1x512xi32> to vector<1xi32>
    %reduce_sum3A_185 = vector.shape_cast %reduce_sum3A_184 : vector<1xi32> to vector<1x1x1xi32>
    %reduce_sum3A_186 = vector.extract %reduce_sum3A_185[0, 0, 0] : i32 from vector<1x1x1xi32>
    %slice3A_187 = vector.extract_strided_slice %dot_general3A_166 {offsets = [2, 0], sizes = [1, 512], strides = [1, 1]} : vector<8x512xf32> to vector<1x512xf32>
    %convert_element_type3A_188 = arith.fptosi %slice3A_187 : vector<1x512xf32> to vector<1x512xi32>
    %reduce_sum3A_189 = vector.shape_cast %convert_element_type3A_188 : vector<1x512xi32> to vector<1x1x512xi32>
    %reduce_sum3A_190 = arith.constant dense<0> : vector<1xi32>
    %reduce_sum3A_191 = vector.multi_reduction <add>, %reduce_sum3A_189, %reduce_sum3A_190 [1, 2] : vector<1x1x512xi32> to vector<1xi32>
    %reduce_sum3A_192 = vector.shape_cast %reduce_sum3A_191 : vector<1xi32> to vector<1x1x1xi32>
    %reduce_sum3A_193 = vector.extract %reduce_sum3A_192[0, 0, 0] : i32 from vector<1x1x1xi32>
    %add3A_194 = arith.addi %reduce_sum3A_186, %reduce_sum3A_193 : i32
    %add3A_195 = arith.constant 2 : i32
    %add3A_196 = arith.addi %mul3A_21, %add3A_195 : i32
    %eq3A_197 = vector.broadcast %add3A_196 : i32 to vector<8x128xi32>
    %eq3A_198 = arith.cmpi eq, %iota3A_19, %eq3A_197 : vector<8x128xi32>
    %eq3A_199 = arith.constant 0 : i32
    %eq3A_200 = vector.broadcast %eq3A_199 : i32 to vector<8x128xi32>
    %eq3A_201 = arith.cmpi eq, %iota3A_20, %eq3A_200 : vector<8x128xi32>
    %and3A_202 = arith.andi %eq3A_198, %eq3A_201 : vector<8x128xi1>
    %eq3A_203 = arith.constant 1 : i32
    %eq3A_204 = vector.broadcast %eq3A_203 : i32 to vector<8x128xi32>
    %eq3A_205 = arith.cmpi eq, %iota3A_20, %eq3A_204 : vector<8x128xi32>
    %and3A_206 = arith.andi %eq3A_198, %eq3A_205 : vector<8x128xi1>
    %eq3A_207 = arith.constant 2 : i32
    %eq3A_208 = vector.broadcast %eq3A_207 : i32 to vector<8x128xi32>
    %eq3A_209 = arith.cmpi eq, %iota3A_20, %eq3A_208 : vector<8x128xi32>
    %and3A_210 = arith.andi %eq3A_198, %eq3A_209 : vector<8x128xi1>
    %broadcast_in_dim3A_211 = vector.broadcast %reduce_sum3A_179 : i32 to vector<8x128xi32>
    %select_n3A_212 = arith.select %and3A_210, %broadcast_in_dim3A_211, %select_n3A_150 : vector<8x128xi1>, vector<8x128xi32>
    %broadcast_in_dim3A_213 = vector.broadcast %add3A_194 : i32 to vector<8x128xi32>
    %select_n3A_214 = arith.select %and3A_206, %broadcast_in_dim3A_213, %select_n3A_212 : vector<8x128xi1>, vector<8x128xi32>
    %broadcast_in_dim3A_215 = vector.broadcast %reduce_sum3A_173 : i32 to vector<8x128xi32>
    %select_n3A_216 = arith.select %and3A_202, %broadcast_in_dim3A_215, %select_n3A_214 : vector<8x128xi1>, vector<8x128xi32>
    %get3A_217 = arith.constant 0 : index
    %get3A_218 = arith.constant 3 : index
    %get3A_219 = arith.constant 0 : index
    %get3A_220 = arith.constant 0 : index
    %get3A_221 = vector.load %arg2[%get3A_217, %get3A_218, %get3A_219, %get3A_220] : memref<1x8x512x512xf32, #tpu.memory_space<vmem>>, vector<1x1x512x512xf32>
    %get3A_222 = vector.shape_cast %get3A_221 : vector<1x1x512x512xf32> to vector<512x512xf32>
    %ne3A_223 = arith.constant 0.000000e+00 : f32
    %ne3A_224 = vector.broadcast %ne3A_223 : f32 to vector<512x512xf32>
    %ne3A_225 = arith.cmpf one, %get3A_222, %ne3A_224 : vector<512x512xf32>
    %jit3A_226 = arith.constant 1.000000e+00 : f32
    %jit3A_227 = arith.constant 0.000000e+00 : f32
    %broadcast_in_dim3A_228 = vector.broadcast %jit3A_226 : f32 to vector<512x512xf32>
    %broadcast_in_dim3A_229 = vector.broadcast %jit3A_227 : f32 to vector<512x512xf32>
    %select_n3A_230 = arith.select %ne3A_225, %broadcast_in_dim3A_228, %broadcast_in_dim3A_229 : vector<512x512xi1>, vector<512x512xf32>
    %dot_general3A_231 = arith.constant dense<0.000000e+00> : vector<8x512xf32>
    %dot_general3A_232 = tpu.matmul %convert_element_type3A, %select_n3A_230, %dot_general3A_231 {dimension_numbers = #tpu.dot_dimension_numbers<[1], [0], [0], [1], [0, 0, 1, 1], [], []>, transpose_lhs_hint = false} : vector<8x512xf32>, vector<512x512xf32>, vector<8x512xf32> -> vector<8x512xf32>
    %slice3A_233 = vector.extract_strided_slice %dot_general3A_232 {offsets = [0, 0], sizes = [1, 512], strides = [1, 1]} : vector<8x512xf32> to vector<1x512xf32>
    %convert_element_type3A_234 = arith.fptosi %slice3A_233 : vector<1x512xf32> to vector<1x512xi32>
    %reduce_sum3A_235 = vector.shape_cast %convert_element_type3A_234 : vector<1x512xi32> to vector<1x1x512xi32>
    %reduce_sum3A_236 = arith.constant dense<0> : vector<1xi32>
    %reduce_sum3A_237 = vector.multi_reduction <add>, %reduce_sum3A_235, %reduce_sum3A_236 [1, 2] : vector<1x1x512xi32> to vector<1xi32>
    %reduce_sum3A_238 = vector.shape_cast %reduce_sum3A_237 : vector<1xi32> to vector<1x1x1xi32>
    %reduce_sum3A_239 = vector.extract %reduce_sum3A_238[0, 0, 0] : i32 from vector<1x1x1xi32>
    %mul3A_240 = arith.muli %convert_element_type3A_234, %iota3A_18 : vector<1x512xi32>
    %reduce_sum3A_241 = vector.shape_cast %mul3A_240 : vector<1x512xi32> to vector<1x1x512xi32>
    %reduce_sum3A_242 = arith.constant dense<0> : vector<1xi32>
    %reduce_sum3A_243 = vector.multi_reduction <add>, %reduce_sum3A_241, %reduce_sum3A_242 [1, 2] : vector<1x1x512xi32> to vector<1xi32>
    %reduce_sum3A_244 = vector.shape_cast %reduce_sum3A_243 : vector<1xi32> to vector<1x1x1xi32>
    %reduce_sum3A_245 = vector.extract %reduce_sum3A_244[0, 0, 0] : i32 from vector<1x1x1xi32>
    %slice3A_246 = vector.extract_strided_slice %dot_general3A_232 {offsets = [1, 0], sizes = [1, 512], strides = [1, 1]} : vector<8x512xf32> to vector<1x512xf32>
    %convert_element_type3A_247 = arith.fptosi %slice3A_246 : vector<1x512xf32> to vector<1x512xi32>
    %reduce_sum3A_248 = vector.shape_cast %convert_element_type3A_247 : vector<1x512xi32> to vector<1x1x512xi32>
    %reduce_sum3A_249 = arith.constant dense<0> : vector<1xi32>
    %reduce_sum3A_250 = vector.multi_reduction <add>, %reduce_sum3A_248, %reduce_sum3A_249 [1, 2] : vector<1x1x512xi32> to vector<1xi32>
    %reduce_sum3A_251 = vector.shape_cast %reduce_sum3A_250 : vector<1xi32> to vector<1x1x1xi32>
    %reduce_sum3A_252 = vector.extract %reduce_sum3A_251[0, 0, 0] : i32 from vector<1x1x1xi32>
    %slice3A_253 = vector.extract_strided_slice %dot_general3A_232 {offsets = [2, 0], sizes = [1, 512], strides = [1, 1]} : vector<8x512xf32> to vector<1x512xf32>
    %convert_element_type3A_254 = arith.fptosi %slice3A_253 : vector<1x512xf32> to vector<1x512xi32>
    %reduce_sum3A_255 = vector.shape_cast %convert_element_type3A_254 : vector<1x512xi32> to vector<1x1x512xi32>
    %reduce_sum3A_256 = arith.constant dense<0> : vector<1xi32>
    %reduce_sum3A_257 = vector.multi_reduction <add>, %reduce_sum3A_255, %reduce_sum3A_256 [1, 2] : vector<1x1x512xi32> to vector<1xi32>
    %reduce_sum3A_258 = vector.shape_cast %reduce_sum3A_257 : vector<1xi32> to vector<1x1x1xi32>
    %reduce_sum3A_259 = vector.extract %reduce_sum3A_258[0, 0, 0] : i32 from vector<1x1x1xi32>
    %add3A_260 = arith.addi %reduce_sum3A_252, %reduce_sum3A_259 : i32
    %add3A_261 = arith.constant 3 : i32
    %add3A_262 = arith.addi %mul3A_21, %add3A_261 : i32
    %eq3A_263 = vector.broadcast %add3A_262 : i32 to vector<8x128xi32>
    %eq3A_264 = arith.cmpi eq, %iota3A_19, %eq3A_263 : vector<8x128xi32>
    %eq3A_265 = arith.constant 0 : i32
    %eq3A_266 = vector.broadcast %eq3A_265 : i32 to vector<8x128xi32>
    %eq3A_267 = arith.cmpi eq, %iota3A_20, %eq3A_266 : vector<8x128xi32>
    %and3A_268 = arith.andi %eq3A_264, %eq3A_267 : vector<8x128xi1>
    %eq3A_269 = arith.constant 1 : i32
    %eq3A_270 = vector.broadcast %eq3A_269 : i32 to vector<8x128xi32>
    %eq3A_271 = arith.cmpi eq, %iota3A_20, %eq3A_270 : vector<8x128xi32>
    %and3A_272 = arith.andi %eq3A_264, %eq3A_271 : vector<8x128xi1>
    %eq3A_273 = arith.constant 2 : i32
    %eq3A_274 = vector.broadcast %eq3A_273 : i32 to vector<8x128xi32>
    %eq3A_275 = arith.cmpi eq, %iota3A_20, %eq3A_274 : vector<8x128xi32>
    %and3A_276 = arith.andi %eq3A_264, %eq3A_275 : vector<8x128xi1>
    %broadcast_in_dim3A_277 = vector.broadcast %reduce_sum3A_245 : i32 to vector<8x128xi32>
    %select_n3A_278 = arith.select %and3A_276, %broadcast_in_dim3A_277, %select_n3A_216 : vector<8x128xi1>, vector<8x128xi32>
    %broadcast_in_dim3A_279 = vector.broadcast %add3A_260 : i32 to vector<8x128xi32>
    %select_n3A_280 = arith.select %and3A_272, %broadcast_in_dim3A_279, %select_n3A_278 : vector<8x128xi1>, vector<8x128xi32>
    %broadcast_in_dim3A_281 = vector.broadcast %reduce_sum3A_239 : i32 to vector<8x128xi32>
    %select_n3A_282 = arith.select %and3A_268, %broadcast_in_dim3A_281, %select_n3A_280 : vector<8x128xi1>, vector<8x128xi32>
    %get3A_283 = arith.constant 0 : index
    %get3A_284 = arith.constant 4 : index
    %get3A_285 = arith.constant 0 : index
    %get3A_286 = arith.constant 0 : index
    %get3A_287 = vector.load %arg2[%get3A_283, %get3A_284, %get3A_285, %get3A_286] : memref<1x8x512x512xf32, #tpu.memory_space<vmem>>, vector<1x1x512x512xf32>
    %get3A_288 = vector.shape_cast %get3A_287 : vector<1x1x512x512xf32> to vector<512x512xf32>
    %ne3A_289 = arith.constant 0.000000e+00 : f32
    %ne3A_290 = vector.broadcast %ne3A_289 : f32 to vector<512x512xf32>
    %ne3A_291 = arith.cmpf one, %get3A_288, %ne3A_290 : vector<512x512xf32>
    %jit3A_292 = arith.constant 1.000000e+00 : f32
    %jit3A_293 = arith.constant 0.000000e+00 : f32
    %broadcast_in_dim3A_294 = vector.broadcast %jit3A_292 : f32 to vector<512x512xf32>
    %broadcast_in_dim3A_295 = vector.broadcast %jit3A_293 : f32 to vector<512x512xf32>
    %select_n3A_296 = arith.select %ne3A_291, %broadcast_in_dim3A_294, %broadcast_in_dim3A_295 : vector<512x512xi1>, vector<512x512xf32>
    %dot_general3A_297 = arith.constant dense<0.000000e+00> : vector<8x512xf32>
    %dot_general3A_298 = tpu.matmul %convert_element_type3A, %select_n3A_296, %dot_general3A_297 {dimension_numbers = #tpu.dot_dimension_numbers<[1], [0], [0], [1], [0, 0, 1, 1], [], []>, transpose_lhs_hint = false} : vector<8x512xf32>, vector<512x512xf32>, vector<8x512xf32> -> vector<8x512xf32>
    %slice3A_299 = vector.extract_strided_slice %dot_general3A_298 {offsets = [0, 0], sizes = [1, 512], strides = [1, 1]} : vector<8x512xf32> to vector<1x512xf32>
    %convert_element_type3A_300 = arith.fptosi %slice3A_299 : vector<1x512xf32> to vector<1x512xi32>
    %reduce_sum3A_301 = vector.shape_cast %convert_element_type3A_300 : vector<1x512xi32> to vector<1x1x512xi32>
    %reduce_sum3A_302 = arith.constant dense<0> : vector<1xi32>
    %reduce_sum3A_303 = vector.multi_reduction <add>, %reduce_sum3A_301, %reduce_sum3A_302 [1, 2] : vector<1x1x512xi32> to vector<1xi32>
    %reduce_sum3A_304 = vector.shape_cast %reduce_sum3A_303 : vector<1xi32> to vector<1x1x1xi32>
    %reduce_sum3A_305 = vector.extract %reduce_sum3A_304[0, 0, 0] : i32 from vector<1x1x1xi32>
    %mul3A_306 = arith.muli %convert_element_type3A_300, %iota3A_18 : vector<1x512xi32>
    %reduce_sum3A_307 = vector.shape_cast %mul3A_306 : vector<1x512xi32> to vector<1x1x512xi32>
    %reduce_sum3A_308 = arith.constant dense<0> : vector<1xi32>
    %reduce_sum3A_309 = vector.multi_reduction <add>, %reduce_sum3A_307, %reduce_sum3A_308 [1, 2] : vector<1x1x512xi32> to vector<1xi32>
    %reduce_sum3A_310 = vector.shape_cast %reduce_sum3A_309 : vector<1xi32> to vector<1x1x1xi32>
    %reduce_sum3A_311 = vector.extract %reduce_sum3A_310[0, 0, 0] : i32 from vector<1x1x1xi32>
    %slice3A_312 = vector.extract_strided_slice %dot_general3A_298 {offsets = [1, 0], sizes = [1, 512], strides = [1, 1]} : vector<8x512xf32> to vector<1x512xf32>
    %convert_element_type3A_313 = arith.fptosi %slice3A_312 : vector<1x512xf32> to vector<1x512xi32>
    %reduce_sum3A_314 = vector.shape_cast %convert_element_type3A_313 : vector<1x512xi32> to vector<1x1x512xi32>
    %reduce_sum3A_315 = arith.constant dense<0> : vector<1xi32>
    %reduce_sum3A_316 = vector.multi_reduction <add>, %reduce_sum3A_314, %reduce_sum3A_315 [1, 2] : vector<1x1x512xi32> to vector<1xi32>
    %reduce_sum3A_317 = vector.shape_cast %reduce_sum3A_316 : vector<1xi32> to vector<1x1x1xi32>
    %reduce_sum3A_318 = vector.extract %reduce_sum3A_317[0, 0, 0] : i32 from vector<1x1x1xi32>
    %slice3A_319 = vector.extract_strided_slice %dot_general3A_298 {offsets = [2, 0], sizes = [1, 512], strides = [1, 1]} : vector<8x512xf32> to vector<1x512xf32>
    %convert_element_type3A_320 = arith.fptosi %slice3A_319 : vector<1x512xf32> to vector<1x512xi32>
    %reduce_sum3A_321 = vector.shape_cast %convert_element_type3A_320 : vector<1x512xi32> to vector<1x1x512xi32>
    %reduce_sum3A_322 = arith.constant dense<0> : vector<1xi32>
    %reduce_sum3A_323 = vector.multi_reduction <add>, %reduce_sum3A_321, %reduce_sum3A_322 [1, 2] : vector<1x1x512xi32> to vector<1xi32>
    %reduce_sum3A_324 = vector.shape_cast %reduce_sum3A_323 : vector<1xi32> to vector<1x1x1xi32>
    %reduce_sum3A_325 = vector.extract %reduce_sum3A_324[0, 0, 0] : i32 from vector<1x1x1xi32>
    %add3A_326 = arith.addi %reduce_sum3A_318, %reduce_sum3A_325 : i32
    %add3A_327 = arith.constant 4 : i32
    %add3A_328 = arith.addi %mul3A_21, %add3A_327 : i32
    %eq3A_329 = vector.broadcast %add3A_328 : i32 to vector<8x128xi32>
    %eq3A_330 = arith.cmpi eq, %iota3A_19, %eq3A_329 : vector<8x128xi32>
    %eq3A_331 = arith.constant 0 : i32
    %eq3A_332 = vector.broadcast %eq3A_331 : i32 to vector<8x128xi32>
    %eq3A_333 = arith.cmpi eq, %iota3A_20, %eq3A_332 : vector<8x128xi32>
    %and3A_334 = arith.andi %eq3A_330, %eq3A_333 : vector<8x128xi1>
    %eq3A_335 = arith.constant 1 : i32
    %eq3A_336 = vector.broadcast %eq3A_335 : i32 to vector<8x128xi32>
    %eq3A_337 = arith.cmpi eq, %iota3A_20, %eq3A_336 : vector<8x128xi32>
    %and3A_338 = arith.andi %eq3A_330, %eq3A_337 : vector<8x128xi1>
    %eq3A_339 = arith.constant 2 : i32
    %eq3A_340 = vector.broadcast %eq3A_339 : i32 to vector<8x128xi32>
    %eq3A_341 = arith.cmpi eq, %iota3A_20, %eq3A_340 : vector<8x128xi32>
    %and3A_342 = arith.andi %eq3A_330, %eq3A_341 : vector<8x128xi1>
    %broadcast_in_dim3A_343 = vector.broadcast %reduce_sum3A_311 : i32 to vector<8x128xi32>
    %select_n3A_344 = arith.select %and3A_342, %broadcast_in_dim3A_343, %select_n3A_282 : vector<8x128xi1>, vector<8x128xi32>
    %broadcast_in_dim3A_345 = vector.broadcast %add3A_326 : i32 to vector<8x128xi32>
    %select_n3A_346 = arith.select %and3A_338, %broadcast_in_dim3A_345, %select_n3A_344 : vector<8x128xi1>, vector<8x128xi32>
    %broadcast_in_dim3A_347 = vector.broadcast %reduce_sum3A_305 : i32 to vector<8x128xi32>
    %select_n3A_348 = arith.select %and3A_334, %broadcast_in_dim3A_347, %select_n3A_346 : vector<8x128xi1>, vector<8x128xi32>
    %get3A_349 = arith.constant 0 : index
    %get3A_350 = arith.constant 5 : index
    %get3A_351 = arith.constant 0 : index
    %get3A_352 = arith.constant 0 : index
    %get3A_353 = vector.load %arg2[%get3A_349, %get3A_350, %get3A_351, %get3A_352] : memref<1x8x512x512xf32, #tpu.memory_space<vmem>>, vector<1x1x512x512xf32>
    %get3A_354 = vector.shape_cast %get3A_353 : vector<1x1x512x512xf32> to vector<512x512xf32>
    %ne3A_355 = arith.constant 0.000000e+00 : f32
    %ne3A_356 = vector.broadcast %ne3A_355 : f32 to vector<512x512xf32>
    %ne3A_357 = arith.cmpf one, %get3A_354, %ne3A_356 : vector<512x512xf32>
    %jit3A_358 = arith.constant 1.000000e+00 : f32
    %jit3A_359 = arith.constant 0.000000e+00 : f32
    %broadcast_in_dim3A_360 = vector.broadcast %jit3A_358 : f32 to vector<512x512xf32>
    %broadcast_in_dim3A_361 = vector.broadcast %jit3A_359 : f32 to vector<512x512xf32>
    %select_n3A_362 = arith.select %ne3A_357, %broadcast_in_dim3A_360, %broadcast_in_dim3A_361 : vector<512x512xi1>, vector<512x512xf32>
    %dot_general3A_363 = arith.constant dense<0.000000e+00> : vector<8x512xf32>
    %dot_general3A_364 = tpu.matmul %convert_element_type3A, %select_n3A_362, %dot_general3A_363 {dimension_numbers = #tpu.dot_dimension_numbers<[1], [0], [0], [1], [0, 0, 1, 1], [], []>, transpose_lhs_hint = false} : vector<8x512xf32>, vector<512x512xf32>, vector<8x512xf32> -> vector<8x512xf32>
    %slice3A_365 = vector.extract_strided_slice %dot_general3A_364 {offsets = [0, 0], sizes = [1, 512], strides = [1, 1]} : vector<8x512xf32> to vector<1x512xf32>
    %convert_element_type3A_366 = arith.fptosi %slice3A_365 : vector<1x512xf32> to vector<1x512xi32>
    %reduce_sum3A_367 = vector.shape_cast %convert_element_type3A_366 : vector<1x512xi32> to vector<1x1x512xi32>
    %reduce_sum3A_368 = arith.constant dense<0> : vector<1xi32>
    %reduce_sum3A_369 = vector.multi_reduction <add>, %reduce_sum3A_367, %reduce_sum3A_368 [1, 2] : vector<1x1x512xi32> to vector<1xi32>
    %reduce_sum3A_370 = vector.shape_cast %reduce_sum3A_369 : vector<1xi32> to vector<1x1x1xi32>
    %reduce_sum3A_371 = vector.extract %reduce_sum3A_370[0, 0, 0] : i32 from vector<1x1x1xi32>
    %mul3A_372 = arith.muli %convert_element_type3A_366, %iota3A_18 : vector<1x512xi32>
    %reduce_sum3A_373 = vector.shape_cast %mul3A_372 : vector<1x512xi32> to vector<1x1x512xi32>
    %reduce_sum3A_374 = arith.constant dense<0> : vector<1xi32>
    %reduce_sum3A_375 = vector.multi_reduction <add>, %reduce_sum3A_373, %reduce_sum3A_374 [1, 2] : vector<1x1x512xi32> to vector<1xi32>
    %reduce_sum3A_376 = vector.shape_cast %reduce_sum3A_375 : vector<1xi32> to vector<1x1x1xi32>
    %reduce_sum3A_377 = vector.extract %reduce_sum3A_376[0, 0, 0] : i32 from vector<1x1x1xi32>
    %slice3A_378 = vector.extract_strided_slice %dot_general3A_364 {offsets = [1, 0], sizes = [1, 512], strides = [1, 1]} : vector<8x512xf32> to vector<1x512xf32>
    %convert_element_type3A_379 = arith.fptosi %slice3A_378 : vector<1x512xf32> to vector<1x512xi32>
    %reduce_sum3A_380 = vector.shape_cast %convert_element_type3A_379 : vector<1x512xi32> to vector<1x1x512xi32>
    %reduce_sum3A_381 = arith.constant dense<0> : vector<1xi32>
    %reduce_sum3A_382 = vector.multi_reduction <add>, %reduce_sum3A_380, %reduce_sum3A_381 [1, 2] : vector<1x1x512xi32> to vector<1xi32>
    %reduce_sum3A_383 = vector.shape_cast %reduce_sum3A_382 : vector<1xi32> to vector<1x1x1xi32>
    %reduce_sum3A_384 = vector.extract %reduce_sum3A_383[0, 0, 0] : i32 from vector<1x1x1xi32>
    %slice3A_385 = vector.extract_strided_slice %dot_general3A_364 {offsets = [2, 0], sizes = [1, 512], strides = [1, 1]} : vector<8x512xf32> to vector<1x512xf32>
    %convert_element_type3A_386 = arith.fptosi %slice3A_385 : vector<1x512xf32> to vector<1x512xi32>
    %reduce_sum3A_387 = vector.shape_cast %convert_element_type3A_386 : vector<1x512xi32> to vector<1x1x512xi32>
    %reduce_sum3A_388 = arith.constant dense<0> : vector<1xi32>
    %reduce_sum3A_389 = vector.multi_reduction <add>, %reduce_sum3A_387, %reduce_sum3A_388 [1, 2] : vector<1x1x512xi32> to vector<1xi32>
    %reduce_sum3A_390 = vector.shape_cast %reduce_sum3A_389 : vector<1xi32> to vector<1x1x1xi32>
    %reduce_sum3A_391 = vector.extract %reduce_sum3A_390[0, 0, 0] : i32 from vector<1x1x1xi32>
    %add3A_392 = arith.addi %reduce_sum3A_384, %reduce_sum3A_391 : i32
    %add3A_393 = arith.constant 5 : i32
    %add3A_394 = arith.addi %mul3A_21, %add3A_393 : i32
    %eq3A_395 = vector.broadcast %add3A_394 : i32 to vector<8x128xi32>
    %eq3A_396 = arith.cmpi eq, %iota3A_19, %eq3A_395 : vector<8x128xi32>
    %eq3A_397 = arith.constant 0 : i32
    %eq3A_398 = vector.broadcast %eq3A_397 : i32 to vector<8x128xi32>
    %eq3A_399 = arith.cmpi eq, %iota3A_20, %eq3A_398 : vector<8x128xi32>
    %and3A_400 = arith.andi %eq3A_396, %eq3A_399 : vector<8x128xi1>
    %eq3A_401 = arith.constant 1 : i32
    %eq3A_402 = vector.broadcast %eq3A_401 : i32 to vector<8x128xi32>
    %eq3A_403 = arith.cmpi eq, %iota3A_20, %eq3A_402 : vector<8x128xi32>
    %and3A_404 = arith.andi %eq3A_396, %eq3A_403 : vector<8x128xi1>
    %eq3A_405 = arith.constant 2 : i32
    %eq3A_406 = vector.broadcast %eq3A_405 : i32 to vector<8x128xi32>
    %eq3A_407 = arith.cmpi eq, %iota3A_20, %eq3A_406 : vector<8x128xi32>
    %and3A_408 = arith.andi %eq3A_396, %eq3A_407 : vector<8x128xi1>
    %broadcast_in_dim3A_409 = vector.broadcast %reduce_sum3A_377 : i32 to vector<8x128xi32>
    %select_n3A_410 = arith.select %and3A_408, %broadcast_in_dim3A_409, %select_n3A_348 : vector<8x128xi1>, vector<8x128xi32>
    %broadcast_in_dim3A_411 = vector.broadcast %add3A_392 : i32 to vector<8x128xi32>
    %select_n3A_412 = arith.select %and3A_404, %broadcast_in_dim3A_411, %select_n3A_410 : vector<8x128xi1>, vector<8x128xi32>
    %broadcast_in_dim3A_413 = vector.broadcast %reduce_sum3A_371 : i32 to vector<8x128xi32>
    %select_n3A_414 = arith.select %and3A_400, %broadcast_in_dim3A_413, %select_n3A_412 : vector<8x128xi1>, vector<8x128xi32>
    %get3A_415 = arith.constant 0 : index
    %get3A_416 = arith.constant 6 : index
    %get3A_417 = arith.constant 0 : index
    %get3A_418 = arith.constant 0 : index
    %get3A_419 = vector.load %arg2[%get3A_415, %get3A_416, %get3A_417, %get3A_418] : memref<1x8x512x512xf32, #tpu.memory_space<vmem>>, vector<1x1x512x512xf32>
    %get3A_420 = vector.shape_cast %get3A_419 : vector<1x1x512x512xf32> to vector<512x512xf32>
    %ne3A_421 = arith.constant 0.000000e+00 : f32
    %ne3A_422 = vector.broadcast %ne3A_421 : f32 to vector<512x512xf32>
    %ne3A_423 = arith.cmpf one, %get3A_420, %ne3A_422 : vector<512x512xf32>
    %jit3A_424 = arith.constant 1.000000e+00 : f32
    %jit3A_425 = arith.constant 0.000000e+00 : f32
    %broadcast_in_dim3A_426 = vector.broadcast %jit3A_424 : f32 to vector<512x512xf32>
    %broadcast_in_dim3A_427 = vector.broadcast %jit3A_425 : f32 to vector<512x512xf32>
    %select_n3A_428 = arith.select %ne3A_423, %broadcast_in_dim3A_426, %broadcast_in_dim3A_427 : vector<512x512xi1>, vector<512x512xf32>
    %dot_general3A_429 = arith.constant dense<0.000000e+00> : vector<8x512xf32>
    %dot_general3A_430 = tpu.matmul %convert_element_type3A, %select_n3A_428, %dot_general3A_429 {dimension_numbers = #tpu.dot_dimension_numbers<[1], [0], [0], [1], [0, 0, 1, 1], [], []>, transpose_lhs_hint = false} : vector<8x512xf32>, vector<512x512xf32>, vector<8x512xf32> -> vector<8x512xf32>
    %slice3A_431 = vector.extract_strided_slice %dot_general3A_430 {offsets = [0, 0], sizes = [1, 512], strides = [1, 1]} : vector<8x512xf32> to vector<1x512xf32>
    %convert_element_type3A_432 = arith.fptosi %slice3A_431 : vector<1x512xf32> to vector<1x512xi32>
    %reduce_sum3A_433 = vector.shape_cast %convert_element_type3A_432 : vector<1x512xi32> to vector<1x1x512xi32>
    %reduce_sum3A_434 = arith.constant dense<0> : vector<1xi32>
    %reduce_sum3A_435 = vector.multi_reduction <add>, %reduce_sum3A_433, %reduce_sum3A_434 [1, 2] : vector<1x1x512xi32> to vector<1xi32>
    %reduce_sum3A_436 = vector.shape_cast %reduce_sum3A_435 : vector<1xi32> to vector<1x1x1xi32>
    %reduce_sum3A_437 = vector.extract %reduce_sum3A_436[0, 0, 0] : i32 from vector<1x1x1xi32>
    %mul3A_438 = arith.muli %convert_element_type3A_432, %iota3A_18 : vector<1x512xi32>
    %reduce_sum3A_439 = vector.shape_cast %mul3A_438 : vector<1x512xi32> to vector<1x1x512xi32>
    %reduce_sum3A_440 = arith.constant dense<0> : vector<1xi32>
    %reduce_sum3A_441 = vector.multi_reduction <add>, %reduce_sum3A_439, %reduce_sum3A_440 [1, 2] : vector<1x1x512xi32> to vector<1xi32>
    %reduce_sum3A_442 = vector.shape_cast %reduce_sum3A_441 : vector<1xi32> to vector<1x1x1xi32>
    %reduce_sum3A_443 = vector.extract %reduce_sum3A_442[0, 0, 0] : i32 from vector<1x1x1xi32>
    %slice3A_444 = vector.extract_strided_slice %dot_general3A_430 {offsets = [1, 0], sizes = [1, 512], strides = [1, 1]} : vector<8x512xf32> to vector<1x512xf32>
    %convert_element_type3A_445 = arith.fptosi %slice3A_444 : vector<1x512xf32> to vector<1x512xi32>
    %reduce_sum3A_446 = vector.shape_cast %convert_element_type3A_445 : vector<1x512xi32> to vector<1x1x512xi32>
    %reduce_sum3A_447 = arith.constant dense<0> : vector<1xi32>
    %reduce_sum3A_448 = vector.multi_reduction <add>, %reduce_sum3A_446, %reduce_sum3A_447 [1, 2] : vector<1x1x512xi32> to vector<1xi32>
    %reduce_sum3A_449 = vector.shape_cast %reduce_sum3A_448 : vector<1xi32> to vector<1x1x1xi32>
    %reduce_sum3A_450 = vector.extract %reduce_sum3A_449[0, 0, 0] : i32 from vector<1x1x1xi32>
    %slice3A_451 = vector.extract_strided_slice %dot_general3A_430 {offsets = [2, 0], sizes = [1, 512], strides = [1, 1]} : vector<8x512xf32> to vector<1x512xf32>
    %convert_element_type3A_452 = arith.fptosi %slice3A_451 : vector<1x512xf32> to vector<1x512xi32>
    %reduce_sum3A_453 = vector.shape_cast %convert_element_type3A_452 : vector<1x512xi32> to vector<1x1x512xi32>
    %reduce_sum3A_454 = arith.constant dense<0> : vector<1xi32>
    %reduce_sum3A_455 = vector.multi_reduction <add>, %reduce_sum3A_453, %reduce_sum3A_454 [1, 2] : vector<1x1x512xi32> to vector<1xi32>
    %reduce_sum3A_456 = vector.shape_cast %reduce_sum3A_455 : vector<1xi32> to vector<1x1x1xi32>
    %reduce_sum3A_457 = vector.extract %reduce_sum3A_456[0, 0, 0] : i32 from vector<1x1x1xi32>
    %add3A_458 = arith.addi %reduce_sum3A_450, %reduce_sum3A_457 : i32
    %add3A_459 = arith.constant 6 : i32
    %add3A_460 = arith.addi %mul3A_21, %add3A_459 : i32
    %eq3A_461 = vector.broadcast %add3A_460 : i32 to vector<8x128xi32>
    %eq3A_462 = arith.cmpi eq, %iota3A_19, %eq3A_461 : vector<8x128xi32>
    %eq3A_463 = arith.constant 0 : i32
    %eq3A_464 = vector.broadcast %eq3A_463 : i32 to vector<8x128xi32>
    %eq3A_465 = arith.cmpi eq, %iota3A_20, %eq3A_464 : vector<8x128xi32>
    %and3A_466 = arith.andi %eq3A_462, %eq3A_465 : vector<8x128xi1>
    %eq3A_467 = arith.constant 1 : i32
    %eq3A_468 = vector.broadcast %eq3A_467 : i32 to vector<8x128xi32>
    %eq3A_469 = arith.cmpi eq, %iota3A_20, %eq3A_468 : vector<8x128xi32>
    %and3A_470 = arith.andi %eq3A_462, %eq3A_469 : vector<8x128xi1>
    %eq3A_471 = arith.constant 2 : i32
    %eq3A_472 = vector.broadcast %eq3A_471 : i32 to vector<8x128xi32>
    %eq3A_473 = arith.cmpi eq, %iota3A_20, %eq3A_472 : vector<8x128xi32>
    %and3A_474 = arith.andi %eq3A_462, %eq3A_473 : vector<8x128xi1>
    %broadcast_in_dim3A_475 = vector.broadcast %reduce_sum3A_443 : i32 to vector<8x128xi32>
    %select_n3A_476 = arith.select %and3A_474, %broadcast_in_dim3A_475, %select_n3A_414 : vector<8x128xi1>, vector<8x128xi32>
    %broadcast_in_dim3A_477 = vector.broadcast %add3A_458 : i32 to vector<8x128xi32>
    %select_n3A_478 = arith.select %and3A_470, %broadcast_in_dim3A_477, %select_n3A_476 : vector<8x128xi1>, vector<8x128xi32>
    %broadcast_in_dim3A_479 = vector.broadcast %reduce_sum3A_437 : i32 to vector<8x128xi32>
    %select_n3A_480 = arith.select %and3A_466, %broadcast_in_dim3A_479, %select_n3A_478 : vector<8x128xi1>, vector<8x128xi32>
    %get3A_481 = arith.constant 0 : index
    %get3A_482 = arith.constant 7 : index
    %get3A_483 = arith.constant 0 : index
    %get3A_484 = arith.constant 0 : index
    %get3A_485 = vector.load %arg2[%get3A_481, %get3A_482, %get3A_483, %get3A_484] : memref<1x8x512x512xf32, #tpu.memory_space<vmem>>, vector<1x1x512x512xf32>
    %get3A_486 = vector.shape_cast %get3A_485 : vector<1x1x512x512xf32> to vector<512x512xf32>
    %ne3A_487 = arith.constant 0.000000e+00 : f32
    %ne3A_488 = vector.broadcast %ne3A_487 : f32 to vector<512x512xf32>
    %ne3A_489 = arith.cmpf one, %get3A_486, %ne3A_488 : vector<512x512xf32>
    %jit3A_490 = arith.constant 1.000000e+00 : f32
    %jit3A_491 = arith.constant 0.000000e+00 : f32
    %broadcast_in_dim3A_492 = vector.broadcast %jit3A_490 : f32 to vector<512x512xf32>
    %broadcast_in_dim3A_493 = vector.broadcast %jit3A_491 : f32 to vector<512x512xf32>
    %select_n3A_494 = arith.select %ne3A_489, %broadcast_in_dim3A_492, %broadcast_in_dim3A_493 : vector<512x512xi1>, vector<512x512xf32>
    %dot_general3A_495 = arith.constant dense<0.000000e+00> : vector<8x512xf32>
    %dot_general3A_496 = tpu.matmul %convert_element_type3A, %select_n3A_494, %dot_general3A_495 {dimension_numbers = #tpu.dot_dimension_numbers<[1], [0], [0], [1], [0, 0, 1, 1], [], []>, transpose_lhs_hint = false} : vector<8x512xf32>, vector<512x512xf32>, vector<8x512xf32> -> vector<8x512xf32>
    %slice3A_497 = vector.extract_strided_slice %dot_general3A_496 {offsets = [0, 0], sizes = [1, 512], strides = [1, 1]} : vector<8x512xf32> to vector<1x512xf32>
    %convert_element_type3A_498 = arith.fptosi %slice3A_497 : vector<1x512xf32> to vector<1x512xi32>
    %reduce_sum3A_499 = vector.shape_cast %convert_element_type3A_498 : vector<1x512xi32> to vector<1x1x512xi32>
    %reduce_sum3A_500 = arith.constant dense<0> : vector<1xi32>
    %reduce_sum3A_501 = vector.multi_reduction <add>, %reduce_sum3A_499, %reduce_sum3A_500 [1, 2] : vector<1x1x512xi32> to vector<1xi32>
    %reduce_sum3A_502 = vector.shape_cast %reduce_sum3A_501 : vector<1xi32> to vector<1x1x1xi32>
    %reduce_sum3A_503 = vector.extract %reduce_sum3A_502[0, 0, 0] : i32 from vector<1x1x1xi32>
    %mul3A_504 = arith.muli %convert_element_type3A_498, %iota3A_18 : vector<1x512xi32>
    %reduce_sum3A_505 = vector.shape_cast %mul3A_504 : vector<1x512xi32> to vector<1x1x512xi32>
    %reduce_sum3A_506 = arith.constant dense<0> : vector<1xi32>
    %reduce_sum3A_507 = vector.multi_reduction <add>, %reduce_sum3A_505, %reduce_sum3A_506 [1, 2] : vector<1x1x512xi32> to vector<1xi32>
    %reduce_sum3A_508 = vector.shape_cast %reduce_sum3A_507 : vector<1xi32> to vector<1x1x1xi32>
    %reduce_sum3A_509 = vector.extract %reduce_sum3A_508[0, 0, 0] : i32 from vector<1x1x1xi32>
    %slice3A_510 = vector.extract_strided_slice %dot_general3A_496 {offsets = [1, 0], sizes = [1, 512], strides = [1, 1]} : vector<8x512xf32> to vector<1x512xf32>
    %convert_element_type3A_511 = arith.fptosi %slice3A_510 : vector<1x512xf32> to vector<1x512xi32>
    %reduce_sum3A_512 = vector.shape_cast %convert_element_type3A_511 : vector<1x512xi32> to vector<1x1x512xi32>
    %reduce_sum3A_513 = arith.constant dense<0> : vector<1xi32>
    %reduce_sum3A_514 = vector.multi_reduction <add>, %reduce_sum3A_512, %reduce_sum3A_513 [1, 2] : vector<1x1x512xi32> to vector<1xi32>
    %reduce_sum3A_515 = vector.shape_cast %reduce_sum3A_514 : vector<1xi32> to vector<1x1x1xi32>
    %reduce_sum3A_516 = vector.extract %reduce_sum3A_515[0, 0, 0] : i32 from vector<1x1x1xi32>
    %slice3A_517 = vector.extract_strided_slice %dot_general3A_496 {offsets = [2, 0], sizes = [1, 512], strides = [1, 1]} : vector<8x512xf32> to vector<1x512xf32>
    %convert_element_type3A_518 = arith.fptosi %slice3A_517 : vector<1x512xf32> to vector<1x512xi32>
    %reduce_sum3A_519 = vector.shape_cast %convert_element_type3A_518 : vector<1x512xi32> to vector<1x1x512xi32>
    %reduce_sum3A_520 = arith.constant dense<0> : vector<1xi32>
    %reduce_sum3A_521 = vector.multi_reduction <add>, %reduce_sum3A_519, %reduce_sum3A_520 [1, 2] : vector<1x1x512xi32> to vector<1xi32>
    %reduce_sum3A_522 = vector.shape_cast %reduce_sum3A_521 : vector<1xi32> to vector<1x1x1xi32>
    %reduce_sum3A_523 = vector.extract %reduce_sum3A_522[0, 0, 0] : i32 from vector<1x1x1xi32>
    %add3A_524 = arith.addi %reduce_sum3A_516, %reduce_sum3A_523 : i32
    %add3A_525 = arith.constant 7 : i32
    %add3A_526 = arith.addi %mul3A_21, %add3A_525 : i32
    %eq3A_527 = vector.broadcast %add3A_526 : i32 to vector<8x128xi32>
    %eq3A_528 = arith.cmpi eq, %iota3A_19, %eq3A_527 : vector<8x128xi32>
    %eq3A_529 = arith.constant 0 : i32
    %eq3A_530 = vector.broadcast %eq3A_529 : i32 to vector<8x128xi32>
    %eq3A_531 = arith.cmpi eq, %iota3A_20, %eq3A_530 : vector<8x128xi32>
    %and3A_532 = arith.andi %eq3A_528, %eq3A_531 : vector<8x128xi1>
    %eq3A_533 = arith.constant 1 : i32
    %eq3A_534 = vector.broadcast %eq3A_533 : i32 to vector<8x128xi32>
    %eq3A_535 = arith.cmpi eq, %iota3A_20, %eq3A_534 : vector<8x128xi32>
    %and3A_536 = arith.andi %eq3A_528, %eq3A_535 : vector<8x128xi1>
    %eq3A_537 = arith.constant 2 : i32
    %eq3A_538 = vector.broadcast %eq3A_537 : i32 to vector<8x128xi32>
    %eq3A_539 = arith.cmpi eq, %iota3A_20, %eq3A_538 : vector<8x128xi32>
    %and3A_540 = arith.andi %eq3A_528, %eq3A_539 : vector<8x128xi1>
    %broadcast_in_dim3A_541 = vector.broadcast %reduce_sum3A_509 : i32 to vector<8x128xi32>
    %select_n3A_542 = arith.select %and3A_540, %broadcast_in_dim3A_541, %select_n3A_480 : vector<8x128xi1>, vector<8x128xi32>
    %broadcast_in_dim3A_543 = vector.broadcast %add3A_524 : i32 to vector<8x128xi32>
    %select_n3A_544 = arith.select %and3A_536, %broadcast_in_dim3A_543, %select_n3A_542 : vector<8x128xi1>, vector<8x128xi32>
    %broadcast_in_dim3A_545 = vector.broadcast %reduce_sum3A_503 : i32 to vector<8x128xi32>
    %select_n3A_546 = arith.select %and3A_532, %broadcast_in_dim3A_545, %select_n3A_544 : vector<8x128xi1>, vector<8x128xi32>
    %swap3A = arith.constant 0 : index
    %swap3A_547 = arith.constant 0 : index
    %swap3A_548 = vector.load %arg6[%swap3A, %swap3A_547] : memref<8x128xi32, #tpu.memory_space<vmem>>, vector<8x128xi32>
    tpu.vector_store %arg6[%swap3A, %swap3A_547], %select_n3A_546 {strides = array<i32>} : memref<8x128xi32, #tpu.memory_space<vmem>>, vector<8x128xi32>,
    %eq3A_549 = arith.constant 3 : i32
    %eq3A_550 = arith.cmpi eq, %arg1, %eq3A_549 : i32
    %convert_element_type3A_551 = arith.extui %eq3A_550 : i1 to i32
    %cond3A = arith.constant 0 : i32
    %cond3A_552 = arith.cmpi ne, %convert_element_type3A_551, %cond3A : i32
    scf.if %cond3A_552 {
      %slice3A_553 = vector.extract_strided_slice %select_n3A_546 {offsets = [0, 0], sizes = [1, 128], strides = [1, 1]} : vector<8x128xi32> to vector<1x128xi32>
      %slice3A_554 = vector.extract_strided_slice %select_n3A_546 {offsets = [1, 0], sizes = [1, 128], strides = [1, 1]} : vector<8x128xi32> to vector<1x128xi32>
      %slice3A_555 = vector.extract_strided_slice %select_n3A_546 {offsets = [2, 0], sizes = [1, 128], strides = [1, 1]} : vector<8x128xi32> to vector<1x128xi32>
      %get3A_556 = arith.constant 0 : index
      %get3A_557 = arith.constant 0 : index
      %get3A_558 = arith.constant 0 : index
      %get3A_559 = vector.load %arg3[%get3A_556, %get3A_557, %get3A_558] : memref<1x8x128xf32, #tpu.memory_space<vmem>>, vector<1x8x128xf32>
      %get3A_560 = vector.shape_cast %get3A_559 : vector<1x8x128xf32> to vector<8x128xf32>
      %slice3A_561 = vector.extract_strided_slice %get3A_560 {offsets = [0, 0], sizes = [1, 128], strides = [1, 1]} : vector<8x128xf32> to vector<1x128xf32>
      %slice3A_562 = vector.extract_strided_slice %get3A_560 {offsets = [1, 0], sizes = [1, 128], strides = [1, 1]} : vector<8x128xf32> to vector<1x128xf32>
      %slice3A_563 = vector.extract_strided_slice %get3A_560 {offsets = [2, 0], sizes = [1, 128], strides = [1, 1]} : vector<8x128xf32> to vector<1x128xf32>
      %slice3A_564 = vector.extract_strided_slice %get3A_560 {offsets = [3, 0], sizes = [1, 128], strides = [1, 1]} : vector<8x128xf32> to vector<1x128xf32>
      %get3A_565 = arith.constant 0 : index
      %get3A_566 = arith.constant 0 : index
      %get3A_567 = arith.constant 0 : index
      %get3A_568 = vector.load %arg4[%get3A_565, %get3A_566, %get3A_567] : memref<1x1x128xi32, #tpu.memory_space<vmem>>, vector<1x1x128xi32>
      %get3A_569 = vector.shape_cast %get3A_568 : vector<1x1x128xi32> to vector<1x128xi32>
      %convert_element_type3A_570 = arith.sitofp %get3A_569 : vector<1x128xi32> to vector<1x128xf32>
      %sub3A = arith.subf %slice3A_564, %slice3A_562 : vector<1x128xf32>
      %add3A_571 = arith.constant 1.000000e+00 : f32
      %add3A_572 = vector.broadcast %add3A_571 : f32 to vector<1x128xf32>
      %add3A_573 = arith.addf %sub3A, %add3A_572 : vector<1x128xf32>
      %sub3A_574 = arith.subf %slice3A_563, %slice3A_561 : vector<1x128xf32>
      %add3A_575 = arith.constant 1.000000e+00 : f32
      %add3A_576 = vector.broadcast %add3A_575 : f32 to vector<1x128xf32>
      %add3A_577 = arith.addf %sub3A_574, %add3A_576 : vector<1x128xf32>
      %mul3A_578 = arith.mulf %add3A_573, %add3A_577 : vector<1x128xf32>
      %sqrt3A = math.sqrt %mul3A_578 : vector<1x128xf32>
      %convert_element_type3A_579 = arith.sitofp %slice3A_553 : vector<1x128xi32> to vector<1x128xf32>
      %max3A = arith.constant 1.000000e+00 : f32
      %max3A_580 = vector.broadcast %max3A : f32 to vector<1x128xf32>
      %max3A_581 = arith.maximumf %convert_element_type3A_579, %max3A_580 : vector<1x128xf32>
      %gt3A = arith.constant 0 : i32
      %gt3A_582 = vector.broadcast %gt3A : i32 to vector<1x128xi32>
      %gt3A_583 = arith.cmpi sgt, %slice3A_553, %gt3A_582 : vector<1x128xi32>
      %convert_element_type3A_584 = arith.sitofp %slice3A_554 : vector<1x128xi32> to vector<1x128xf32>
      %div3A = arith.divf %convert_element_type3A_584, %max3A_581 : vector<1x128xf32>
      %add3A_585 = arith.addf %slice3A_562, %slice3A_564 : vector<1x128xf32>
      %mul3A_586 = arith.constant 5.000000e-01 : f32
      %mul3A_587 = vector.broadcast %mul3A_586 : f32 to vector<1x128xf32>
      %mul3A_588 = arith.mulf %mul3A_587, %add3A_585 : vector<1x128xf32>
      %select_n3A_589 = arith.select %gt3A_583, %div3A, %mul3A_588 : vector<1x128xi1>, vector<1x128xf32>
      %convert_element_type3A_590 = arith.sitofp %slice3A_555 : vector<1x128xi32> to vector<1x128xf32>
      %div3A_591 = arith.divf %convert_element_type3A_590, %max3A_581 : vector<1x128xf32>
      %add3A_592 = arith.addf %slice3A_561, %slice3A_563 : vector<1x128xf32>
      %mul3A_593 = arith.constant 5.000000e-01 : f32
      %mul3A_594 = vector.broadcast %mul3A_593 : f32 to vector<1x128xf32>
      %mul3A_595 = arith.mulf %mul3A_594, %add3A_592 : vector<1x128xf32>
      %select_n3A_596 = arith.select %gt3A_583, %div3A_591, %mul3A_595 : vector<1x128xi1>, vector<1x128xf32>
      %mul3A_597 = arith.constant 1.000000e-01 : f32
      %mul3A_598 = vector.broadcast %mul3A_597 : f32 to vector<1x128xf32>
      %mul3A_599 = arith.mulf %mul3A_598, %add3A_577 : vector<1x128xf32>
      %sub3A_600 = arith.subf %select_n3A_596, %mul3A_599 : vector<1x128xf32>
      %jit3A_601 = arith.constant 0.000000e+00 : f32
      %jit3A_602 = arith.constant 5.110000e+02 : f32
      %max3A_603 = vector.broadcast %jit3A_601 : f32 to vector<1x128xf32>
      %max3A_604 = arith.maximumf %max3A_603, %sub3A_600 : vector<1x128xf32>
      %min3A = vector.broadcast %jit3A_602 : f32 to vector<1x128xf32>
      %min3A_605 = arith.minimumf %min3A, %max3A_604 : vector<1x128xf32>
      %mul3A_606 = arith.constant 1.000000e-01 : f32
      %mul3A_607 = vector.broadcast %mul3A_606 : f32 to vector<1x128xf32>
      %mul3A_608 = arith.mulf %mul3A_607, %add3A_577 : vector<1x128xf32>
      %add3A_609 = arith.addf %select_n3A_596, %mul3A_608 : vector<1x128xf32>
      %jit3A_610 = arith.constant 0.000000e+00 : f32
      %jit3A_611 = arith.constant 5.110000e+02 : f32
      %max3A_612 = vector.broadcast %jit3A_610 : f32 to vector<1x128xf32>
      %max3A_613 = arith.maximumf %max3A_612, %add3A_609 : vector<1x128xf32>
      %min3A_614 = vector.broadcast %jit3A_611 : f32 to vector<1x128xf32>
      %min3A_615 = arith.minimumf %min3A_614, %max3A_613 : vector<1x128xf32>
      %mul3A_616 = arith.constant 1.000000e-01 : f32
      %mul3A_617 = vector.broadcast %mul3A_616 : f32 to vector<1x128xf32>
      %mul3A_618 = arith.mulf %mul3A_617, %add3A_573 : vector<1x128xf32>
      %sub3A_619 = arith.subf %select_n3A_589, %mul3A_618 : vector<1x128xf32>
      %jit3A_620 = arith.constant 0.000000e+00 : f32
      %jit3A_621 = arith.constant 5.110000e+02 : f32
      %max3A_622 = vector.broadcast %jit3A_620 : f32 to vector<1x128xf32>
      %max3A_623 = arith.maximumf %max3A_622, %sub3A_619 : vector<1x128xf32>
      %min3A_624 = vector.broadcast %jit3A_621 : f32 to vector<1x128xf32>
      %min3A_625 = arith.minimumf %min3A_624, %max3A_623 : vector<1x128xf32>
      %mul3A_626 = arith.constant 1.000000e-01 : f32
      %mul3A_627 = vector.broadcast %mul3A_626 : f32 to vector<1x128xf32>
      %mul3A_628 = arith.mulf %mul3A_627, %add3A_573 : vector<1x128xf32>
      %add3A_629 = arith.addf %select_n3A_589, %mul3A_628 : vector<1x128xf32>
      %jit3A_630 = arith.constant 0.000000e+00 : f32
      %jit3A_631 = arith.constant 5.110000e+02 : f32
      %max3A_632 = vector.broadcast %jit3A_630 : f32 to vector<1x128xf32>
      %max3A_633 = arith.maximumf %max3A_632, %add3A_629 : vector<1x128xf32>
      %min3A_634 = vector.broadcast %jit3A_631 : f32 to vector<1x128xf32>
      %min3A_635 = arith.minimumf %min3A_634, %max3A_633 : vector<1x128xf32>
      %iota3A_636 = tpu.iota {dimensions = array<i32: 0>} : vector<32x128xi32>
      %broadcast_in_dim3A_637 = arith.constant 0.000000e+00 : f32
      %broadcast_in_dim3A_638 = vector.broadcast %broadcast_in_dim3A_637 : f32 to vector<32x128xf32>
      %ge3A = arith.constant 1.000000e+00 : f32
      %ge3A_639 = vector.broadcast %ge3A : f32 to vector<1x128xf32>
      %ge3A_640 = arith.cmpf oge, %sqrt3A, %ge3A_639 : vector<1x128xf32>
      %le3A = arith.constant 9.600000e+01 : f32
      %le3A_641 = vector.broadcast %le3A : f32 to vector<1x128xf32>
      %le3A_642 = arith.cmpf ole, %sqrt3A, %le3A_641 : vector<1x128xf32>
      %and3A_643 = arith.andi %ge3A_640, %le3A_642 : vector<1x128xi1>
      %div3A_644 = arith.constant 1.280000e+01 : f32
      %div3A_645 = vector.broadcast %div3A_644 : f32 to vector<1x128xf32>
      %div3A_646 = arith.divf %min3A_605, %div3A_645 : vector<1x128xf32>
      %floor3A = math.floor %div3A_646 : vector<1x128xf32>
      %jit3A_647 = arith.constant 0.000000e+00 : f32
      %jit3A_648 = arith.constant 3.900000e+01 : f32
      %max3A_649 = vector.broadcast %jit3A_647 : f32 to vector<1x128xf32>
      %max3A_650 = arith.maximumf %max3A_649, %floor3A : vector<1x128xf32>
      %min3A_651 = vector.broadcast %jit3A_648 : f32 to vector<1x128xf32>
      %min3A_652 = arith.minimumf %min3A_651, %max3A_650 : vector<1x128xf32>
      %div3A_653 = arith.constant 1.280000e+01 : f32
      %div3A_654 = vector.broadcast %div3A_653 : f32 to vector<1x128xf32>
      %div3A_655 = arith.divf %min3A_615, %div3A_654 : vector<1x128xf32>
      %floor3A_656 = math.floor %div3A_655 : vector<1x128xf32>
      %jit3A_657 = arith.constant 0.000000e+00 : f32
      %jit3A_658 = arith.constant 3.900000e+01 : f32
      %max3A_659 = vector.broadcast %jit3A_657 : f32 to vector<1x128xf32>
      %max3A_660 = arith.maximumf %max3A_659, %floor3A_656 : vector<1x128xf32>
      %min3A_661 = vector.broadcast %jit3A_658 : f32 to vector<1x128xf32>
      %min3A_662 = arith.minimumf %min3A_661, %max3A_660 : vector<1x128xf32>
      %div3A_663 = arith.constant 1.280000e+01 : f32
      %div3A_664 = vector.broadcast %div3A_663 : f32 to vector<1x128xf32>
      %div3A_665 = arith.divf %min3A_625, %div3A_664 : vector<1x128xf32>
      %floor3A_666 = math.floor %div3A_665 : vector<1x128xf32>
      %jit3A_667 = arith.constant 0.000000e+00 : f32
      %jit3A_668 = arith.constant 3.900000e+01 : f32
      %max3A_669 = vector.broadcast %jit3A_667 : f32 to vector<1x128xf32>
      %max3A_670 = arith.maximumf %max3A_669, %floor3A_666 : vector<1x128xf32>
      %min3A_671 = vector.broadcast %jit3A_668 : f32 to vector<1x128xf32>
      %min3A_672 = arith.minimumf %min3A_671, %max3A_670 : vector<1x128xf32>
      %div3A_673 = arith.constant 1.280000e+01 : f32
      %div3A_674 = vector.broadcast %div3A_673 : f32 to vector<1x128xf32>
      %div3A_675 = arith.divf %min3A_635, %div3A_674 : vector<1x128xf32>
      %floor3A_676 = math.floor %div3A_675 : vector<1x128xf32>
      %jit3A_677 = arith.constant 0.000000e+00 : f32
      %jit3A_678 = arith.constant 3.900000e+01 : f32
      %max3A_679 = vector.broadcast %jit3A_677 : f32 to vector<1x128xf32>
      %max3A_680 = arith.maximumf %max3A_679, %floor3A_676 : vector<1x128xf32>
      %min3A_681 = vector.broadcast %jit3A_678 : f32 to vector<1x128xf32>
      %min3A_682 = arith.minimumf %min3A_681, %max3A_680 : vector<1x128xf32>
      %jit3A_683 = arith.constant 0x7F800000 : f32
      %broadcast_in_dim3A_684 = vector.broadcast %jit3A_683 : f32 to vector<1x128xf32>
      %select_n3A_685 = arith.select %and3A_643, %sqrt3A, %broadcast_in_dim3A_684 : vector<1x128xi1>, vector<1x128xf32>
      %eq3A_686 = arith.constant 0 : i32
      %eq3A_687 = vector.broadcast %eq3A_686 : i32 to vector<32x128xi32>
      %eq3A_688 = arith.cmpi eq, %iota3A_636, %eq3A_687 : vector<32x128xi32>
      %broadcast_in_dim3A_689 = vector.shape_cast %min3A_652 : vector<1x128xf32> to vector<1x128xf32>
      %broadcast_in_dim3A_690 = vector.broadcast %broadcast_in_dim3A_689 : vector<1x128xf32> to vector<32x128xf32>
      %select_n3A_691 = arith.select %eq3A_688, %broadcast_in_dim3A_690, %broadcast_in_dim3A_638 : vector<32x128xi1>, vector<32x128xf32>
      %eq3A_692 = arith.constant 1 : i32
      %eq3A_693 = vector.broadcast %eq3A_692 : i32 to vector<32x128xi32>
      %eq3A_694 = arith.cmpi eq, %iota3A_636, %eq3A_693 : vector<32x128xi32>
      %broadcast_in_dim3A_695 = vector.shape_cast %min3A_662 : vector<1x128xf32> to vector<1x128xf32>
      %broadcast_in_dim3A_696 = vector.broadcast %broadcast_in_dim3A_695 : vector<1x128xf32> to vector<32x128xf32>
      %select_n3A_697 = arith.select %eq3A_694, %broadcast_in_dim3A_696, %select_n3A_691 : vector<32x128xi1>, vector<32x128xf32>
      %eq3A_698 = arith.constant 2 : i32
      %eq3A_699 = vector.broadcast %eq3A_698 : i32 to vector<32x128xi32>
      %eq3A_700 = arith.cmpi eq, %iota3A_636, %eq3A_699 : vector<32x128xi32>
      %broadcast_in_dim3A_701 = vector.shape_cast %min3A_672 : vector<1x128xf32> to vector<1x128xf32>
      %broadcast_in_dim3A_702 = vector.broadcast %broadcast_in_dim3A_701 : vector<1x128xf32> to vector<32x128xf32>
      %select_n3A_703 = arith.select %eq3A_700, %broadcast_in_dim3A_702, %select_n3A_697 : vector<32x128xi1>, vector<32x128xf32>
      %eq3A_704 = arith.constant 3 : i32
      %eq3A_705 = vector.broadcast %eq3A_704 : i32 to vector<32x128xi32>
      %eq3A_706 = arith.cmpi eq, %iota3A_636, %eq3A_705 : vector<32x128xi32>
      %broadcast_in_dim3A_707 = vector.shape_cast %min3A_682 : vector<1x128xf32> to vector<1x128xf32>
      %broadcast_in_dim3A_708 = vector.broadcast %broadcast_in_dim3A_707 : vector<1x128xf32> to vector<32x128xf32>
      %select_n3A_709 = arith.select %eq3A_706, %broadcast_in_dim3A_708, %select_n3A_703 : vector<32x128xi1>, vector<32x128xf32>
      %eq3A_710 = arith.constant 20 : i32
      %eq3A_711 = vector.broadcast %eq3A_710 : i32 to vector<32x128xi32>
      %eq3A_712 = arith.cmpi eq, %iota3A_636, %eq3A_711 : vector<32x128xi32>
      %broadcast_in_dim3A_713 = vector.shape_cast %select_n3A_685 : vector<1x128xf32> to vector<1x128xf32>
      %broadcast_in_dim3A_714 = vector.broadcast %broadcast_in_dim3A_713 : vector<1x128xf32> to vector<32x128xf32>
      %select_n3A_715 = arith.select %eq3A_712, %broadcast_in_dim3A_714, %select_n3A_709 : vector<32x128xi1>, vector<32x128xf32>
      %ge3A_716 = arith.constant 4.800000e+01 : f32
      %ge3A_717 = vector.broadcast %ge3A_716 : f32 to vector<1x128xf32>
      %ge3A_718 = arith.cmpf oge, %sqrt3A, %ge3A_717 : vector<1x128xf32>
      %le3A_719 = arith.constant 1.920000e+02 : f32
      %le3A_720 = vector.broadcast %le3A_719 : f32 to vector<1x128xf32>
      %le3A_721 = arith.cmpf ole, %sqrt3A, %le3A_720 : vector<1x128xf32>
      %and3A_722 = arith.andi %ge3A_718, %le3A_721 : vector<1x128xi1>
      %div3A_723 = arith.constant 14.2222223 : f32
      %div3A_724 = vector.broadcast %div3A_723 : f32 to vector<1x128xf32>
      %div3A_725 = arith.divf %min3A_605, %div3A_724 : vector<1x128xf32>
      %floor3A_726 = math.floor %div3A_725 : vector<1x128xf32>
      %jit3A_727 = arith.constant 0.000000e+00 : f32
      %jit3A_728 = arith.constant 3.500000e+01 : f32
      %max3A_729 = vector.broadcast %jit3A_727 : f32 to vector<1x128xf32>
      %max3A_730 = arith.maximumf %max3A_729, %floor3A_726 : vector<1x128xf32>
      %min3A_731 = vector.broadcast %jit3A_728 : f32 to vector<1x128xf32>
      %min3A_732 = arith.minimumf %min3A_731, %max3A_730 : vector<1x128xf32>
      %div3A_733 = arith.constant 14.2222223 : f32
      %div3A_734 = vector.broadcast %div3A_733 : f32 to vector<1x128xf32>
      %div3A_735 = arith.divf %min3A_615, %div3A_734 : vector<1x128xf32>
      %floor3A_736 = math.floor %div3A_735 : vector<1x128xf32>
      %jit3A_737 = arith.constant 0.000000e+00 : f32
      %jit3A_738 = arith.constant 3.500000e+01 : f32
      %max3A_739 = vector.broadcast %jit3A_737 : f32 to vector<1x128xf32>
      %max3A_740 = arith.maximumf %max3A_739, %floor3A_736 : vector<1x128xf32>
      %min3A_741 = vector.broadcast %jit3A_738 : f32 to vector<1x128xf32>
      %min3A_742 = arith.minimumf %min3A_741, %max3A_740 : vector<1x128xf32>
      %div3A_743 = arith.constant 14.2222223 : f32
      %div3A_744 = vector.broadcast %div3A_743 : f32 to vector<1x128xf32>
      %div3A_745 = arith.divf %min3A_625, %div3A_744 : vector<1x128xf32>
      %floor3A_746 = math.floor %div3A_745 : vector<1x128xf32>
      %jit3A_747 = arith.constant 0.000000e+00 : f32
      %jit3A_748 = arith.constant 3.500000e+01 : f32
      %max3A_749 = vector.broadcast %jit3A_747 : f32 to vector<1x128xf32>
      %max3A_750 = arith.maximumf %max3A_749, %floor3A_746 : vector<1x128xf32>
      %min3A_751 = vector.broadcast %jit3A_748 : f32 to vector<1x128xf32>
      %min3A_752 = arith.minimumf %min3A_751, %max3A_750 : vector<1x128xf32>
      %div3A_753 = arith.constant 14.2222223 : f32
      %div3A_754 = vector.broadcast %div3A_753 : f32 to vector<1x128xf32>
      %div3A_755 = arith.divf %min3A_635, %div3A_754 : vector<1x128xf32>
      %floor3A_756 = math.floor %div3A_755 : vector<1x128xf32>
      %jit3A_757 = arith.constant 0.000000e+00 : f32
      %jit3A_758 = arith.constant 3.500000e+01 : f32
      %max3A_759 = vector.broadcast %jit3A_757 : f32 to vector<1x128xf32>
      %max3A_760 = arith.maximumf %max3A_759, %floor3A_756 : vector<1x128xf32>
      %min3A_761 = vector.broadcast %jit3A_758 : f32 to vector<1x128xf32>
      %min3A_762 = arith.minimumf %min3A_761, %max3A_760 : vector<1x128xf32>
      %jit3A_763 = arith.constant 0x7F800000 : f32
      %broadcast_in_dim3A_764 = vector.broadcast %jit3A_763 : f32 to vector<1x128xf32>
      %select_n3A_765 = arith.select %and3A_722, %sqrt3A, %broadcast_in_dim3A_764 : vector<1x128xi1>, vector<1x128xf32>
      %eq3A_766 = arith.constant 4 : i32
      %eq3A_767 = vector.broadcast %eq3A_766 : i32 to vector<32x128xi32>
      %eq3A_768 = arith.cmpi eq, %iota3A_636, %eq3A_767 : vector<32x128xi32>
      %broadcast_in_dim3A_769 = vector.shape_cast %min3A_732 : vector<1x128xf32> to vector<1x128xf32>
      %broadcast_in_dim3A_770 = vector.broadcast %broadcast_in_dim3A_769 : vector<1x128xf32> to vector<32x128xf32>
      %select_n3A_771 = arith.select %eq3A_768, %broadcast_in_dim3A_770, %select_n3A_715 : vector<32x128xi1>, vector<32x128xf32>
      %eq3A_772 = arith.constant 5 : i32
      %eq3A_773 = vector.broadcast %eq3A_772 : i32 to vector<32x128xi32>
      %eq3A_774 = arith.cmpi eq, %iota3A_636, %eq3A_773 : vector<32x128xi32>
      %broadcast_in_dim3A_775 = vector.shape_cast %min3A_742 : vector<1x128xf32> to vector<1x128xf32>
      %broadcast_in_dim3A_776 = vector.broadcast %broadcast_in_dim3A_775 : vector<1x128xf32> to vector<32x128xf32>
      %select_n3A_777 = arith.select %eq3A_774, %broadcast_in_dim3A_776, %select_n3A_771 : vector<32x128xi1>, vector<32x128xf32>
      %eq3A_778 = arith.constant 6 : i32
      %eq3A_779 = vector.broadcast %eq3A_778 : i32 to vector<32x128xi32>
      %eq3A_780 = arith.cmpi eq, %iota3A_636, %eq3A_779 : vector<32x128xi32>
      %broadcast_in_dim3A_781 = vector.shape_cast %min3A_752 : vector<1x128xf32> to vector<1x128xf32>
      %broadcast_in_dim3A_782 = vector.broadcast %broadcast_in_dim3A_781 : vector<1x128xf32> to vector<32x128xf32>
      %select_n3A_783 = arith.select %eq3A_780, %broadcast_in_dim3A_782, %select_n3A_777 : vector<32x128xi1>, vector<32x128xf32>
      %eq3A_784 = arith.constant 7 : i32
      %eq3A_785 = vector.broadcast %eq3A_784 : i32 to vector<32x128xi32>
      %eq3A_786 = arith.cmpi eq, %iota3A_636, %eq3A_785 : vector<32x128xi32>
      %broadcast_in_dim3A_787 = vector.shape_cast %min3A_762 : vector<1x128xf32> to vector<1x128xf32>
      %broadcast_in_dim3A_788 = vector.broadcast %broadcast_in_dim3A_787 : vector<1x128xf32> to vector<32x128xf32>
      %select_n3A_789 = arith.select %eq3A_786, %broadcast_in_dim3A_788, %select_n3A_783 : vector<32x128xi1>, vector<32x128xf32>
      %eq3A_790 = arith.constant 21 : i32
      %eq3A_791 = vector.broadcast %eq3A_790 : i32 to vector<32x128xi32>
      %eq3A_792 = arith.cmpi eq, %iota3A_636, %eq3A_791 : vector<32x128xi32>
      %broadcast_in_dim3A_793 = vector.shape_cast %select_n3A_765 : vector<1x128xf32> to vector<1x128xf32>
      %broadcast_in_dim3A_794 = vector.broadcast %broadcast_in_dim3A_793 : vector<1x128xf32> to vector<32x128xf32>
      %select_n3A_795 = arith.select %eq3A_792, %broadcast_in_dim3A_794, %select_n3A_789 : vector<32x128xi1>, vector<32x128xf32>
      %ge3A_796 = arith.constant 9.600000e+01 : f32
      %ge3A_797 = vector.broadcast %ge3A_796 : f32 to vector<1x128xf32>
      %ge3A_798 = arith.cmpf oge, %sqrt3A, %ge3A_797 : vector<1x128xf32>
      %le3A_799 = arith.constant 3.840000e+02 : f32
      %le3A_800 = vector.broadcast %le3A_799 : f32 to vector<1x128xf32>
      %le3A_801 = arith.cmpf ole, %sqrt3A, %le3A_800 : vector<1x128xf32>
      %and3A_802 = arith.andi %ge3A_798, %le3A_801 : vector<1x128xi1>
      %div3A_803 = arith.constant 21.333334 : f32
      %div3A_804 = vector.broadcast %div3A_803 : f32 to vector<1x128xf32>
      %div3A_805 = arith.divf %min3A_605, %div3A_804 : vector<1x128xf32>
      %floor3A_806 = math.floor %div3A_805 : vector<1x128xf32>
      %jit3A_807 = arith.constant 0.000000e+00 : f32
      %jit3A_808 = arith.constant 2.300000e+01 : f32
      %max3A_809 = vector.broadcast %jit3A_807 : f32 to vector<1x128xf32>
      %max3A_810 = arith.maximumf %max3A_809, %floor3A_806 : vector<1x128xf32>
      %min3A_811 = vector.broadcast %jit3A_808 : f32 to vector<1x128xf32>
      %min3A_812 = arith.minimumf %min3A_811, %max3A_810 : vector<1x128xf32>
      %div3A_813 = arith.constant 21.333334 : f32
      %div3A_814 = vector.broadcast %div3A_813 : f32 to vector<1x128xf32>
      %div3A_815 = arith.divf %min3A_615, %div3A_814 : vector<1x128xf32>
      %floor3A_816 = math.floor %div3A_815 : vector<1x128xf32>
      %jit3A_817 = arith.constant 0.000000e+00 : f32
      %jit3A_818 = arith.constant 2.300000e+01 : f32
      %max3A_819 = vector.broadcast %jit3A_817 : f32 to vector<1x128xf32>
      %max3A_820 = arith.maximumf %max3A_819, %floor3A_816 : vector<1x128xf32>
      %min3A_821 = vector.broadcast %jit3A_818 : f32 to vector<1x128xf32>
      %min3A_822 = arith.minimumf %min3A_821, %max3A_820 : vector<1x128xf32>
      %div3A_823 = arith.constant 21.333334 : f32
      %div3A_824 = vector.broadcast %div3A_823 : f32 to vector<1x128xf32>
      %div3A_825 = arith.divf %min3A_625, %div3A_824 : vector<1x128xf32>
      %floor3A_826 = math.floor %div3A_825 : vector<1x128xf32>
      %jit3A_827 = arith.constant 0.000000e+00 : f32
      %jit3A_828 = arith.constant 2.300000e+01 : f32
      %max3A_829 = vector.broadcast %jit3A_827 : f32 to vector<1x128xf32>
      %max3A_830 = arith.maximumf %max3A_829, %floor3A_826 : vector<1x128xf32>
      %min3A_831 = vector.broadcast %jit3A_828 : f32 to vector<1x128xf32>
      %min3A_832 = arith.minimumf %min3A_831, %max3A_830 : vector<1x128xf32>
      %div3A_833 = arith.constant 21.333334 : f32
      %div3A_834 = vector.broadcast %div3A_833 : f32 to vector<1x128xf32>
      %div3A_835 = arith.divf %min3A_635, %div3A_834 : vector<1x128xf32>
      %floor3A_836 = math.floor %div3A_835 : vector<1x128xf32>
      %jit3A_837 = arith.constant 0.000000e+00 : f32
      %jit3A_838 = arith.constant 2.300000e+01 : f32
      %max3A_839 = vector.broadcast %jit3A_837 : f32 to vector<1x128xf32>
      %max3A_840 = arith.maximumf %max3A_839, %floor3A_836 : vector<1x128xf32>
      %min3A_841 = vector.broadcast %jit3A_838 : f32 to vector<1x128xf32>
      %min3A_842 = arith.minimumf %min3A_841, %max3A_840 : vector<1x128xf32>
      %jit3A_843 = arith.constant 0x7F800000 : f32
      %broadcast_in_dim3A_844 = vector.broadcast %jit3A_843 : f32 to vector<1x128xf32>
      %select_n3A_845 = arith.select %and3A_802, %sqrt3A, %broadcast_in_dim3A_844 : vector<1x128xi1>, vector<1x128xf32>
      %eq3A_846 = arith.constant 8 : i32
      %eq3A_847 = vector.broadcast %eq3A_846 : i32 to vector<32x128xi32>
      %eq3A_848 = arith.cmpi eq, %iota3A_636, %eq3A_847 : vector<32x128xi32>
      %broadcast_in_dim3A_849 = vector.shape_cast %min3A_812 : vector<1x128xf32> to vector<1x128xf32>
      %broadcast_in_dim3A_850 = vector.broadcast %broadcast_in_dim3A_849 : vector<1x128xf32> to vector<32x128xf32>
      %select_n3A_851 = arith.select %eq3A_848, %broadcast_in_dim3A_850, %select_n3A_795 : vector<32x128xi1>, vector<32x128xf32>
      %eq3A_852 = arith.constant 9 : i32
      %eq3A_853 = vector.broadcast %eq3A_852 : i32 to vector<32x128xi32>
      %eq3A_854 = arith.cmpi eq, %iota3A_636, %eq3A_853 : vector<32x128xi32>
      %broadcast_in_dim3A_855 = vector.shape_cast %min3A_822 : vector<1x128xf32> to vector<1x128xf32>
      %broadcast_in_dim3A_856 = vector.broadcast %broadcast_in_dim3A_855 : vector<1x128xf32> to vector<32x128xf32>
      %select_n3A_857 = arith.select %eq3A_854, %broadcast_in_dim3A_856, %select_n3A_851 : vector<32x128xi1>, vector<32x128xf32>
      %eq3A_858 = arith.constant 10 : i32
      %eq3A_859 = vector.broadcast %eq3A_858 : i32 to vector<32x128xi32>
      %eq3A_860 = arith.cmpi eq, %iota3A_636, %eq3A_859 : vector<32x128xi32>
      %broadcast_in_dim3A_861 = vector.shape_cast %min3A_832 : vector<1x128xf32> to vector<1x128xf32>
      %broadcast_in_dim3A_862 = vector.broadcast %broadcast_in_dim3A_861 : vector<1x128xf32> to vector<32x128xf32>
      %select_n3A_863 = arith.select %eq3A_860, %broadcast_in_dim3A_862, %select_n3A_857 : vector<32x128xi1>, vector<32x128xf32>
      %eq3A_864 = arith.constant 11 : i32
      %eq3A_865 = vector.broadcast %eq3A_864 : i32 to vector<32x128xi32>
      %eq3A_866 = arith.cmpi eq, %iota3A_636, %eq3A_865 : vector<32x128xi32>
      %broadcast_in_dim3A_867 = vector.shape_cast %min3A_842 : vector<1x128xf32> to vector<1x128xf32>
      %broadcast_in_dim3A_868 = vector.broadcast %broadcast_in_dim3A_867 : vector<1x128xf32> to vector<32x128xf32>
      %select_n3A_869 = arith.select %eq3A_866, %broadcast_in_dim3A_868, %select_n3A_863 : vector<32x128xi1>, vector<32x128xf32>
      %eq3A_870 = arith.constant 22 : i32
      %eq3A_871 = vector.broadcast %eq3A_870 : i32 to vector<32x128xi32>
      %eq3A_872 = arith.cmpi eq, %iota3A_636, %eq3A_871 : vector<32x128xi32>
      %broadcast_in_dim3A_873 = vector.shape_cast %select_n3A_845 : vector<1x128xf32> to vector<1x128xf32>
      %broadcast_in_dim3A_874 = vector.broadcast %broadcast_in_dim3A_873 : vector<1x128xf32> to vector<32x128xf32>
      %select_n3A_875 = arith.select %eq3A_872, %broadcast_in_dim3A_874, %select_n3A_869 : vector<32x128xi1>, vector<32x128xf32>
      %ge3A_876 = arith.constant 1.920000e+02 : f32
      %ge3A_877 = vector.broadcast %ge3A_876 : f32 to vector<1x128xf32>
      %ge3A_878 = arith.cmpf oge, %sqrt3A, %ge3A_877 : vector<1x128xf32>
      %le3A_879 = arith.constant 7.680000e+02 : f32
      %le3A_880 = vector.broadcast %le3A_879 : f32 to vector<1x128xf32>
      %le3A_881 = arith.cmpf ole, %sqrt3A, %le3A_880 : vector<1x128xf32>
      %and3A_882 = arith.andi %ge3A_878, %le3A_881 : vector<1x128xi1>
      %div3A_883 = arith.constant 3.200000e+01 : f32
      %div3A_884 = vector.broadcast %div3A_883 : f32 to vector<1x128xf32>
      %div3A_885 = arith.divf %min3A_605, %div3A_884 : vector<1x128xf32>
      %floor3A_886 = math.floor %div3A_885 : vector<1x128xf32>
      %jit3A_887 = arith.constant 0.000000e+00 : f32
      %jit3A_888 = arith.constant 1.500000e+01 : f32
      %max3A_889 = vector.broadcast %jit3A_887 : f32 to vector<1x128xf32>
      %max3A_890 = arith.maximumf %max3A_889, %floor3A_886 : vector<1x128xf32>
      %min3A_891 = vector.broadcast %jit3A_888 : f32 to vector<1x128xf32>
      %min3A_892 = arith.minimumf %min3A_891, %max3A_890 : vector<1x128xf32>
      %div3A_893 = arith.constant 3.200000e+01 : f32
      %div3A_894 = vector.broadcast %div3A_893 : f32 to vector<1x128xf32>
      %div3A_895 = arith.divf %min3A_615, %div3A_894 : vector<1x128xf32>
      %floor3A_896 = math.floor %div3A_895 : vector<1x128xf32>
      %jit3A_897 = arith.constant 0.000000e+00 : f32
      %jit3A_898 = arith.constant 1.500000e+01 : f32
      %max3A_899 = vector.broadcast %jit3A_897 : f32 to vector<1x128xf32>
      %max3A_900 = arith.maximumf %max3A_899, %floor3A_896 : vector<1x128xf32>
      %min3A_901 = vector.broadcast %jit3A_898 : f32 to vector<1x128xf32>
      %min3A_902 = arith.minimumf %min3A_901, %max3A_900 : vector<1x128xf32>
      %div3A_903 = arith.constant 3.200000e+01 : f32
      %div3A_904 = vector.broadcast %div3A_903 : f32 to vector<1x128xf32>
      %div3A_905 = arith.divf %min3A_625, %div3A_904 : vector<1x128xf32>
      %floor3A_906 = math.floor %div3A_905 : vector<1x128xf32>
      %jit3A_907 = arith.constant 0.000000e+00 : f32
      %jit3A_908 = arith.constant 1.500000e+01 : f32
      %max3A_909 = vector.broadcast %jit3A_907 : f32 to vector<1x128xf32>
      %max3A_910 = arith.maximumf %max3A_909, %floor3A_906 : vector<1x128xf32>
      %min3A_911 = vector.broadcast %jit3A_908 : f32 to vector<1x128xf32>
      %min3A_912 = arith.minimumf %min3A_911, %max3A_910 : vector<1x128xf32>
      %div3A_913 = arith.constant 3.200000e+01 : f32
      %div3A_914 = vector.broadcast %div3A_913 : f32 to vector<1x128xf32>
      %div3A_915 = arith.divf %min3A_635, %div3A_914 : vector<1x128xf32>
      %floor3A_916 = math.floor %div3A_915 : vector<1x128xf32>
      %jit3A_917 = arith.constant 0.000000e+00 : f32
      %jit3A_918 = arith.constant 1.500000e+01 : f32
      %max3A_919 = vector.broadcast %jit3A_917 : f32 to vector<1x128xf32>
      %max3A_920 = arith.maximumf %max3A_919, %floor3A_916 : vector<1x128xf32>
      %min3A_921 = vector.broadcast %jit3A_918 : f32 to vector<1x128xf32>
      %min3A_922 = arith.minimumf %min3A_921, %max3A_920 : vector<1x128xf32>
      %jit3A_923 = arith.constant 0x7F800000 : f32
      %broadcast_in_dim3A_924 = vector.broadcast %jit3A_923 : f32 to vector<1x128xf32>
      %select_n3A_925 = arith.select %and3A_882, %sqrt3A, %broadcast_in_dim3A_924 : vector<1x128xi1>, vector<1x128xf32>
      %eq3A_926 = arith.constant 12 : i32
      %eq3A_927 = vector.broadcast %eq3A_926 : i32 to vector<32x128xi32>
      %eq3A_928 = arith.cmpi eq, %iota3A_636, %eq3A_927 : vector<32x128xi32>
      %broadcast_in_dim3A_929 = vector.shape_cast %min3A_892 : vector<1x128xf32> to vector<1x128xf32>
      %broadcast_in_dim3A_930 = vector.broadcast %broadcast_in_dim3A_929 : vector<1x128xf32> to vector<32x128xf32>
      %select_n3A_931 = arith.select %eq3A_928, %broadcast_in_dim3A_930, %select_n3A_875 : vector<32x128xi1>, vector<32x128xf32>
      %eq3A_932 = arith.constant 13 : i32
      %eq3A_933 = vector.broadcast %eq3A_932 : i32 to vector<32x128xi32>
      %eq3A_934 = arith.cmpi eq, %iota3A_636, %eq3A_933 : vector<32x128xi32>
      %broadcast_in_dim3A_935 = vector.shape_cast %min3A_902 : vector<1x128xf32> to vector<1x128xf32>
      %broadcast_in_dim3A_936 = vector.broadcast %broadcast_in_dim3A_935 : vector<1x128xf32> to vector<32x128xf32>
      %select_n3A_937 = arith.select %eq3A_934, %broadcast_in_dim3A_936, %select_n3A_931 : vector<32x128xi1>, vector<32x128xf32>
      %eq3A_938 = arith.constant 14 : i32
      %eq3A_939 = vector.broadcast %eq3A_938 : i32 to vector<32x128xi32>
      %eq3A_940 = arith.cmpi eq, %iota3A_636, %eq3A_939 : vector<32x128xi32>
      %broadcast_in_dim3A_941 = vector.shape_cast %min3A_912 : vector<1x128xf32> to vector<1x128xf32>
      %broadcast_in_dim3A_942 = vector.broadcast %broadcast_in_dim3A_941 : vector<1x128xf32> to vector<32x128xf32>
      %select_n3A_943 = arith.select %eq3A_940, %broadcast_in_dim3A_942, %select_n3A_937 : vector<32x128xi1>, vector<32x128xf32>
      %eq3A_944 = arith.constant 15 : i32
      %eq3A_945 = vector.broadcast %eq3A_944 : i32 to vector<32x128xi32>
      %eq3A_946 = arith.cmpi eq, %iota3A_636, %eq3A_945 : vector<32x128xi32>
      %broadcast_in_dim3A_947 = vector.shape_cast %min3A_922 : vector<1x128xf32> to vector<1x128xf32>
      %broadcast_in_dim3A_948 = vector.broadcast %broadcast_in_dim3A_947 : vector<1x128xf32> to vector<32x128xf32>
      %select_n3A_949 = arith.select %eq3A_946, %broadcast_in_dim3A_948, %select_n3A_943 : vector<32x128xi1>, vector<32x128xf32>
      %eq3A_950 = arith.constant 23 : i32
      %eq3A_951 = vector.broadcast %eq3A_950 : i32 to vector<32x128xi32>
      %eq3A_952 = arith.cmpi eq, %iota3A_636, %eq3A_951 : vector<32x128xi32>
      %broadcast_in_dim3A_953 = vector.shape_cast %select_n3A_925 : vector<1x128xf32> to vector<1x128xf32>
      %broadcast_in_dim3A_954 = vector.broadcast %broadcast_in_dim3A_953 : vector<1x128xf32> to vector<32x128xf32>
      %select_n3A_955 = arith.select %eq3A_952, %broadcast_in_dim3A_954, %select_n3A_949 : vector<32x128xi1>, vector<32x128xf32>
      %ge3A_956 = arith.constant 3.840000e+02 : f32
      %ge3A_957 = vector.broadcast %ge3A_956 : f32 to vector<1x128xf32>
      %ge3A_958 = arith.cmpf oge, %sqrt3A, %ge3A_957 : vector<1x128xf32>
      %le3A_959 = arith.constant 2.048000e+03 : f32
      %le3A_960 = vector.broadcast %le3A_959 : f32 to vector<1x128xf32>
      %le3A_961 = arith.cmpf ole, %sqrt3A, %le3A_960 : vector<1x128xf32>
      %and3A_962 = arith.andi %ge3A_958, %le3A_961 : vector<1x128xi1>
      %div3A_963 = arith.constant 42.6666679 : f32
      %div3A_964 = vector.broadcast %div3A_963 : f32 to vector<1x128xf32>
      %div3A_965 = arith.divf %min3A_605, %div3A_964 : vector<1x128xf32>
      %floor3A_966 = math.floor %div3A_965 : vector<1x128xf32>
      %jit3A_967 = arith.constant 0.000000e+00 : f32
      %jit3A_968 = arith.constant 1.100000e+01 : f32
      %max3A_969 = vector.broadcast %jit3A_967 : f32 to vector<1x128xf32>
      %max3A_970 = arith.maximumf %max3A_969, %floor3A_966 : vector<1x128xf32>
      %min3A_971 = vector.broadcast %jit3A_968 : f32 to vector<1x128xf32>
      %min3A_972 = arith.minimumf %min3A_971, %max3A_970 : vector<1x128xf32>
      %div3A_973 = arith.constant 42.6666679 : f32
      %div3A_974 = vector.broadcast %div3A_973 : f32 to vector<1x128xf32>
      %div3A_975 = arith.divf %min3A_615, %div3A_974 : vector<1x128xf32>
      %floor3A_976 = math.floor %div3A_975 : vector<1x128xf32>
      %jit3A_977 = arith.constant 0.000000e+00 : f32
      %jit3A_978 = arith.constant 1.100000e+01 : f32
      %max3A_979 = vector.broadcast %jit3A_977 : f32 to vector<1x128xf32>
      %max3A_980 = arith.maximumf %max3A_979, %floor3A_976 : vector<1x128xf32>
      %min3A_981 = vector.broadcast %jit3A_978 : f32 to vector<1x128xf32>
      %min3A_982 = arith.minimumf %min3A_981, %max3A_980 : vector<1x128xf32>
      %div3A_983 = arith.constant 42.6666679 : f32
      %div3A_984 = vector.broadcast %div3A_983 : f32 to vector<1x128xf32>
      %div3A_985 = arith.divf %min3A_625, %div3A_984 : vector<1x128xf32>
      %floor3A_986 = math.floor %div3A_985 : vector<1x128xf32>
      %jit3A_987 = arith.constant 0.000000e+00 : f32
      %jit3A_988 = arith.constant 1.100000e+01 : f32
      %max3A_989 = vector.broadcast %jit3A_987 : f32 to vector<1x128xf32>
      %max3A_990 = arith.maximumf %max3A_989, %floor3A_986 : vector<1x128xf32>
      %min3A_991 = vector.broadcast %jit3A_988 : f32 to vector<1x128xf32>
      %min3A_992 = arith.minimumf %min3A_991, %max3A_990 : vector<1x128xf32>
      %div3A_993 = arith.constant 42.6666679 : f32
      %div3A_994 = vector.broadcast %div3A_993 : f32 to vector<1x128xf32>
      %div3A_995 = arith.divf %min3A_635, %div3A_994 : vector<1x128xf32>
      %floor3A_996 = math.floor %div3A_995 : vector<1x128xf32>
      %jit3A_997 = arith.constant 0.000000e+00 : f32
      %jit3A_998 = arith.constant 1.100000e+01 : f32
      %max3A_999 = vector.broadcast %jit3A_997 : f32 to vector<1x128xf32>
      %max3A_1000 = arith.maximumf %max3A_999, %floor3A_996 : vector<1x128xf32>
      %min3A_1001 = vector.broadcast %jit3A_998 : f32 to vector<1x128xf32>
      %min3A_1002 = arith.minimumf %min3A_1001, %max3A_1000 : vector<1x128xf32>
      %jit3A_1003 = arith.constant 0x7F800000 : f32
      %broadcast_in_dim3A_1004 = vector.broadcast %jit3A_1003 : f32 to vector<1x128xf32>
      %select_n3A_1005 = arith.select %and3A_962, %sqrt3A, %broadcast_in_dim3A_1004 : vector<1x128xi1>, vector<1x128xf32>
      %eq3A_1006 = arith.constant 16 : i32
      %eq3A_1007 = vector.broadcast %eq3A_1006 : i32 to vector<32x128xi32>
      %eq3A_1008 = arith.cmpi eq, %iota3A_636, %eq3A_1007 : vector<32x128xi32>
      %broadcast_in_dim3A_1009 = vector.shape_cast %min3A_972 : vector<1x128xf32> to vector<1x128xf32>
      %broadcast_in_dim3A_1010 = vector.broadcast %broadcast_in_dim3A_1009 : vector<1x128xf32> to vector<32x128xf32>
      %select_n3A_1011 = arith.select %eq3A_1008, %broadcast_in_dim3A_1010, %select_n3A_955 : vector<32x128xi1>, vector<32x128xf32>
      %eq3A_1012 = arith.constant 17 : i32
      %eq3A_1013 = vector.broadcast %eq3A_1012 : i32 to vector<32x128xi32>
      %eq3A_1014 = arith.cmpi eq, %iota3A_636, %eq3A_1013 : vector<32x128xi32>
      %broadcast_in_dim3A_1015 = vector.shape_cast %min3A_982 : vector<1x128xf32> to vector<1x128xf32>
      %broadcast_in_dim3A_1016 = vector.broadcast %broadcast_in_dim3A_1015 : vector<1x128xf32> to vector<32x128xf32>
      %select_n3A_1017 = arith.select %eq3A_1014, %broadcast_in_dim3A_1016, %select_n3A_1011 : vector<32x128xi1>, vector<32x128xf32>
      %eq3A_1018 = arith.constant 18 : i32
      %eq3A_1019 = vector.broadcast %eq3A_1018 : i32 to vector<32x128xi32>
      %eq3A_1020 = arith.cmpi eq, %iota3A_636, %eq3A_1019 : vector<32x128xi32>
      %broadcast_in_dim3A_1021 = vector.shape_cast %min3A_992 : vector<1x128xf32> to vector<1x128xf32>
      %broadcast_in_dim3A_1022 = vector.broadcast %broadcast_in_dim3A_1021 : vector<1x128xf32> to vector<32x128xf32>
      %select_n3A_1023 = arith.select %eq3A_1020, %broadcast_in_dim3A_1022, %select_n3A_1017 : vector<32x128xi1>, vector<32x128xf32>
      %eq3A_1024 = arith.constant 19 : i32
      %eq3A_1025 = vector.broadcast %eq3A_1024 : i32 to vector<32x128xi32>
      %eq3A_1026 = arith.cmpi eq, %iota3A_636, %eq3A_1025 : vector<32x128xi32>
      %broadcast_in_dim3A_1027 = vector.shape_cast %min3A_1002 : vector<1x128xf32> to vector<1x128xf32>
      %broadcast_in_dim3A_1028 = vector.broadcast %broadcast_in_dim3A_1027 : vector<1x128xf32> to vector<32x128xf32>
      %select_n3A_1029 = arith.select %eq3A_1026, %broadcast_in_dim3A_1028, %select_n3A_1023 : vector<32x128xi1>, vector<32x128xf32>
      %eq3A_1030 = arith.constant 24 : i32
      %eq3A_1031 = vector.broadcast %eq3A_1030 : i32 to vector<32x128xi32>
      %eq3A_1032 = arith.cmpi eq, %iota3A_636, %eq3A_1031 : vector<32x128xi32>
      %broadcast_in_dim3A_1033 = vector.shape_cast %select_n3A_1005 : vector<1x128xf32> to vector<1x128xf32>
      %broadcast_in_dim3A_1034 = vector.broadcast %broadcast_in_dim3A_1033 : vector<1x128xf32> to vector<32x128xf32>
      %select_n3A_1035 = arith.select %eq3A_1032, %broadcast_in_dim3A_1034, %select_n3A_1029 : vector<32x128xi1>, vector<32x128xf32>
      %eq3A_1036 = arith.constant 25 : i32
      %eq3A_1037 = vector.broadcast %eq3A_1036 : i32 to vector<32x128xi32>
      %eq3A_1038 = arith.cmpi eq, %iota3A_636, %eq3A_1037 : vector<32x128xi32>
      %broadcast_in_dim3A_1039 = vector.shape_cast %convert_element_type3A_570 : vector<1x128xf32> to vector<1x128xf32>
      %broadcast_in_dim3A_1040 = vector.broadcast %broadcast_in_dim3A_1039 : vector<1x128xf32> to vector<32x128xf32>
      %select_n3A_1041 = arith.select %eq3A_1038, %broadcast_in_dim3A_1040, %select_n3A_1035 : vector<32x128xi1>, vector<32x128xf32>
      %swap3A_1042 = arith.constant 0 : index
      %swap3A_1043 = arith.constant 0 : index
      %swap3A_1044 = arith.constant 0 : index
      %swap3A_1045 = vector.load %arg5[%swap3A_1042, %swap3A_1043, %swap3A_1044] : memref<1x32x128xf32, #tpu.memory_space<vmem>>, vector<1x32x128xf32>
      %swap3A_1046 = vector.shape_cast %swap3A_1045 : vector<1x32x128xf32> to vector<32x128xf32>
      %swap3A_1047 = vector.shape_cast %select_n3A_1041 : vector<32x128xf32> to vector<1x32x128xf32>
      tpu.vector_store %arg5[%swap3A_1042, %swap3A_1043, %swap3A_1044], %swap3A_1047 {strides = array<i32>} : memref<1x32x128xf32, #tpu.memory_space<vmem>>, vector<1x32x128xf32>,
    } else {
    }
    return
  }
  func.func @transform_0(%arg0: i32, %arg1: i32) -> (i32, i32, i32, i32) {
    %c0_i32 = arith.constant 0 : i32
    %c0_i32_0 = arith.constant 0 : i32
    %c0_i32_1 = arith.constant 0 : i32
    return %arg0, %arg1, %c0_i32, %c0_i32_0 : i32, i32, i32, i32
  }
  func.func @transform_1(%arg0: i32, %arg1: i32) -> (i32, i32, i32) {
    %c0_i32 = arith.constant 0 : i32
    %c0_i32_0 = arith.constant 0 : i32
    %c0_i32_1 = arith.constant 0 : i32
    return %arg0, %c0_i32, %c0_i32_0 : i32, i32, i32
  }
  func.func @transform_2(%arg0: i32, %arg1: i32) -> (i32, i32, i32) {
    %c0_i32 = arith.constant 0 : i32
    %c0_i32_0 = arith.constant 0 : i32
    %c0_i32_1 = arith.constant 0 : i32
    return %arg0, %c0_i32, %c0_i32_0 : i32, i32, i32
  }
  func.func @transform_3(%arg0: i32, %arg1: i32) -> (i32, i32, i32) {
    %c0_i32 = arith.constant 0 : i32
    %c0_i32_0 = arith.constant 0 : i32
    %c0_i32_1 = arith.constant 0 : i32
    return %arg0, %c0_i32, %c0_i32_0 : i32, i32, i32
  }
}

</mosaic_0001>

<sc_bundles>
// kernel: kernel.4.cloned.1.call-start
scs
__scs_entry_jumppad:
0x0: {  	(pc) =	sbr.rel $0x88, $3  }
0x1: {  	(tag) =	ssettag $0x0;
	lr =	simm.s32 $0x1  }
0x2: {  	[smem:$0x3F9E] =	sst lr;
	_ =	strace $0xD0000000  }
0x3: {  	_ = 	snop  }
0x4: {  	_ = 	snop  }
0x5: {  	_ = 	snop  }
0x6: {  	_ = 	snop  }
0x7: {  	_ = 	snop  }
__scs_overlays_trampoline_lowered:
0x8: {  	[smem:$0x3FAD] =	sst s0  }
0x9: {  	[smem:$0x3FAE] =	sst s1  }
0xa: {  	[smem:$0x3FAF] =	sst s2  }
0xb: {  	[smem:$0x3FB0] =	sst s3  }
0xc: {  	[smem:$0x3FB1] =	sst s4  }
0xd: {  	[smem:$0x3FB2] =	sst s5  }
0xe: {  	[smem:$0x3FB3] =	sst s6  }
0xf: {  	[smem:$0x3FB4] =	sst s7  }
0x10: {  	[smem:$0x3FB5] =	sst s8  }
0x11: {  	[smem:$0x3FB6] =	sst s9;
	s0 =	simm.s32 @!p0 $0x0  }
0x12: {  	s1 =	sld [smem:$0x3F9C];
	s0 =	simm.s32 @p0 $0x1  }
0x13: {  	[smem:$0x3FB7] =	sst s0;
	s0 =	simm.s32 @!p1 $0x0  }
0x14: {  	s2 =	sld [smem:$0x3F9B];
	s0 =	simm.s32 @p1 $0x1  }
0x15: {  	[smem:$0x3FB8] =	sst s0;
	s0 =	simm.s32 @!p2 $0x0  }
0x16: {  	s3 =	sld [smem:$0x3FDB];
	s0 =	simm.s32 @p2 $0x1  }
0x17: {  	s4 =	simm.s32 $0x1BF5;
	[smem:$0x3FBA] =	sst s0  }
0x18: {  	s0 =	sld [smem:$0x3F9D];
	_ =	swait.ge [sflag:s4], $0x0  }
0x19: {  	s7 =	sld [smem:$0x3F9E]  }
0x1a: {  	s8 =	sadd.s32 $0xFFFFE003, lr  }
0x1b: {  	s9 =	sadd.s32 $0xFFFFFEF7, lr;
	s5 =	simm.s32 $0xFFFFFFFF;
	p2 =	slt.u32 s8, $0xFFFFF086  }
0x1c: {  	p1 =	slt.u32 s9, $0xF7A;
	s5 =	simm.s32 @!p2 $0x0  }
0x1d: {  	s5 =	simm.s32 @p1 $0x1;
	p0 =	seq.s32 s7, s2  }
0x1e: {  	s7 =	smul.u32 @!p0 $0xF7A, s2;
	p2 =	seq.s32 @!p0 s5, $0x0  }
0x1f: {  	s9 =	smul.u32 $0xF7A, s1;
	s8 =	simm.s32 @!p0 $0x1BF5;
	p2 =	por !p2, p0  }
0x20: {  	[sflag:s8] =	ssyncset.s32 @!p0 $0xFFFFF086;
	s6 =	sadd.s32 @!p0 s3, s7;
	s7 =	simm.s32 @!p0 $0x108  }
0x21: {  	s3 =	sadd.s32 s3, s9;
	s6 =	sadd.s32 @!p0 $0x88, s6;
	s7 =	simm.s32 @p2 $0x1082  }
0x22: {  	[simem:s7], [sflag:s8] =	dma.local @!p0 [hbm:s6], $0xF7A  }
0x23: {  	s9 =	sor.u32 $0xD0000000, s2;
	s6 =	simm.s32 $0x108;
	_ =	swait.ge @!p0 [sflag:s8], $0x0  }
0x24: {  	s3 =	sadd.s32 $0x88, s3;
	s6 =	simm.s32 @!p1 $0x1082;
	[sflag:s4] =	ssyncset.s32 $0xFFFFF086  }
0x25: {  	[simem:s6], [sflag:s4] =	dma.local [hbm:s3], $0xF7A  }
0x26: {  	[smem:$0x3F9E] =	sst s1;
	(tag) =	ssettag s2;
	_ =	strace s9  }
0x27: {  	s1 =	sld [smem:$0x3FAE]  }
0x28: {  	s2 =	sld [smem:$0x3FAF]  }
0x29: {  	s4 =	sld [smem:$0x3FB1]  }
0x2a: {  	p0 =	seq.s32 s5, $0x0;
	s5 =	sld [smem:$0x3FB2]  }
0x2b: {  	s6 =	sld [smem:$0x3FB3]  }
0x2c: {  	s7 =	sld [smem:$0x3FB4]  }
0x2d: {  	s3 =	simm.s32 $0x108;
	s8 =	sld [smem:$0x3FB5]  }
0x2e: {  	s3 =	simm.s32 @!p0 $0x1082;
	s9 =	sld [smem:$0x3FB6]  }
0x2f: {  	lr =	sadd.s32 s0, s3;
	s0 =	sld [smem:$0x3FAD]  }
0x30: {  	s3 =	sld [smem:$0x3FB0]  }
0x31: {  	[smem:$0x3FB9] =	sst s10  }
0x32: {  	s10 =	sld [smem:$0x3FB7];
	_ =	sdelay $0x3  }
0x33: {  	p0 =	seq.s32 s10, $0x1;
	s10 =	sld [smem:$0x3FB9];
	_ =	sdelay $0x3  }
0x34: {  	[smem:$0x3FB9] =	sst s10  }
0x35: {  	s10 =	sld [smem:$0x3FB8];
	_ =	sdelay $0x3  }
0x36: {  	p1 =	seq.s32 s10, $0x1;
	s10 =	sld [smem:$0x3FB9];
	_ =	sdelay $0x3  }
0x37: {  	[smem:$0x3FB9] =	sst s10  }
0x38: {  	s10 =	sld [smem:$0x3FBA]  }
0x39: {  	_ = 	snop;
	(pc) =	sbr.ind lr, $3  }
0x3a: {  	_ = 	snop  }
0x3b: {  	_ = 	snop  }
0x3c: {  	p2 =	seq.s32 s10, $0x1;
	s10 =	sld [smem:$0x3FB9]  }
0x3d: {  	_ =	shalt  }
0x3e: {  	_ =	shalt  }
0x3f: {  	_ =	shalt  }
0x40: {  	_ =	shalt  }
0x41: {  	_ =	shalt  }
0x42: {  	_ =	shalt  }
0x43: {  	_ =	shalt  }
0x44: {  	_ =	shalt  }
0x45: {  	_ =	shalt  }
0x46: {  	_ =	shalt  }
0x47: {  	_ =	shalt  }
0x48: {  	_ =	shalt  }
0x49: {  	_ =	shalt  }
0x4a: {  	_ =	shalt  }
0x4b: {  	_ =	shalt  }
0x4c: {  	_ =	shalt  }
0x4d: {  	_ =	shalt  }
0x4e: {  	_ =	shalt  }
0x4f: {  	_ =	shalt  }
0x50: {  	_ =	shalt  }
0x51: {  	_ =	shalt  }
0x52: {  	_ =	shalt  }
0x53: {  	_ =	shalt  }
0x54: {  	_ =	shalt  }
0x55: {  	_ =	shalt  }
0x56: {  	_ =	shalt  }
0x57: {  	_ =	shalt  }
0x58: {  	_ =	shalt  }
0x59: {  	_ =	shalt  }
0x5a: {  	_ =	shalt  }
0x5b: {  	_ =	shalt  }
0x5c: {  	_ =	shalt  }
0x5d: {  	_ =	shalt  }
0x5e: {  	_ =	shalt  }
0x5f: {  	_ =	shalt  }
0x60: {  	_ =	shalt  }
0x61: {  	_ =	shalt  }
0x62: {  	_ =	shalt  }
0x63: {  	_ =	shalt  }
0x64: {  	_ =	shalt  }
0x65: {  	_ =	shalt  }
0x66: {  	_ =	shalt  }
0x67: {  	_ =	shalt  }
0x68: {  	_ =	shalt  }
0x69: {  	_ =	shalt  }
0x6a: {  	_ =	shalt  }
0x6b: {  	_ =	shalt  }
0x6c: {  	_ =	shalt  }
0x6d: {  	_ =	shalt  }
0x6e: {  	_ =	shalt  }
0x6f: {  	_ =	shalt  }
0x70: {  	_ =	shalt  }
0x71: {  	_ =	shalt  }
0x72: {  	_ =	shalt  }
0x73: {  	_ =	shalt  }
0x74: {  	_ =	shalt  }
0x75: {  	_ =	shalt  }
0x76: {  	_ =	shalt  }
0x77: {  	_ =	shalt  }
0x78: {  	_ =	shalt  }
0x79: {  	_ =	shalt  }
0x7a: {  	_ =	shalt  }
0x7b: {  	_ =	shalt  }
0x7c: {  	_ =	shalt  }
0x7d: {  	_ =	shalt  }
0x7e: {  	_ =	shalt  }
0x7f: {  	_ =	shalt  }
0x80: {  	_ =	shalt  }
0x81: {  	_ =	shalt  }
0x82: {  	_ =	shalt  }
0x83: {  	_ =	shalt  }
0x84: {  	_ =	shalt  }
0x85: {  	_ =	shalt  }
0x86: {  	_ =	shalt  }
0x87: {  	_ =	shalt  }
.Lfunc_end0:
.L_simem_size_0:
called_computation_lowered:
.L_overlay_start_0:
0x88: {  	s2 =	sld [smem:$0x3FD9]  }
0x89: {  	s3 =	sld [smem:$0x3FFE];
	_ =	sdelay $0x1  }
0x8a: {  	s1 =	srdreg.scid  }
0x8b: {  	s0 =	sand.u32 $0x1, s1  }
0x8c: {  	s14 =	sshll.u32 s0, $0xA;
	s2 =	sadd.s32 s3, s2  }
0x8d: {  	s2 =	sadd.s32 s2, s14  }
0x8e: {  	[smem:$0x3FC5] =	sst s2  }
0x8f: {  	_ = 	snop  }
0x90: {  	s2 =	sld [smem:$0x3FD0];
	_ =	sdelay $0x2  }
0x91: {  	s15 =	simm.s32 $0xA;
	s4 =	simm.s32 $0x10  }
0x92: {  	[smem:s4], [sflag:s15] =	dma.local [hbm:s2], $0x1  }
0x93: {  	_ =	swait.eq [sflag:s15], $0x1  }
0x94: {  	[sflag:s15] =	ssyncset.done $0x0  }
0x95: {  	s16 =	sld [smem:$0x10];
	[sflag:s15] =	ssyncadd.s32 $0xFFFFFFFF  }
0x96: {  	s17 =	sld [smem:$0x11];
	(tm) =	ssettm $0x1  }
0x97: {  	s18 =	sld [smem:$0x3FFB];
	_ =	sdelay $0x3  }
0x98: {  	_ =	strace s18  }
0x99: {  	s4 =	sld [smem:$0x3FFC];
	_ =	sdelay $0x3  }
0x9a: {  	_ =	strace s4  }
0x9b: {  	s4 =	sld [smem:$0x3FFD];
	_ =	sdelay $0x3  }
0x9c: {  	_ =	strace s4  }
0x9d: {  	_ =	strace $0x8FFFFFFF  }
0x9e: {  	s19 =	sld [smem:$0x3FDB];
	_ =	sdelay $0x1  }
0x9f: {  	s5 =	simm.s32 $_scs_section_size  }
0xa0: {  	s6 =	simm.s32 $_size__tile_overlayer_lowered;
	s7 =	simm.s32 $_tile_overlayer_lowered  }
0xa1: {  	s22 =	simm.s32 $0x1BFF;
	s21 =	sshll.u32 s7, $0x1;
	s4 =	sadd.s32 s5, s19  }
0xa2: {  	s8 =	simm.s32 $0x0;
	s20 =	sshll.u32 s6, $0x1;
	s6 =	sadd.s32 s21, s4  }
0xa3: {  	[timem:s8], [sflag:s22] =	dma.local [hbm:s6], s20  }
0xa4: {  	_ =	swait.ge [sflag:s22], s20  }
0xa5: {  	s5 =	ssub.s32 $0x0, s20;
	[sflag:s22] =	ssyncset.done $0x0  }
0xa6: {  	[sflag:s22] =	ssyncadd.s32 s5;
	_ =	sdelay $0x1  }
0xa7: {  	s23 =	simm.s32 $0x1B8B  }
0xa8: {  	_ =	swait.ge [sflag:s23], $0x1  }
0xa9: {  	[sflag:s23] =	ssyncset.done $0x0  }
0xaa: {  	s25 =	simm.s32 $0x1B8E;
	s24 =	sld [smem:$0x3FFE];
	[sflag:s23] =	ssyncadd.s32 $0xFFFFFFFF  }
0xab: {  	s26 =	simm.s32 $execute0_lowered;
	[smem:$0x3FD2] =	sst s25  }
0xac: {  	s6 =	sshll.u32 s26, $0x1;
	_ =	strace $0x80000046;
	[dreg:$0x1] =	wrdreg $0xFFFFFFFF  }
0xad: {  	s28 =	simm.s32 $_size_execute0_lowered;
	s4 =	sadd.s32 s4, s6;
	[dreg:$0x0] =	wrdreg $0x0  }
0xae: {  	s6 =	sshll.u32 s28, $0x1;
	[dreg:$0x2] =	wrdreg s4  }
0xaf: {  	[dreg:$0x3] =	wrdreg s6  }
0xb0: {  	[dreg:$0x4] =	wrdreg $0xC0  }
0xb1: {  	_ =	task [dreg:s8], $0x5FFFF  }
0xb2: {  	[dreg:$0x1] =	wrdreg $0xFFFFFFFF  }
0xb3: {  	[dreg:$0x0] =	wrdreg $0x60  }
0xb4: {  	[dreg:$0x2] =	wrdreg s24  }
0xb5: {  	[dreg:$0x3] =	wrdreg s17  }
0xb6: {  	[dreg:$0x4] =	wrdreg s16  }
0xb7: {  	[dreg:$0x5] =	wrdreg $0x9  }
0xb8: {  	_ =	task.clear_ibuf [dreg:s8], $0x6FFFF;
	_ =	strace $0x90000046  }
0xb9: {  	s29 =	simm.s32 $0x9;
	_ =	strace $0x80000048  }
0xba: {  	_ =	swait.ge [sflag:s29], $0x1  }
0xbb: {  	[sflag:s29] =	ssyncadd.s32 $0xFFFFFFFF  }
0xbc: {  	_ =	strace $0x90000048  }
0xbd: {  	_ =	sfence  }
0xbe: {  	s30 =	sld [smem:$0x0];
	_ =	sdelay $0x2  }
0xbf: {  	s31 =	sshll.u32 s1, $0xD;
	s1 =	sshrl.u32 s1, $0x2  }
0xc0: {  	s3 =	sand.u32 $0x4000, s31;
	s1 =	sadd.s32 s1, s30  }
0xc1: {  	s0 =	sor.u32 s3, s0;
	s1 =	sshll.u32 s1, $0x11  }
0xc2: {  	s0 =	sor.u32 s1, s0  }
0xc3: {  	s0 =	sadd.s32 $0x8F2B, s0  }
0xc4: {  	[sflag:s0] =	ssyncadd.remote.s32 $0x1  }
0xc5: {  	_ =	sfence.sel $0xFFFF  }
0xc6: {  	[dreg:$0x0] =	wrdreg $0xFFFFFFFF;
	(pc) =	sbr.abs _section_cstart, $3  }
0xc7: {  	[dreg:$0x1] =	wrdreg $0xFFFFFFFF  }
0xc8: {  	_ =	task.clear_ibuf [dreg:s8], $0x2FFFF;
	_ =	strace $0x9FFFFFFF  }
0xc9: {  	(tm) =	ssettm $0x7FFFFFFF  }
tec
execute0_lowered:
.L_overlay_start_1:
0x0: {  	(tag) =	ssettag $0x1  }
0x1: {  	s5 =	rddreg [dreg:$0x0]  }
0x2: {  	s2 =	rddreg [dreg:$0x1];
	s1 =	srdreg.scid  }
0x3: {  	s0 =	stileid.u32;
	s3 =	rddreg [dreg:$0x2];
	s4 =	simm.s32 $0x0  }
0x4: {  	s12 =	simm.s32 $0x4F80;
	s13 =	simm.s32 $0x5F00;
	s14 =	simm.s32 $0x6100  }
0x5: {  	s15 =	simm.s32 $0x0;
	s6 =	sand.u32 $0x1, s1;
	s1 =	rddreg [dreg:$0x3]  }
0x6: {  	v0 =	vimm.s32 $0x0;
	s7 =	sshll.u32 s0, $0x1;
	[smem:$0x7FF] =	sst s4;
	s9 =	smul.u32 $0x3E, s0  }
0x7: {  	v1 =	vimm.s32 $0x1;
	v2 =	vimm.s32 $0x2;
	v3 =	vimm.s32 $0x3;
	s7 =	sor.u32 s6, s7;
	s8 =	ssub.s32 $0x2, s6;
	s11 =	smul.u32 $0x1F, s6  }
0x8: {  	v4 =	vimm.s32 $0x4;
	v5 =	vimm.s32 $0x5;
	v6 =	vimm.s32 $0x6;
	_ =	strace $0x80000047;
	s7 =	smul.u32 $0x3E, s7;
	s10 =	sshrl.u32 s8, $0x1  }
0x9: {  	v7 =	vimm.s32 $0x7;
	v8 =	vimm.s32 $0x8;
	v9 =	vimm.s32 $0x9;
	s8 =	ssub.s32 s8, s10;
	s9 =	sadd.s32 s11, s9;
	s10 =	simm.s32 $0x1  }
0xa: {  	v10 =	vimm.s32 $0xA;
	v11 =	vimm.s32 $0xB;
	v12 =	vimm.s32 $0xC;
	s11 =	simm.s32 $0x4000;
	s7 =	sadd.s32 s7, s5;
	s5 =	sadd.s32 $0xE00, s5  }
0xb: {  	v13 =	vimm.s32 $0xD;
	v14 =	vimm.s32 $0xE;
	v15 =	vimm.s32 $0xF;
	s8 =	smax.u32 s8, $0x1;
	s6 =	sadd.s32 $0x1600, s7;
	s7 =	sadd.s32 $0x1E00, s7  }
.LBB2_1:
0xc: {  	[tilespmem:s4], [sflag:$0x1] =	stream.linear.gather [hbm4b:s5+s4], $0x4000, $0x38;
	[tilespmem:$0x6300] =	vst v63  }
0xd: {  	_ =	swait.ge [sflag:s10], $0x4000  }
0xe: {  	[sflag:s10] =	ssyncset.done $0x0  }
0xf: {  	[sflag:s10] =	ssyncadd.s32 $0xFFFFC000  }
0x10: {  	[tilespmem:s11], [sflag:$0x1] =	stream.linear.gather [hbm4b:s2+s4], $0xF80, $0x38;
	[tilespmem:$0x6300] =	vst v63  }
0x11: {  	_ =	swait.ge [sflag:s10], $0xF80  }
0x12: {  	[sflag:s10] =	ssyncset.done $0x0  }
0x13: {  	[sflag:s10] =	ssyncadd.s32 $0xFFFFF080  }
0x14: {  	[tilespmem:s12], [sflag:$0x1] =	stream.linear.gather [hbm4b:s3+s4], $0xF80, $0x38;
	[tilespmem:$0x6300] =	vst v63  }
0x15: {  	_ =	swait.ge [sflag:s10], $0xF80  }
0x16: {  	[sflag:s10] =	ssyncset.done $0x0  }
0x17: {  	s16 =	smov.u32 s9;
	s17 =	simm.s32 $0x0;
	[sflag:s10] =	ssyncadd.s32 $0xFFFFF080  }
.LBB2_2:
0x18: {  	p0 =	slt.s32 s16, $0x3C7;
	s18 =	smov.u32 s16  }
0x19: {  	s18 =	simm.s32 @!p0 $0x3C7  }
0x1a: {  	s19 =	sshrl.u32 s18, $0x1  }
0x1b: {  	s19 =	smulhi.u32 $0x43B3D5B, s19;
	_ =	sdelay $0x1  }
0x1c: {  	s20 =	sshrl.u32 s19, $0x1  }
0x1d: {  	s20 =	smul.u32 $0xF2, s20;
	_ =	sdelay $0x1  }
0x1e: {  	s21 =	simm.s32 $0x1;
	s18 =	ssub.s32 s18, s20  }
0x1f: {  	s20 =	simm.s32 $0x1;
	p0 =	sgt.u32 s18, $0x63;
	p1 =	sgt.u32 s18, $0xB4  }
0x20: {  	s20 =	simm.s32 @!p0 $0x0;
	s21 =	simm.s32 @!p1 $0x0  }
0x21: {  	p0 =	sgt.u32 s18, $0xD8;
	s20 =	sadd.s32 s21, s20;
	s21 =	simm.s32 $0x1  }
0x22: {  	s22 =	simm.s32 $0x1;
	s21 =	simm.s32 @!p0 $0x0;
	p0 =	sgt.u32 s18, $0xE8  }
0x23: {  	s20 =	sadd.s32 s21, s20;
	s22 =	simm.s32 @!p0 $0x0  }
0x24: {  	s19 =	sshll.u32 s19, $0xB;
	s22 =	sadd.s32 s22, s20  }
0x25: {  	s26 =	sand.u32 $0x3FFFF000, s19;
	s28 =	sshll.u32 s22, $0x9  }
0x26: {  	s29 =	sadd.s32 s28, s26  }
0x27: {  	v20 =	vld [tilespmem:s29+$0x0]  }
0x28: {  	v22 =	vld [tilespmem:s29+$0x100]  }
0x29: {  	s30 =	sshll.u32 s22, $0x7;
	v18 =	vld [tilespmem:s29+$0x180]  }
0x2a: {  	s19 =	sor.u32 s30, s26;
	v19 =	vld [tilespmem:s29+$0x80]  }
0x2b: {  	v21 =	vld [tilespmem:s19+$0xA00];
	_ =	sdelay $0x2  }
0x2c: {  	v23 =	vperm.xlane v20, v0;
	v24 =	vperm.xlane v22, v0  }
0x2d: {  	v25 =	vperm.xlane v18, v0;
	v26 =	vperm.xlane v19, v0  }
0x2e: {  	v53 =	vperm.xlane v21, v0;
	v54 =	vperm.xlane v20, v1  }
0x2f: {  	v55 =	vperm.xlane v22, v1;
	v28 =	vperm.xlane v18, v1  }
0x30: {  	v29 =	vperm.xlane v19, v1;
	v57 =	vperm.xlane v21, v1  }
0x31: {  	v59 =	vperm.xlane v20, v2;
	v60 =	vperm.xlane v22, v2  }
0x32: {  	v31 =	vperm.xlane v18, v2;
	v32 =	vperm.xlane v19, v2  }
0x33: {  	s25 =	sshll.u32 s18, $0x4;
	v61 =	vperm.xlane v21, v2;
	v36 =	vperm.xlane v20, v3  }
0x34: {  	v17 =	vld [tilespmem:s25+$0x4F80];
	s18 =	sor.u32 $0x4000, s25;
	v37 =	vperm.xlane v22, v3;
	v39 =	vperm.xlane v18, v3  }
0x35: {  	v16 =	vld [tilespmem:s18+$0x0];
	v33 =	vperm.xlane v19, v3;
	v41 =	vperm.xlane v21, v3  }
0x36: {  	v43 =	vperm.xlane v20, v4;
	v44 =	vperm.xlane v22, v4  }
0x37: {  	v46 =	vperm.xlane v18, v4;
	v47 =	vperm.xlane v19, v4  }
0x38: {  	v48 =	vperm.xlane v21, v4;
	v51 =	vperm.xlane v20, v5  }
0x39: {  	v52 =	vperm.xlane v22, v5;
	v35 =	vperm.xlane v21, v13  }
0x3a: {  	vm0 =	vge.f32 v16, v24;
	vm1 =	vge.f32 v17, v23;
	vm2 =	vle.f32 v16, v25  }
0x3b: {  	vm12 =	vle.f32 v17, v26;
	vm14 =	vge.f32 v16, v55;
	vm15 =	vge.f32 v17, v54  }
0x3c: {  	vm3 =	vle.f32 v16, v28;
	vm5 =	vle.f32 v17, v29;
	vm7 =	vge.f32 v16, v60  }
0x3d: {  	vm8 =	vge.f32 v17, v59;
	vm10 =	vle.f32 v16, v31;
	v54 =	vperm.xlane v18, v5  }
0x3e: {  	v23 =	vld [tilespmem:s26+$0xC80];
	vm11 =	vle.f32 v17, v32;
	v55 =	vperm.xlane v19, v5;
	v59 =	vperm.xlane v20, v6  }
0x3f: {  	v60 =	vperm.xlane v22, v6;
	vm0 =	vmand vm0, vm1;
	vm1 =	vmand vm14, vm15  }
0x40: {  	vm14 =	vge.f32 v16, v37;
	vm15 =	vge.f32 v17, v36;
	vm1 =	vmand vm1, vm3  }
0x41: {  	v36 =	vperm.xlane v21, v6;
	vm0 =	vmand vm0, vm2;
	vm1 =	vmand vm5, vm1  }
0x42: {  	vm0 =	vmand vm12, vm0;
	v26 =	vnsel vm1, $0x7F800000, v57;
	v57 =	vperm.xlane v21, v5  }
0x43: {  	v24 =	vnsel vm0, $0x7F800000, v53;
	v27 =	vperm.xlane v23, v0;
	v30 =	vperm.xlane v23, v1  }
0x44: {  	vm0 =	vlt.f32 v24, $+Inf;
	v38 =	vperm.xlane v23, v2;
	v45 =	vperm.xlane v23, v3  }
0x45: {  	vm13 =	vgt.f32 v24, $+Inf;
	v53 =	vperm.xlane v23, v4;
	v56 =	vtrunc.f32 v27  }
0x46: {  	vm6 =	vlt.f32 v26, $+Inf;
	v62 =	vtrunc.f32 v30;
	v40 =	vtrunc.f32 v38  }
0x47: {  	vm1 =	vgt.f32 v26, $+Inf;
	v49 =	vtrunc.f32 v45;
	v45 =	vperm.xlane v21, v7  }
0x48: {  	vm0 =	vmor vm13, vm0;
	v25 =	vcvt.f32.s32 v56;
	v63 =	vcvt.f32.s32 v62  }
0x49: {  	vm0 =	vmneg vm0;
	v29 =	vcvt.f32.s32 v40;
	v50 =	vcvt.f32.s32 v49  }
0x4a: {  	v24 =	vsel vm0, $0x7F800000, v24;
	v56 =	vtrunc.f32 v53;
	v62 =	vperm.xlane v18, v6  }
0x4b: {  	v58 =	vsel vm0, $0xFFFFFFFF, v0;
	v40 =	vperm.xlane v22, v7;
	v49 =	vperm.xlane v23, v7  }
0x4c: {  	vm9 =	vle.f32 v26, v24;
	v25 =	vsel vm0, $0x0, v25;
	vm0 =	vmor vm1, vm6  }
0x4d: {  	vm1 =	vmand vm7, vm8;
	vm6 =	vle.f32 v16, v39;
	vm7 =	vle.f32 v17, v33  }
0x4e: {  	vm5 =	vle.f32 v16, v62;
	v39 =	vperm.xlane v20, v7;
	v53 =	vtrunc.f32 v49  }
0x4f: {  	v49 =	vperm.xlane v21, v11;
	vm1 =	vmand vm1, vm10;
	vm0 =	vmand vm9, vm0  }
0x50: {  	vm10 =	vge.f32 v16, v44;
	vm1 =	vmand vm11, vm1;
	v24 =	vsel vm0, v26, v24  }
0x51: {  	v27 =	vsel vm0, $0x1, v58;
	v25 =	vsel vm0, v63, v25;
	vm11 =	vge.f32 v17, v43  }
0x52: {  	v63 =	vperm.xlane v19, v6;
	v43 =	vperm.xlane v19, v7;
	v28 =	vnsel vm1, $0x7F800000, v61  }
0x53: {  	v61 =	vperm.xlane v23, v5;
	vm12 =	vlt.f32 v28, $+Inf;
	vm13 =	vgt.f32 v28, $+Inf  }
0x54: {  	vm1 =	vle.f32 v28, v24;
	vm2 =	vmor vm13, vm12;
	vm13 =	vle.f32 v16, v46  }
0x55: {  	v37 =	vtrunc.f32 v61;
	v61 =	vperm.xlane v21, v9;
	vm1 =	vmand vm1, vm2  }
0x56: {  	vm2 =	vmand vm14, vm15;
	vm14 =	vle.f32 v17, v47;
	v38 =	vcvt.f32.s32 v37  }
0x57: {  	v47 =	vperm.xlane v20, v8;
	v37 =	vperm.xlane v23, v9;
	vm2 =	vmand vm2, vm6  }
0x58: {  	v24 =	vsel vm1, v28, v24;
	v27 =	vsel vm1, $0x2, v27;
	v25 =	vsel vm1, v29, v25  }
0x59: {  	vm1 =	vmand vm10, vm11;
	vm10 =	vle.f32 v17, v55;
	v29 =	vcvt.f32.s32 v56  }
0x5a: {  	v55 =	vperm.xlane v20, v9;
	v56 =	vperm.xlane v22, v9;
	vm2 =	vmand vm7, vm2  }
0x5b: {  	vm1 =	vmand vm1, vm13;
	vm7 =	vge.f32 v16, v52;
	vm13 =	vge.f32 v16, v60  }
0x5c: {  	v52 =	vperm.xlane v21, v8;
	v42 =	vnsel vm2, $0x7F800000, v41;
	vm1 =	vmand vm14, vm1  }
0x5d: {  	vm14 =	vge.f32 v17, v59;
	v41 =	vperm.xlane v23, v6;
	v59 =	vperm.xlane v19, v9  }
0x5e: {  	vm8 =	vlt.f32 v42, $+Inf;
	vm9 =	vgt.f32 v42, $+Inf;
	vm12 =	vle.f32 v42, v24  }
0x5f: {  	v28 =	vnsel vm1, $0x7F800000, v48;
	v48 =	vperm.xlane v22, v8;
	vm0 =	vmor vm9, vm8  }
0x60: {  	vm15 =	vlt.f32 v28, $+Inf;
	vm8 =	vge.f32 v17, v51;
	v44 =	vtrunc.f32 v41  }
0x61: {  	vm9 =	vle.f32 v16, v54;
	v51 =	vperm.xlane v19, v8;
	v54 =	vcvt.f32.s32 v53  }
0x62: {  	vm6 =	vgt.f32 v28, $+Inf;
	v41 =	vtrunc.f32 v37;
	v53 =	vperm.xlane v23, v11  }
0x63: {  	v37 =	vperm.xlane v20, v14;
	vm0 =	vmand vm12, vm0;
	vm2 =	vmor vm6, vm15  }
0x64: {  	vm6 =	vle.f32 v17, v63;
	v63 =	vperm.xlane v20, v10;
	v24 =	vsel vm0, v42, v24  }
0x65: {  	v27 =	vsel vm0, $0x3, v27;
	v25 =	vsel vm0, v50, v25;
	vm1 =	vle.f32 v28, v24  }
0x66: {  	v42 =	vperm.xlane v18, v7;
	vm1 =	vmand vm1, vm2;
	vm2 =	vmand vm7, vm8  }
0x67: {  	v50 =	vperm.xlane v18, v8;
	vm2 =	vmand vm2, vm9;
	v24 =	vsel vm1, v28, v24  }
0x68: {  	v27 =	vsel vm1, $0x4, v27;
	v25 =	vsel vm1, v29, v25;
	vm1 =	vmand vm13, vm14  }
0x69: {  	vm9 =	vge.f32 v16, v40;
	v29 =	vcvt.f32.s32 v44;
	v40 =	vperm.xlane v21, v10  }
0x6a: {  	v44 =	vperm.xlane v22, v11;
	vm2 =	vmand vm10, vm2;
	vm1 =	vmand vm1, vm5  }
0x6b: {  	vm10 =	vge.f32 v17, v39;
	v39 =	vperm.xlane v19, v10;
	v58 =	vnsel vm2, $0x7F800000, v57  }
0x6c: {  	vm1 =	vmand vm6, vm1;
	vm6 =	vge.f32 v17, v47;
	v57 =	vperm.xlane v23, v8  }
0x6d: {  	v47 =	vperm.xlane v19, v11;
	vm11 =	vlt.f32 v58, $+Inf;
	vm12 =	vgt.f32 v58, $+Inf  }
0x6e: {  	vm15 =	vle.f32 v58, v24;
	v28 =	vnsel vm1, $0x7F800000, v36;
	v36 =	vperm.xlane v22, v10  }
0x6f: {  	vm0 =	vmor vm12, vm11;
	vm7 =	vlt.f32 v28, $+Inf;
	vm8 =	vgt.f32 v28, $+Inf  }
0x70: {  	vm11 =	vle.f32 v16, v42;
	v60 =	vtrunc.f32 v57;
	v42 =	vcvt.f32.s32 v41  }
0x71: {  	vm12 =	vle.f32 v17, v43;
	v43 =	vperm.xlane v20, v11;
	v57 =	vtrunc.f32 v53  }
0x72: {  	v41 =	vperm.xlane v19, v14;
	vm0 =	vmand vm15, vm0;
	vm2 =	vmor vm8, vm7  }
0x73: {  	vm15 =	vge.f32 v16, v48;
	vm8 =	vle.f32 v16, v50;
	v24 =	vsel vm0, v58, v24  }
0x74: {  	v27 =	vsel vm0, $0x5, v27;
	v25 =	vsel vm0, v38, v25;
	vm1 =	vle.f32 v28, v24  }
0x75: {  	v58 =	vperm.xlane v18, v9;
	v38 =	vperm.xlane v18, v10;
	vm1 =	vmand vm1, vm2  }
0x76: {  	vm2 =	vmand vm9, vm10;
	vm9 =	vle.f32 v17, v51;
	v51 =	vperm.xlane v20, v12  }
0x77: {  	vm2 =	vmand vm2, vm11;
	v24 =	vsel vm1, v28, v24;
	v27 =	vsel vm1, $0x6, v27  }
0x78: {  	v25 =	vsel vm1, v29, v25;
	vm1 =	vmand vm15, vm6;
	v29 =	vcvt.f32.s32 v60  }
0x79: {  	vm15 =	vle.f32 v17, v59;
	v59 =	vperm.xlane v20, v13;
	v60 =	vperm.xlane v22, v13  }
0x7a: {  	v20 =	vperm.xlane v20, v15;
	vm2 =	vmand vm12, vm2;
	vm1 =	vmand vm1, vm8  }
0x7b: {  	vm12 =	vge.f32 v16, v56;
	vm8 =	vge.f32 v17, v63;
	v56 =	vperm.xlane v21, v12  }
0x7c: {  	v63 =	vperm.xlane v19, v13;
	v46 =	vnsel vm2, $0x7F800000, v45;
	vm1 =	vmand vm9, vm1  }
0x7d: {  	v45 =	vperm.xlane v23, v10;
	vm13 =	vlt.f32 v46, $+Inf;
	vm14 =	vgt.f32 v46, $+Inf  }
0x7e: {  	vm7 =	vle.f32 v46, v24;
	v28 =	vnsel vm1, $0x7F800000, v52;
	v52 =	vperm.xlane v22, v12  }
0x7f: {  	vm0 =	vmor vm14, vm13;
	vm10 =	vlt.f32 v28, $+Inf;
	vm11 =	vgt.f32 v28, $+Inf  }
0x80: {  	vm13 =	vge.f32 v17, v55;
	v48 =	vtrunc.f32 v45;
	v55 =	vperm.xlane v19, v12  }
0x81: {  	vm14 =	vle.f32 v16, v58;
	v58 =	vcvt.f32.s32 v57;
	v45 =	vperm.xlane v23, v14  }
0x82: {  	vm0 =	vmand vm7, vm0;
	vm2 =	vmor vm11, vm10;
	vm7 =	vge.f32 v16, v36  }
0x83: {  	vm10 =	vle.f32 v16, v38;
	vm11 =	vle.f32 v17, v39;
	v38 =	vperm.xlane v22, v14  }
0x84: {  	v39 =	vperm.xlane v23, v13;
	v22 =	vperm.xlane v22, v15;
	v24 =	vsel vm0, v46, v24  }
0x85: {  	v27 =	vsel vm0, $0x7, v27;
	v25 =	vsel vm0, v54, v25;
	vm1 =	vle.f32 v28, v24  }
0x86: {  	v46 =	vperm.xlane v18, v11;
	vm1 =	vmand vm1, vm2;
	vm2 =	vmand vm12, vm13  }
0x87: {  	v54 =	vperm.xlane v18, v12;
	vm2 =	vmand vm2, vm14;
	v24 =	vsel vm1, v28, v24  }
0x88: {  	v27 =	vsel vm1, $0x8, v27;
	v25 =	vsel vm1, v29, v25;
	vm1 =	vmand vm7, vm8  }
0x89: {  	vm14 =	vge.f32 v16, v44;
	vm7 =	vle.f32 v17, v47;
	v29 =	vcvt.f32.s32 v48  }
0x8a: {  	v47 =	vperm.xlane v19, v15;
	v48 =	vtrunc.f32 v45;
	vm2 =	vmand vm15, vm2  }
0x8b: {  	vm1 =	vmand vm1, vm10;
	vm15 =	vge.f32 v17, v43;
	vm10 =	vge.f32 v16, v52  }
0x8c: {  	v43 =	vtrunc.f32 v39;
	v62 =	vnsel vm2, $0x7F800000, v61;
	vm1 =	vmand vm11, vm1  }
0x8d: {  	v19 =	vld [tilespmem:s29+$0x110];
	vm11 =	vge.f32 v17, v51;
	v61 =	vperm.xlane v23, v12;
	v44 =	vcvt.f32.s32 v43  }
0x8e: {  	vm5 =	vlt.f32 v62, $+Inf;
	vm6 =	vgt.f32 v62, $+Inf;
	vm9 =	vle.f32 v62, v24  }
0x8f: {  	v28 =	vnsel vm1, $0x7F800000, v40;
	v40 =	vperm.xlane v18, v14;
	vm0 =	vmor vm6, vm5  }
0x90: {  	vm12 =	vlt.f32 v28, $+Inf;
	vm13 =	vgt.f32 v28, $+Inf;
	vm6 =	vle.f32 v16, v46  }
0x91: {  	v34 =	vtrunc.f32 v61;
	v46 =	vperm.xlane v18, v15;
	vm0 =	vmand vm9, vm0  }
0x92: {  	vm2 =	vmor vm13, vm12;
	vm13 =	vle.f32 v16, v54;
	v53 =	vperm.xlane v19, v0  }
0x93: {  	vm5 =	vle.f32 v16, v40;
	v54 =	vperm.xlane v23, v15;
	v61 =	vperm.xlane v19, v1  }
0x94: {  	v24 =	vsel vm0, v62, v24;
	v27 =	vsel vm0, $0x9, v27;
	v25 =	vsel vm0, v42, v25  }
0x95: {  	v62 =	vperm.xlane v18, v13;
	v42 =	vperm.xlane v21, v14;
	vm1 =	vle.f32 v28, v24  }
0x96: {  	v18 =	vld [tilespmem:s29+$0x10];
	vm1 =	vmand vm1, vm2;
	vm2 =	vmand vm14, vm15;
	vm14 =	vle.f32 v17, v55  }
0x97: {  	vm2 =	vmand vm2, vm6;
	v24 =	vsel vm1, v28, v24;
	v27 =	vsel vm1, $0xA, v27  }
0x98: {  	v25 =	vsel vm1, v29, v25;
	vm1 =	vmand vm10, vm11;
	vm10 =	vle.f32 v17, v63  }
0x99: {  	v29 =	vcvt.f32.s32 v34;
	vm2 =	vmand vm7, vm2;
	vm1 =	vmand vm1, vm13  }
0x9a: {  	vm7 =	vge.f32 v16, v60;
	vm13 =	vge.f32 v16, v38;
	v50 =	vnsel vm2, $0x7F800000, v49  }
0x9b: {  	v23 =	vld [tilespmem:s26+$0xC90];
	vm1 =	vmand vm14, vm1;
	v49 =	vperm.xlane v21, v15;
	v52 =	vperm.xlane v18, v0  }
0x9c: {  	vm14 =	vge.f32 v17, v37;
	v60 =	vperm.xlane v18, v1;
	v40 =	vperm.xlane v18, v2  }
0x9d: {  	vm8 =	vlt.f32 v50, $+Inf;
	vm9 =	vgt.f32 v50, $+Inf;
	v28 =	vnsel vm1, $0x7F800000, v56  }
0x9e: {  	vm12 =	vle.f32 v50, v24;
	vm0 =	vmor vm9, vm8;
	vm15 =	vlt.f32 v28, $+Inf  }
0x9f: {  	v21 =	vld [tilespmem:s29+$0x90];
	vm6 =	vgt.f32 v28, $+Inf;
	vm8 =	vge.f32 v17, v59;
	vm9 =	vle.f32 v16, v62  }
0xa0: {  	v62 =	vperm.xlane v23, v0;
	vm0 =	vmand vm12, vm0;
	vm2 =	vmor vm6, vm15  }
0xa1: {  	vm6 =	vle.f32 v17, v41;
	v41 =	vperm.xlane v19, v2;
	v24 =	vsel vm0, v50, v24  }
0xa2: {  	v25 =	vsel vm0, v58, v25;
	v50 =	vcvt.f32.s32 v48;
	v58 =	vtrunc.f32 v54  }
0xa3: {  	v27 =	vsel vm0, $0xB, v27;
	v37 =	vtrunc.f32 v62;
	v48 =	vperm.xlane v18, v3  }
0xa4: {  	vm1 =	vle.f32 v28, v24;
	v56 =	vperm.xlane v21, v0;
	v59 =	vcvt.f32.s32 v58  }
0xa5: {  	v58 =	vperm.xlane v23, v3;
	vm1 =	vmand vm1, vm2;
	vm2 =	vmand vm7, vm8  }
0xa6: {  	vm2 =	vmand vm2, vm9;
	v24 =	vsel vm1, v28, v24;
	v27 =	vsel vm1, $0xC, v27  }
0xa7: {  	v25 =	vsel vm1, v29, v25;
	vm1 =	vmand vm13, vm14;
	v29 =	vcvt.f32.s32 v37  }
0xa8: {  	vm9 =	vge.f32 v16, v22;
	v62 =	vtrunc.f32 v58;
	v37 =	vperm.xlane v19, v5  }
0xa9: {  	v22 =	vld [tilespmem:s19+$0xA10];
	vm2 =	vmand vm10, vm2;
	vm1 =	vmand vm1, vm5;
	vm10 =	vge.f32 v17, v20  }
0xaa: {  	v36 =	vnsel vm2, $0x7F800000, v35;
	vm1 =	vmand vm6, vm1;
	vm6 =	vge.f32 v17, v52  }
0xab: {  	v52 =	vperm.xlane v21, v3;
	vm11 =	vlt.f32 v36, $+Inf;
	vm12 =	vgt.f32 v36, $+Inf  }
0xac: {  	vm15 =	vle.f32 v36, v24;
	v28 =	vnsel vm1, $0x7F800000, v42;
	v42 =	vperm.xlane v23, v1  }
0xad: {  	v20 =	vld [tilespmem:s29+$0x190];
	vm0 =	vmor vm12, vm11;
	vm7 =	vlt.f32 v28, $+Inf;
	vm8 =	vgt.f32 v28, $+Inf  }
0xae: {  	vm11 =	vle.f32 v16, v46;
	vm12 =	vle.f32 v17, v47;
	v57 =	vperm.xlane v22, v0  }
0xaf: {  	vm0 =	vmand vm15, vm0;
	v38 =	vperm.xlane v22, v1;
	v45 =	vperm.xlane v22, v2  }
0xb0: {  	vm2 =	vmor vm8, vm7;
	v46 =	vtrunc.f32 v42;
	v54 =	vperm.xlane v22, v3  }
0xb1: {  	vm15 =	vge.f32 v16, v53;
	v42 =	vperm.xlane v22, v5;
	v58 =	vperm.xlane v22, v7  }
0xb2: {  	v24 =	vsel vm0, v36, v24;
	v27 =	vsel vm0, $0xD, v27;
	v55 =	vperm.xlane v20, v0  }
0xb3: {  	v25 =	vsel vm0, v44, v25;
	v63 =	vperm.xlane v20, v1;
	v36 =	vperm.xlane v21, v1  }
0xb4: {  	v43 =	vperm.xlane v20, v2;
	v44 =	vperm.xlane v21, v2;
	vm1 =	vle.f32 v28, v24  }
0xb5: {  	v47 =	vcvt.f32.s32 v46;
	v46 =	vperm.xlane v23, v5;
	vm1 =	vmand vm1, vm2  }
0xb6: {  	vm2 =	vmand vm9, vm10;
	vm8 =	vle.f32 v16, v55;
	vm9 =	vle.f32 v17, v56  }
0xb7: {  	v56 =	vperm.xlane v18, v4;
	vm2 =	vmand vm2, vm11;
	v24 =	vsel vm1, v28, v24  }
0xb8: {  	v27 =	vsel vm1, $0xE, v27;
	v25 =	vsel vm1, v50, v25;
	vm1 =	vmand vm15, vm6  }
0xb9: {  	vm15 =	vle.f32 v17, v36;
	v50 =	vperm.xlane v23, v2;
	v36 =	vperm.xlane v18, v5  }
0xba: {  	vm2 =	vmand vm12, vm2;
	vm1 =	vmand vm1, vm8;
	vm12 =	vge.f32 v16, v61  }
0xbb: {  	vm8 =	vge.f32 v17, v40;
	v61 =	vperm.xlane v22, v4;
	v40 =	vperm.xlane v21, v5  }
0xbc: {  	v51 =	vnsel vm2, $0x7F800000, v49;
	v49 =	vperm.xlane v19, v3;
	v53 =	vtrunc.f32 v50  }
0xbd: {  	vm1 =	vmand vm9, vm1;
	v50 =	vtrunc.f32 v46;
	v46 =	vperm.xlane v22, v9  }
0xbe: {  	vm13 =	vlt.f32 v51, $+Inf;
	vm14 =	vgt.f32 v51, $+Inf;
	vm7 =	vle.f32 v51, v24  }
0xbf: {  	v28 =	vnsel vm1, $0x7F800000, v57;
	v57 =	vperm.xlane v19, v4;
	vm0 =	vmor vm14, vm13  }
0xc0: {  	vm10 =	vlt.f32 v28, $+Inf;
	vm11 =	vgt.f32 v28, $+Inf;
	vm13 =	vge.f32 v17, v60  }
0xc1: {  	vm14 =	vle.f32 v16, v63;
	v60 =	vperm.xlane v21, v4;
	v63 =	vcvt.f32.s32 v62  }
0xc2: {  	v62 =	vperm.xlane v23, v7;
	vm0 =	vmand vm7, vm0;
	vm2 =	vmor vm11, vm10  }
0xc3: {  	vm7 =	vge.f32 v16, v41;
	vm10 =	vle.f32 v16, v43;
	vm11 =	vle.f32 v17, v44  }
0xc4: {  	v44 =	vperm.xlane v18, v6;
	v24 =	vsel vm0, v51, v24;
	v27 =	vsel vm0, $0xF, v27  }
0xc5: {  	v25 =	vsel vm0, v59, v25;
	v51 =	vperm.xlane v20, v3;
	vm1 =	vle.f32 v28, v24  }
0xc6: {  	v59 =	vperm.xlane v20, v4;
	vm1 =	vmand vm1, vm2;
	vm2 =	vmand vm12, vm13  }
0xc7: {  	vm2 =	vmand vm2, vm14;
	v24 =	vsel vm1, v28, v24;
	v27 =	vsel vm1, $0x10, v27  }
0xc8: {  	v25 =	vsel vm1, v29, v25;
	vm1 =	vmand vm7, vm8;
	vm14 =	vge.f32 v16, v49  }
0xc9: {  	vm7 =	vle.f32 v17, v52;
	v29 =	vcvt.f32.s32 v53;
	v49 =	vperm.xlane v22, v6  }
0xca: {  	v52 =	vperm.xlane v18, v7;
	v53 =	vperm.xlane v19, v7;
	vm2 =	vmand vm15, vm2  }
0xcb: {  	vm1 =	vmand vm1, vm10;
	vm15 =	vge.f32 v17, v48;
	vm10 =	vge.f32 v16, v57  }
0xcc: {  	v48 =	vperm.xlane v21, v6;
	v39 =	vnsel vm2, $0x7F800000, v38;
	vm1 =	vmand vm11, vm1  }
0xcd: {  	vm11 =	vge.f32 v17, v56;
	v38 =	vperm.xlane v23, v4;
	v56 =	vperm.xlane v21, v7  }
0xce: {  	vm5 =	vlt.f32 v39, $+Inf;
	vm6 =	vgt.f32 v39, $+Inf;
	vm9 =	vle.f32 v39, v24  }
0xcf: {  	v28 =	vnsel vm1, $0x7F800000, v45;
	v45 =	vperm.xlane v19, v6;
	vm0 =	vmor vm6, vm5  }
0xd0: {  	vm12 =	vlt.f32 v28, $+Inf;
	vm13 =	vgt.f32 v28, $+Inf;
	v41 =	vtrunc.f32 v38  }
0xd1: {  	vm6 =	vle.f32 v16, v51;
	v51 =	vcvt.f32.s32 v50;
	v38 =	vtrunc.f32 v62  }
0xd2: {  	v50 =	vperm.xlane v23, v9;
	v62 =	vperm.xlane v22, v11;
	vm0 =	vmand vm9, vm0  }
0xd3: {  	vm2 =	vmor vm13, vm12;
	vm13 =	vle.f32 v16, v59;
	v24 =	vsel vm0, v39, v24  }
0xd4: {  	v25 =	vsel vm0, v47, v25;
	v47 =	vperm.xlane v20, v6;
	vm1 =	vle.f32 v28, v24  }
0xd5: {  	v27 =	vsel vm0, $0x11, v27;
	v39 =	vperm.xlane v20, v5;
	vm1 =	vmand vm1, vm2  }
0xd6: {  	vm2 =	vmand vm14, vm15;
	vm14 =	vle.f32 v17, v60;
	vm5 =	vle.f32 v16, v47  }
0xd7: {  	v60 =	vperm.xlane v18, v8;
	vm2 =	vmand vm2, vm6;
	v24 =	vsel vm1, v28, v24  }
0xd8: {  	v27 =	vsel vm1, $0x12, v27;
	v25 =	vsel vm1, v29, v25;
	vm1 =	vmand vm10, vm11  }
0xd9: {  	vm10 =	vle.f32 v17, v40;
	v29 =	vcvt.f32.s32 v41;
	v40 =	vperm.xlane v18, v9  }
0xda: {  	v41 =	vperm.xlane v19, v9;
	vm2 =	vmand vm7, vm2;
	vm1 =	vmand vm1, vm13  }
0xdb: {  	vm7 =	vge.f32 v16, v37;
	vm13 =	vge.f32 v16, v45;
	v37 =	vperm.xlane v22, v8  }
0xdc: {  	v55 =	vnsel vm2, $0x7F800000, v54;
	vm1 =	vmand vm14, vm1;
	vm14 =	vge.f32 v17, v44  }
0xdd: {  	v54 =	vperm.xlane v23, v6;
	v44 =	vperm.xlane v21, v9;
	vm8 =	vlt.f32 v55, $+Inf  }
0xde: {  	vm9 =	vgt.f32 v55, $+Inf;
	vm12 =	vle.f32 v55, v24;
	v28 =	vnsel vm1, $0x7F800000, v61  }
0xdf: {  	v61 =	vperm.xlane v19, v8;
	vm0 =	vmor vm9, vm8;
	vm15 =	vlt.f32 v28, $+Inf  }
0xe0: {  	vm8 =	vge.f32 v17, v36;
	v57 =	vtrunc.f32 v54;
	v36 =	vperm.xlane v21, v8  }
0xe1: {  	vm9 =	vle.f32 v16, v39;
	v39 =	vcvt.f32.s32 v38;
	v54 =	vtrunc.f32 v50  }
0xe2: {  	vm6 =	vgt.f32 v28, $+Inf;
	v38 =	vperm.xlane v23, v11;
	v50 =	vperm.xlane v22, v13  }
0xe3: {  	vm0 =	vmand vm12, vm0;
	vm2 =	vmor vm6, vm15;
	vm6 =	vle.f32 v17, v48  }
0xe4: {  	v48 =	vperm.xlane v18, v10;
	v24 =	vsel vm0, v55, v24;
	v27 =	vsel vm0, $0x13, v27  }
0xe5: {  	v25 =	vsel vm0, v63, v25;
	v55 =	vperm.xlane v20, v7;
	vm1 =	vle.f32 v28, v24  }
0xe6: {  	v63 =	vperm.xlane v20, v8;
	vm1 =	vmand vm1, vm2;
	vm2 =	vmand vm7, vm8  }
0xe7: {  	vm2 =	vmand vm2, vm9;
	v24 =	vsel vm1, v28, v24;
	v27 =	vsel vm1, $0x14, v27  }
0xe8: {  	v25 =	vsel vm1, v29, v25;
	vm1 =	vmand vm13, vm14;
	v29 =	vcvt.f32.s32 v57  }
0xe9: {  	vm9 =	vge.f32 v16, v53;
	v53 =	vperm.xlane v22, v10;
	v57 =	vperm.xlane v19, v11  }
0xea: {  	vm2 =	vmand vm10, vm2;
	vm1 =	vmand vm1, vm5;
	vm10 =	vge.f32 v17, v52  }
0xeb: {  	v52 =	vperm.xlane v21, v10;
	v43 =	vnsel vm2, $0x7F800000, v42;
	vm1 =	vmand vm6, vm1  }
0xec: {  	vm6 =	vge.f32 v17, v60;
	v42 =	vperm.xlane v23, v8;
	v60 =	vperm.xlane v21, v11  }
0xed: {  	vm11 =	vlt.f32 v43, $+Inf;
	vm12 =	vgt.f32 v43, $+Inf;
	vm15 =	vle.f32 v43, v24  }
0xee: {  	v28 =	vnsel vm1, $0x7F800000, v49;
	v49 =	vperm.xlane v19, v10;
	vm0 =	vmor vm12, vm11  }
0xef: {  	vm7 =	vlt.f32 v28, $+Inf;
	vm11 =	vle.f32 v16, v55;
	v45 =	vtrunc.f32 v42  }
0xf0: {  	vm12 =	vle.f32 v17, v56;
	v55 =	vcvt.f32.s32 v54;
	v56 =	vperm.xlane v18, v11  }
0xf1: {  	vm8 =	vgt.f32 v28, $+Inf;
	v42 =	vtrunc.f32 v38;
	v54 =	vperm.xlane v23, v13  }
0xf2: {  	vm0 =	vmand vm15, vm0;
	vm2 =	vmor vm8, vm7;
	vm15 =	vge.f32 v16, v61  }
0xf3: {  	vm8 =	vle.f32 v16, v63;
	v24 =	vsel vm0, v43, v24;
	v27 =	vsel vm0, $0x15, v27  }
0xf4: {  	v25 =	vsel vm0, v51, v25;
	v43 =	vperm.xlane v20, v9;
	vm1 =	vle.f32 v28, v24  }
0xf5: {  	v51 =	vperm.xlane v20, v10;
	vm1 =	vmand vm1, vm2;
	vm2 =	vmand vm9, vm10  }
0xf6: {  	vm9 =	vle.f32 v17, v36;
	v36 =	vperm.xlane v18, v12;
	vm2 =	vmand vm2, vm11  }
0xf7: {  	v24 =	vsel vm1, v28, v24;
	v27 =	vsel vm1, $0x16, v27;
	v25 =	vsel vm1, v29, v25  }
0xf8: {  	vm1 =	vmand vm15, vm6;
	vm15 =	vle.f32 v17, v44;
	v29 =	vcvt.f32.s32 v45  }
0xf9: {  	v44 =	vperm.xlane v18, v13;
	v45 =	vperm.xlane v19, v13;
	vm2 =	vmand vm12, vm2  }
0xfa: {  	vm1 =	vmand vm1, vm8;
	vm12 =	vge.f32 v16, v41;
	vm8 =	vge.f32 v17, v48  }
0xfb: {  	v41 =	vperm.xlane v22, v12;
	v48 =	vperm.xlane v21, v13;
	v59 =	vnsel vm2, $0x7F800000, v58  }
0xfc: {  	vm1 =	vmand vm9, vm1;
	v58 =	vperm.xlane v23, v10;
	vm13 =	vlt.f32 v59, $+Inf  }
0xfd: {  	vm14 =	vgt.f32 v59, $+Inf;
	vm7 =	vle.f32 v59, v24;
	v28 =	vnsel vm1, $0x7F800000, v37  }
0xfe: {  	v37 =	vperm.xlane v19, v12;
	vm0 =	vmor vm14, vm13;
	vm10 =	vlt.f32 v28, $+Inf  }
0xff: {  	vm11 =	vgt.f32 v28, $+Inf;
	vm13 =	vge.f32 v17, v40;
	v61 =	vtrunc.f32 v58  }
0x100: {  	vm14 =	vle.f32 v16, v43;
	v40 =	vperm.xlane v21, v12;
	v43 =	vcvt.f32.s32 v42  }
0x101: {  	v58 =	vtrunc.f32 v54;
	vm0 =	vmand vm7, vm0;
	vm2 =	vmor vm11, vm10  }
0x102: {  	vm7 =	vge.f32 v16, v49;
	vm10 =	vle.f32 v16, v51;
	vm11 =	vle.f32 v17, v52  }
0x103: {  	v52 =	vperm.xlane v18, v14;
	v18 =	vperm.xlane v18, v15;
	v24 =	vsel vm0, v59, v24  }
0x104: {  	v27 =	vsel vm0, $0x17, v27;
	v25 =	vsel vm0, v39, v25;
	vm1 =	vle.f32 v28, v24  }
0x105: {  	v59 =	vperm.xlane v20, v11;
	vm1 =	vmand vm1, vm2;
	vm2 =	vmand vm12, vm13  }
0x106: {  	v39 =	vperm.xlane v20, v12;
	vm2 =	vmand vm2, vm14;
	v24 =	vsel vm1, v28, v24  }
0x107: {  	v27 =	vsel vm1, $0x18, v27;
	v25 =	vsel vm1, v29, v25;
	vm1 =	vmand vm7, vm8  }
0x108: {  	vm14 =	vge.f32 v16, v57;
	v29 =	vcvt.f32.s32 v61;
	v57 =	vperm.xlane v22, v14  }
0x109: {  	vm7 =	vle.f32 v17, v60;
	v60 =	vperm.xlane v23, v14;
	v61 =	vperm.xlane v23, v15  }
0x10a: {  	vm2 =	vmand vm15, vm2;
	vm1 =	vmand vm1, vm10;
	vm15 =	vge.f32 v17, v56  }
0x10b: {  	vm10 =	vge.f32 v16, v37;
	v56 =	vperm.xlane v21, v14;
	v21 =	vperm.xlane v21, v15  }
0x10c: {  	v47 =	vnsel vm2, $0x7F800000, v46;
	vm1 =	vmand vm11, vm1;
	vm11 =	vge.f32 v17, v36  }
0x10d: {  	v46 =	vperm.xlane v23, v12;
	vm5 =	vlt.f32 v47, $+Inf;
	vm6 =	vgt.f32 v47, $+Inf  }
0x10e: {  	vm9 =	vle.f32 v47, v24;
	v28 =	vnsel vm1, $0x7F800000, v53;
	v53 =	vperm.xlane v19, v14  }
0x10f: {  	v19 =	vperm.xlane v19, v15;
	vm0 =	vmor vm6, vm5;
	vm12 =	vlt.f32 v28, $+Inf  }
0x110: {  	vm13 =	vgt.f32 v28, $+Inf;
	vm6 =	vle.f32 v16, v59;
	v49 =	vtrunc.f32 v46  }
0x111: {  	v59 =	vcvt.f32.s32 v58;
	vm0 =	vmand vm9, vm0;
	vm2 =	vmor vm13, vm12  }
0x112: {  	vm13 =	vle.f32 v16, v39;
	v24 =	vsel vm0, v47, v24;
	v27 =	vsel vm0, $0x19, v27  }
0x113: {  	v25 =	vsel vm0, v55, v25;
	v55 =	vperm.xlane v20, v14;
	vm1 =	vle.f32 v28, v24  }
0x114: {  	v47 =	vperm.xlane v20, v13;
	v20 =	vperm.xlane v20, v15;
	vm1 =	vmand vm1, vm2  }
0x115: {  	vm2 =	vmand vm14, vm15;
	vm14 =	vle.f32 v17, v40;
	vm5 =	vle.f32 v16, v55  }
0x116: {  	vm2 =	vmand vm2, vm6;
	v24 =	vsel vm1, v28, v24;
	v27 =	vsel vm1, $0x1A, v27  }
0x117: {  	v25 =	vsel vm1, v29, v25;
	vm1 =	vmand vm10, vm11;
	vm10 =	vle.f32 v17, v48  }
0x118: {  	v29 =	vcvt.f32.s32 v49;
	vm2 =	vmand vm7, vm2;
	vm1 =	vmand vm1, vm13  }
0x119: {  	vm7 =	vge.f32 v16, v45;
	vm13 =	vge.f32 v16, v53;
	v63 =	vnsel vm2, $0x7F800000, v62  }
0x11a: {  	vm1 =	vmand vm14, vm1;
	vm8 =	vlt.f32 v63, $+Inf;
	vm9 =	vgt.f32 v63, $+Inf  }
0x11b: {  	vm12 =	vle.f32 v63, v24;
	v28 =	vnsel vm1, $0x7F800000, v41;
	vm0 =	vmor vm9, vm8  }
0x11c: {  	vm14 =	vge.f32 v17, v52;
	vm15 =	vlt.f32 v28, $+Inf;
	vm0 =	vmand vm12, vm0  }
0x11d: {  	vm6 =	vgt.f32 v28, $+Inf;
	vm8 =	vge.f32 v17, v44;
	v24 =	vsel vm0, v63, v24  }
0x11e: {  	vm9 =	vle.f32 v16, v47;
	vm2 =	vmor vm6, vm15;
	vm1 =	vle.f32 v28, v24  }
0x11f: {  	vm6 =	vle.f32 v17, v56;
	vm1 =	vmand vm1, vm2;
	vm2 =	vmand vm7, vm8  }
0x120: {  	v27 =	vsel vm0, $0x1B, v27;
	v25 =	vsel vm0, v43, v25;
	vm2 =	vmand vm2, vm9  }
0x121: {  	v24 =	vsel vm1, v28, v24;
	v27 =	vsel vm1, $0x1C, v27;
	vm2 =	vmand vm10, vm2  }
0x122: {  	v25 =	vsel vm1, v29, v25;
	vm1 =	vmand vm13, vm14;
	v51 =	vnsel vm2, $0x7F800000, v50  }
0x123: {  	vm1 =	vmand vm1, vm5;
	vm11 =	vlt.f32 v51, $+Inf;
	vm12 =	vgt.f32 v51, $+Inf  }
0x124: {  	vm1 =	vmand vm6, vm1;
	vm15 =	vle.f32 v51, v24;
	vm0 =	vmor vm12, vm11  }
0x125: {  	vm9 =	vge.f32 v16, v19;
	v28 =	vnsel vm1, $0x7F800000, v57;
	vm0 =	vmand vm15, vm0  }
0x126: {  	vm7 =	vlt.f32 v28, $+Inf;
	vm8 =	vgt.f32 v28, $+Inf;
	v24 =	vsel vm0, v51, v24  }
0x127: {  	vm10 =	vge.f32 v17, v18;
	vm2 =	vmor vm8, vm7;
	vm1 =	vle.f32 v28, v24  }
0x128: {  	vm11 =	vle.f32 v16, v20;
	vm1 =	vmand vm1, vm2;
	vm2 =	vmand vm9, vm10  }
0x129: {  	v16 =	vperm.xlane v22, v15;
	vm12 =	vle.f32 v17, v21;
	vm2 =	vmand vm2, vm11  }
0x12a: {  	v18 =	vtrunc.f32 v61;
	v17 =	vtrunc.f32 v60;
	vm2 =	vmand vm12, vm2  }
0x12b: {  	v17 =	vcvt.f32.s32 v17;
	v25 =	vsel vm0, v59, v25;
	v16 =	vnsel vm2, $0x7F800000, v16  }
0x12c: {  	p0 =	sne.s32 s17, $0x780;
	v62 =	vsel vm1, v28, v24;
	vm2 =	vlt.f32 v16, $+Inf;
	vm13 =	vgt.f32 v16, $+Inf  }
.Ltmp0:
0x12d: {  	vm14 =	vle.f32 v16, v62;
	v16 =	vcvt.f32.s32 v18;
	vm2 =	vmor vm13, vm2;
	(pc) =	sbr.rel @p0 .LBB2_2-.Ltmp0, $4  }
0x12e: {  	v63 =	vsel vm0, $0x1D, v27;
	v17 =	vsel vm1, v17, v25;
	vm15 =	vmand vm14, vm2  }
0x12f: {  	s31 =	sshra.s32 s17, $0x2;
	v18 =	vsel vm1, $0x1E, v63;
	v16 =	vsel vm15, v16, v17  }
0x130: {  	v17 =	vsel vm15, $0x1F, v18;
	[tilespmem:s31+$0x5F00] =	vst v16  }
0x131: {  	s16 =	sadd.s32 $0x1, s16;
	s17 =	sadd.s32 $0x40, s17;
	[tilespmem:s31+$0x6100] =	vst v17  }
0x132: {  	[hbm4b:s6+s4] =	stream.linear.scatter [tilespmem:s13], [sflag:$0x1], $0x1F0, $0x38;
	[tilespmem:$0x6300] =	vst v63  }
0x133: {  	s15 =	sadd.s32 $0x1, s15;
	_ =	swait.ge [sflag:s10], $0x1F0  }
0x134: {  	p0 =	sne.s32 s15, s8;
	[sflag:s10] =	ssyncset.done $0x0  }
.Ltmp1:
0x135: {  	[sflag:s10] =	ssyncadd.s32 $0xFFFFFE10;
	(pc) =	sbr.rel @p0 .LBB2_1-.Ltmp1, $4  }
0x136: {  	[hbm4b:s7+s4] =	stream.linear.scatter [tilespmem:s14], [sflag:$0x1], $0x1F0, $0x38;
	[tilespmem:$0x6300] =	vst v63  }
0x137: {  	_ =	swait.ge [sflag:s10], $0x1F0  }
0x138: {  	[sflag:s10] =	ssyncset.done $0x0  }
0x139: {  	[sflag:s10] =	ssyncadd.s32 $0xFFFFFE10  }
0x13a: {  	_ =	sfence.sel $0x180000  }
0x13b: {  	[bflag:$0x0] =	sbarrier.arrive $0xFFFF  }
0x13c: {  	p0 =	sne.s32 s0, $0x0;
	_ =	strace $0x90000047  }
0x13d: {  	s0 =	sadd.s32 @!p0 $0x100000, s1;
	[bflag:$0x2] =	sbarrier.arrive $0xFFFF  }
0x13e: {  	[sflag:s0] =	ssyncadd.tile.s32 @!p0 $0x1;
	_ =	shalt  }
.Lfunc_end2:
_tile_overlayer_lowered:
.L_overlay_start_2:
0x13f: {  	(tag) =	ssettag $0x2  }
0x140: {  	s0 =	rddreg [dreg:$0x0];
	s2 =	stileid.u32  }
0x141: {  	s1 =	rddreg [dreg:$0x1];
	p0 =	sne.s32 s2, $0x0  }
0x142: {  	s3 =	rddreg [dreg:$0x2];
	[bflag:$0x3] =	sbarrier.arrive $0xFFFF;
	s2 =	simm.s32 @!p0 $0x1C01  }
0x143: {  	[timem:s3], [sflag:s2] =	dma.local @!p0 [hbm:s0], s1  }
0x144: {  	s0 =	simm.s32 @!p0 $0x1  }
0x145: {  	_ =	swait.ge @!p0 [sflag:s0], s1  }
0x146: {  	s1 =	ssub.s32 @!p0 $0x0, s1;
	[sflag:s0] =	ssyncset.done @!p0 $0x0  }
0x147: {  	[sflag:s0] =	ssyncadd.s32 @!p0 s1  }
0x148: {  	[bflag:$0x3] =	sbarrier.arrive $0xFFFF  }
0x149: {  	_ =	shalt  }

</sc_bundles>
